<compile_context>
chip_gen: v7x
topology: tpu7x:2x2x1
jax: 0.10.2.dev20260603
libtpu: 0.0.44.dev20260713+nightly
codegen_flags: <defaults>
</compile_context>

<pallas_src>
import jax
import jax.numpy as jnp
from jax import lax
from jax.experimental import pallas as pl
from jax.experimental.pallas import tpu as pltpu
from jax.experimental.pallas import tpu_sc as plsc

N = 2048
V = 32000
S = 512
L = 16
NW = 32
RPW = N // NW
BIG = 1 << 30


def _merge_argmax(va, pa, vb, pb):
    v = jnp.maximum(va, vb)
    p = jnp.where(va > vb, pa, jnp.where(vb > va, pb, jnp.minimum(pa, pb)))
    return v, p


def _sc_a_body(probs, attn, align, src, targ,
               dmax_out, didx_out, tgen_out, scop_out, mcop_out, oov_out,
               gp_out,
               pbuf0, pbuf1, attnv, alignv, srcv, gpv,
               targv, dmaxv, didxv, tgenv, scopv, mcopv, oovv_b, sem0, sem1):
    cc = lax.axis_index("c")
    ss = lax.axis_index("s")
    wid = ss * 2 + cc
    base = wid * RPW
    iota = lax.iota(jnp.int32, L)
    zf = jnp.zeros((L,), jnp.float32)
    neg = jnp.full((L,), jnp.float32(-3.0e38))
    zi = jnp.zeros((L,), jnp.int32)
    lane0 = iota == 0

    pltpu.sync_copy(targ.at[pl.ds(base, RPW)], targv)
    pltpu.async_copy(probs.at[base], pbuf0, sem0)

    def row_body(rl, carry):
        r = base + rl
        pltpu.sync_copy(attn.at[r], attnv)
        pltpu.sync_copy(align.at[r], alignv)
        pltpu.sync_copy(src.at[r], srcv)

        def cbody(k, ca):
            csum, cmax, cidx = ca
            cp = attnv[pl.ds(k * L, L)] * alignv[pl.ds(k * L, L)]
            m = cp > cmax
            return (csum + cp, jnp.maximum(cmax, cp),
                    jnp.where(m, jnp.full((L,), k), cidx))
        csum, cmax, cidx = lax.fori_loop(0, S // L, cbody, (zf, neg, zi))
        scop = jnp.sum(csum)
        mcop = jnp.max(cmax)
        cpos = cidx * L + iota
        icop = jnp.min(jnp.where(cmax == mcop, cpos, BIG))
        oovv = plsc.load_gather(srcv, [jnp.full((L,), icop)])

        def dense_and_gp(pb):
            def dbody(i, da):
                m0, m1, m2, m3, i0, i1, i2, i3 = da
                isp = jnp.full((L,), i)
                p = pb[pl.ds(i * 64, L)]
                k = p > m0
                m0 = jnp.maximum(m0, p); i0 = jnp.where(k, isp, i0)
                p = pb[pl.ds(i * 64 + 16, L)]
                k = p > m1
                m1 = jnp.maximum(m1, p); i1 = jnp.where(k, isp, i1)
                p = pb[pl.ds(i * 64 + 32, L)]
                k = p > m2
                m2 = jnp.maximum(m2, p); i2 = jnp.where(k, isp, i2)
                p = pb[pl.ds(i * 64 + 48, L)]
                k = p > m3
                m3 = jnp.maximum(m3, p); i3 = jnp.where(k, isp, i3)
                return m0, m1, m2, m3, i0, i1, i2, i3
            m0, m1, m2, m3, i0, i1, i2, i3 = lax.fori_loop(
                0, V // 64, dbody, (neg, neg, neg, neg, zi, zi, zi, zi))
            va, pa = _merge_argmax(m0, i0 * 64 + iota, m1, i1 * 64 + 16 + iota)
            vb, pb2 = _merge_argmax(m2, i2 * 64 + 32 + iota,
                                    m3, i3 * 64 + 48 + iota)
            mv, mp = _merge_argmax(va, pa, vb, pb2)
            dmax = jnp.max(mv)
            didx = jnp.min(jnp.where(mv == dmax, mp, BIG))
            tridx = plsc.load_gather(targv, [jnp.full((L,), rl)])
            tg = plsc.load_gather(pb, [tridx])

            def gpbody(k, carry2):
                sr = srcv[pl.ds(k * L, L)]
                voc = jnp.where(sr < V, sr, 0)
                gpv[pl.ds(k * L, L)] = plsc.load_gather(pb, [voc])
                return carry2
            lax.fori_loop(0, S // L, gpbody, 0)
            return dmax, didx, tg

        even = (rl % 2) == 0

        def with_buf0(_):
            pltpu.make_async_copy(probs.at[base], pbuf0, sem0).wait()
            @pl.when(rl < RPW - 1)
            def _():
                pltpu.async_copy(probs.at[r + 1], pbuf1, sem1)
            return dense_and_gp(pbuf0)

        def with_buf1(_):
            pltpu.make_async_copy(probs.at[base], pbuf1, sem1).wait()
            @pl.when(rl < RPW - 1)
            def _():
                pltpu.async_copy(probs.at[r + 1], pbuf0, sem0)
            return dense_and_gp(pbuf1)

        dmax, didx, tg = lax.cond(even, with_buf0, with_buf1, 0)

        pltpu.sync_copy(gpv, gp_out.at[r])
        rlv = jnp.full((L,), rl)
        plsc.store_scatter(dmaxv, [rlv], jnp.full((L,), dmax), mask=lane0)
        plsc.store_scatter(didxv, [rlv], jnp.full((L,), didx), mask=lane0)
        plsc.store_scatter(tgenv, [rlv], tg, mask=lane0)
        plsc.store_scatter(scopv, [rlv], jnp.full((L,), scop), mask=lane0)
        plsc.store_scatter(mcopv, [rlv], jnp.full((L,), mcop), mask=lane0)
        plsc.store_scatter(oovv_b, [rlv], oovv, mask=lane0)
        return carry

    lax.fori_loop(0, RPW, row_body, 0)

    pltpu.sync_copy(dmaxv, dmax_out.at[pl.ds(base, RPW)])
    pltpu.sync_copy(didxv, didx_out.at[pl.ds(base, RPW)])
    pltpu.sync_copy(tgenv, tgen_out.at[pl.ds(base, RPW)])
    pltpu.sync_copy(scopv, scop_out.at[pl.ds(base, RPW)])
    pltpu.sync_copy(mcopv, mcop_out.at[pl.ds(base, RPW)])
    pltpu.sync_copy(oovv_b, oov_out.at[pl.ds(base, RPW)])


_sc_a_call = pl.kernel(
    _sc_a_body,
    out_type=[
        jax.ShapeDtypeStruct((N,), jnp.float32),
        jax.ShapeDtypeStruct((N,), jnp.int32),
        jax.ShapeDtypeStruct((N,), jnp.float32),
        jax.ShapeDtypeStruct((N,), jnp.float32),
        jax.ShapeDtypeStruct((N,), jnp.float32),
        jax.ShapeDtypeStruct((N,), jnp.int32),
        jax.ShapeDtypeStruct((N, S), jnp.float32),
    ],
    mesh=plsc.VectorSubcoreMesh(core_axis_name="c", subcore_axis_name="s"),
    scratch_types=[
        pltpu.VMEM((V,), jnp.float32),
        pltpu.VMEM((V,), jnp.float32),
        pltpu.VMEM((S,), jnp.float32),
        pltpu.VMEM((S,), jnp.float32),
        pltpu.VMEM((S,), jnp.int32),
        pltpu.VMEM((S,), jnp.float32),
        pltpu.VMEM((RPW,), jnp.int32),
        pltpu.VMEM((RPW,), jnp.float32),
        pltpu.VMEM((RPW,), jnp.int32),
        pltpu.VMEM((RPW,), jnp.float32),
        pltpu.VMEM((RPW,), jnp.float32),
        pltpu.VMEM((RPW,), jnp.float32),
        pltpu.VMEM((RPW,), jnp.int32),
        pltpu.SemaphoreType.DMA,
        pltpu.SemaphoreType.DMA,
    ],
    compiler_params=pltpu.CompilerParams(needs_layout_passes=False),
)


def _sc_b_body(src, skey, sval, gp_in, dmax_in, didx_in, mcop_in, oov_in,
               pred_out,
               tbl, srcv0, srcv1, gpv0, gpv1, skv0, skv1, svv0, svv1,
               auxf, auxi, predv, sem0, sem1):
    cc = lax.axis_index("c")
    ss = lax.axis_index("s")
    wid = ss * 2 + cc
    base = wid * RPW
    iota = lax.iota(jnp.int32, L)
    neg = jnp.full((L,), jnp.float32(-3.0e38))
    zi = jnp.zeros((L,), jnp.int32)
    lane0 = iota == 0

    pltpu.sync_copy(dmax_in.at[pl.ds(base, RPW)], auxf.at[pl.ds(0, RPW)])
    pltpu.sync_copy(mcop_in.at[pl.ds(base, RPW)], auxf.at[pl.ds(RPW, RPW)])
    pltpu.sync_copy(didx_in.at[pl.ds(base, RPW)], auxi.at[pl.ds(0, RPW)])
    pltpu.sync_copy(oov_in.at[pl.ds(base, RPW)], auxi.at[pl.ds(RPW, RPW)])
    skv0[pl.ds(S, L)] = jnp.full((L,), jnp.int32(-1))
    skv1[pl.ds(S, L)] = jnp.full((L,), jnp.int32(-1))

    def start_load(r, srcb, gpb, skb, svb, sem):
        pltpu.async_copy(src.at[r], srcb, sem)
        pltpu.async_copy(gp_in.at[r], gpb, sem)
        pltpu.async_copy(skey.at[pl.ds(r * S, S)], skb.at[pl.ds(0, S)], sem)
        pltpu.async_copy(sval.at[pl.ds(r * S, S)], svb, sem)

    def drain(r, srcb, gpb, skb, svb, sem):
        pltpu.make_async_copy(src.at[r], srcb, sem).wait()
        pltpu.make_async_copy(gp_in.at[r], gpb, sem).wait()
        pltpu.make_async_copy(skey.at[pl.ds(r * S, S)],
                              skb.at[pl.ds(0, S)], sem).wait()
        pltpu.make_async_copy(sval.at[pl.ds(r * S, S)], svb, sem).wait()

    start_load(base, srcv0, gpv0, skv0, svv0, sem0)

    def process(r, rl, srcv, gpv, skv, svv):
        def sbody(k, carry2):
            for u in range(4):
                sr = srcv[pl.ds(k * 4 * L + u * L, L)]
                voc = jnp.where(sr < V, sr, 0)
                plsc.store_scatter(tbl, [voc], gpv[pl.ds(k * 4 * L + u * L, L)])
            return carry2
        lax.fori_loop(0, S // (4 * L), sbody, 0)

        rbase = r * V

        def half(k, ga, off):
            gmax, gidx = ga
            kk = skv[pl.ds(k * 4 * L + off, L)]
            kn = skv[pl.ds(k * 4 * L + off + 1, L)]
            vv = svv[pl.ds(k * 4 * L + off, L)]
            slot = kk - rbase
            gp = plsc.load_gather(tbl, [slot])
            cand = jnp.where(kk != kn, gp + vv, neg)
            m = cand > gmax
            return jnp.maximum(gmax, cand), jnp.where(m, slot, gidx)

        def gbody(k, ga):
            return tuple(half(k, ga[u], u * L) for u in range(4))
        accs = lax.fori_loop(
            0, S // (4 * L), gbody, ((neg, zi),) * 4)

        def tmerge(a, b):
            gm = jnp.maximum(a[0], b[0])
            gi = jnp.where(a[0] > b[0], a[1],
                           jnp.where(b[0] > a[0], b[1],
                                     jnp.minimum(a[1], b[1])))
            return gm, gi
        gmax, gidx = tmerge(tmerge(accs[0], accs[1]),
                            tmerge(accs[2], accs[3]))
        candmax = jnp.max(gmax)
        candidx = jnp.min(jnp.where(gmax == candmax, gidx, BIG))

        rlv = jnp.full((L,), rl)
        dmax16 = plsc.load_gather(auxf, [rlv])
        mcop16 = plsc.load_gather(auxf, [rlv + RPW])
        didx16 = plsc.load_gather(auxi, [rlv])
        oov16 = plsc.load_gather(auxi, [rlv + RPW])
        dmax = jnp.max(dmax16)
        mcop = jnp.max(mcop16)
        mvoc = jnp.maximum(dmax, candmax)
        ivoc = jnp.where(candmax > dmax, jnp.full((L,), candidx), didx16)
        predvec = jnp.where(mvoc < mcop, oov16, ivoc)
        plsc.store_scatter(predv, [rlv], predvec, mask=lane0)

    def row_body(rl, carry):
        r = base + rl
        even = (rl % 2) == 0

        def with_buf0(_):
            drain(r, srcv0, gpv0, skv0, svv0, sem0)
            @pl.when(rl < RPW - 1)
            def _():
                start_load(r + 1, srcv1, gpv1, skv1, svv1, sem1)
            process(r, rl, srcv0, gpv0, skv0, svv0)
            return 0

        def with_buf1(_):
            drain(r, srcv1, gpv1, skv1, svv1, sem1)
            @pl.when(rl < RPW - 1)
            def _():
                start_load(r + 1, srcv0, gpv0, skv0, svv0, sem0)
            process(r, rl, srcv1, gpv1, skv1, svv1)
            return 0

        lax.cond(even, with_buf0, with_buf1, 0)
        return carry

    lax.fori_loop(0, RPW, row_body, 0)
    pltpu.sync_copy(predv, pred_out.at[pl.ds(base, RPW)])


_sc_b_call = pl.kernel(
    _sc_b_body,
    out_type=[
        jax.ShapeDtypeStruct((N,), jnp.int32),
    ],
    mesh=plsc.VectorSubcoreMesh(core_axis_name="c", subcore_axis_name="s"),
    scratch_types=[
        pltpu.VMEM((V,), jnp.float32),
        pltpu.VMEM((S,), jnp.int32),
        pltpu.VMEM((S,), jnp.int32),
        pltpu.VMEM((S,), jnp.float32),
        pltpu.VMEM((S,), jnp.float32),
        pltpu.VMEM((S + L,), jnp.int32),
        pltpu.VMEM((S + L,), jnp.int32),
        pltpu.VMEM((S,), jnp.float32),
        pltpu.VMEM((S,), jnp.float32),
        pltpu.VMEM((2 * RPW,), jnp.float32),
        pltpu.VMEM((2 * RPW,), jnp.int32),
        pltpu.VMEM((RPW,), jnp.int32),
        pltpu.SemaphoreType.DMA,
        pltpu.SemaphoreType.DMA,
    ],
    compiler_params=pltpu.CompilerParams(needs_layout_passes=False),
)


def _tc_body(pred_ref, targ_ref, tgen_ref, scop_ref, eps_ref,
             loss_ref, nw_ref, nc_ref):
    e = eps_ref[0, 0]
    targ = targ_ref[...]
    npad = targ != 0
    tot = (tgen_ref[...] + (scop_ref[...] + e)) + e
    lg = jnp.log(tot)
    loss_ref[...] = jnp.reshape(-jnp.sum(jnp.where(npad, lg, 0.0)), (1, 1))
    nw_ref[...] = jnp.reshape(jnp.sum(npad.astype(jnp.int32)), (1, 1))
    nc_ref[...] = jnp.reshape(
        jnp.sum(jnp.where(npad & (pred_ref[...] == targ), 1, 0)), (1, 1))


_tc_call = pl.pallas_call(
    _tc_body,
    out_shape=(
        jax.ShapeDtypeStruct((1, 1), jnp.float32),
        jax.ShapeDtypeStruct((1, 1), jnp.int32),
        jax.ShapeDtypeStruct((1, 1), jnp.int32),
    ),
)


@jax.jit
def kernel(probs, attn, targ, align, src, eps):
    targ_flat = targ.reshape(N)
    voc_src = jnp.where(src < V, src, 0)
    flat = (voc_src + jnp.arange(N, dtype=jnp.int32)[:, None] * V).reshape(-1)
    copies_flat = (attn * align).reshape(-1)
    skey, sval = lax.sort((flat, copies_flat), dimension=0, num_keys=1,
                          is_stable=False)
    dmax, didx, tgen, scop, mcop, oov, gp = _sc_a_call(
        probs, attn, align, src, targ_flat)
    pred, = _sc_b_call(src, skey, sval, gp, dmax, didx, mcop, oov)
    eps2 = jnp.asarray(eps, jnp.float32).reshape(1, 1)
    loss, nw, nc = _tc_call(
        pred.reshape(16, 128), targ_flat.reshape(16, 128),
        tgen.reshape(16, 128), scop.reshape(16, 128), eps2)
    return (loss[0, 0], pred, nw[0, 0], nc[0, 0])

# --- scband reference (transcript-rebuilt; emitter-appended) ---
"""Pipeline reference for scband-mlcriterion-6184752906395 (READ-ONLY COPY).

The authoritative reference and input builder live on the scoring server;
editing this copy changes nothing except your own understanding.
"""

import jax, jax.numpy as jnp
import numpy as np

N = 2048
VOCAB = 32000
SRC_LEN = 512
PAD = 0


def setup_inputs(seed: int = 0) -> dict:
    key = jax.random.key(seed)
    k1, k2, k3, k4, k5 = jax.random.split(key, 5)
    probs = jax.random.uniform(k1, (N, VOCAB), dtype=jnp.float32)
    attn = jax.random.uniform(k2, (N, SRC_LEN), dtype=jnp.float32)
    align = jax.random.uniform(k3, (N, SRC_LEN), dtype=jnp.float32)
    targ = jax.random.randint(k4, (N, 1), 0, VOCAB, dtype=jnp.int32)
    src = jax.random.randint(k5, (N, SRC_LEN), 0, VOCAB + 1000, dtype=jnp.int32)
    return {"probs": probs, "attn": attn, "targ": targ, "align": align, "src": src, "eps": jnp.float32(1e-12)}


def reference(probs, attn, targ, align, src, eps=1e-12):
    bs, vocab_size = probs.shape
    # copies = attn * align
    copies = attn * align
    # voc_src = src * src.lt(vocab_size): OOV source tokens are mapped to index 0
    voc_src = jnp.where(src < vocab_size, src, 0)
    # copies_voc.scatter_(1, voc_src, copies)  (overwrite semantics)
    rows = jnp.arange(bs)[:, None]
    copies_voc = jnp.zeros((bs, vocab_size), dtype=probs.dtype).at[rows, voc_src].set(copies)
    voc_probs = probs + copies_voc
    max_voc_vals = jnp.max(voc_probs, axis=1)
    max_voc_idx = jnp.argmax(voc_probs, axis=1)
    max_cop_vals = jnp.max(copies, axis=1)
    max_cop_idx = jnp.argmax(copies, axis=1)
    # oov_tokens = src.gather(1, argmax_copies)
    oov_tokens = jnp.take_along_axis(src, max_cop_idx[:, None], axis=1)[:, 0]
    gen_oov = (max_voc_vals < max_cop_vals).astype(jnp.int32)
    predictions = (1 - gen_oov) * max_voc_idx.astype(jnp.int32) + gen_oov * oov_tokens.astype(jnp.int32)
    non_padding = targ != PAD
    num_correct = jnp.sum(jnp.where(non_padding, predictions[:, None] == targ, False))
    num_words = jnp.sum(non_padding)
    targ_gen_probs = jnp.take_along_axis(probs, targ, axis=1)
    targ_copy_probs = jnp.sum(copies, axis=-1, keepdims=True) + eps
    tot_prob = targ_gen_probs + targ_copy_probs + eps
    loss = jnp.log(tot_prob)
    loss = loss * (targ != PAD).astype(probs.dtype)
    loss = -jnp.sum(loss)
    return (loss, predictions, num_words, num_correct)

if __name__ == "__main__":
    import jax
    _d = setup_inputs()
    print(jax.jit(kernel)(*tuple(_d.values())))

</pallas_src>

<mosaic_0001>
#map = affine_map<(d0, d1) -> (0, 0)>
#map1 = affine_map<(d0, d1) -> (0)>
module attributes {stable_mosaic.version = 14 : i64} {
  func.func @_sc_a_body(%arg0: i32, %arg1: i32, %arg2: memref<2048x32000xf32, #tpu.memory_space<hbm>>, %arg3: memref<2048x512xf32, #tpu.memory_space<hbm>>, %arg4: memref<2048x512xf32, #tpu.memory_space<hbm>>, %arg5: memref<2048x512xi32, #tpu.memory_space<hbm>>, %arg6: memref<2048xi32, #tpu.memory_space<hbm>>, %arg7: memref<2048xf32, #tpu.memory_space<hbm>>, %arg8: memref<2048xi32, #tpu.memory_space<hbm>>, %arg9: memref<2048xf32, #tpu.memory_space<hbm>>, %arg10: memref<2048xf32, #tpu.memory_space<hbm>>, %arg11: memref<2048xf32, #tpu.memory_space<hbm>>, %arg12: memref<2048xi32, #tpu.memory_space<hbm>>, %arg13: memref<2048x512xf32, #tpu.memory_space<hbm>>, %arg14: memref<32000xf32, #tpu.memory_space<vmem>>, %arg15: memref<32000xf32, #tpu.memory_space<vmem>>, %arg16: memref<512xf32, #tpu.memory_space<vmem>>, %arg17: memref<512xf32, #tpu.memory_space<vmem>>, %arg18: memref<512xi32, #tpu.memory_space<vmem>>, %arg19: memref<512xf32, #tpu.memory_space<vmem>>, %arg20: memref<64xi32, #tpu.memory_space<vmem>>, %arg21: memref<64xf32, #tpu.memory_space<vmem>>, %arg22: memref<64xi32, #tpu.memory_space<vmem>>, %arg23: memref<64xf32, #tpu.memory_space<vmem>>, %arg24: memref<64xf32, #tpu.memory_space<vmem>>, %arg25: memref<64xf32, #tpu.memory_space<vmem>>, %arg26: memref<64xi32, #tpu.memory_space<vmem>>, %arg27: memref<!tpu.dma_semaphore, #tpu.memory_space<semaphore_mem>>, %arg28: memref<!tpu.dma_semaphore, #tpu.memory_space<semaphore_mem>>) attributes {dimension_semantics = [#tpu.dimension_semantics<core_parallel>, #tpu.dimension_semantics<subcore_parallel>], iteration_bounds = array<i64: 2, 16>, scalar_prefetch = 0 : i64, scratch_operands = 15 : i64, tpu.core_type = #tpu.core_type<sc_vector_subcore>, window_params = [{transform_indices = #map}, {transform_indices = #map}, {transform_indices = #map}, {transform_indices = #map}, {transform_indices = #map1}, {transform_indices = #map1}, {transform_indices = #map1}, {transform_indices = #map1}, {transform_indices = #map1}, {transform_indices = #map1}, {transform_indices = #map1}, {transform_indices = #map}]} {
    %mul3A = arith.constant 2 : i32
    %mul3A_0 = arith.muli %arg1, %mul3A : i32
    %add3A = arith.addi %mul3A_0, %arg0 : i32
    %mul3A_1 = arith.constant 64 : i32
    %mul3A_2 = arith.muli %add3A, %mul3A_1 : i32
    %iota3A = tpu.iota {dimensions = array<i32: 0>} : vector<16xi32>
    %broadcast_in_dim3A = arith.constant 0.000000e+00 : f32
    %broadcast_in_dim3A_3 = vector.broadcast %broadcast_in_dim3A : f32 to vector<16xf32>
    %broadcast_in_dim3A_4 = arith.constant -3.000000e+38 : f32
    %broadcast_in_dim3A_5 = vector.broadcast %broadcast_in_dim3A_4 : f32 to vector<16xf32>
    %broadcast_in_dim3A_6 = arith.constant 0 : i32
    %broadcast_in_dim3A_7 = vector.broadcast %broadcast_in_dim3A_6 : i32 to vector<16xi32>
    %eq3A = arith.constant 0 : i32
    %eq3A_8 = vector.broadcast %eq3A : i32 to vector<16xi32>
    %eq3A_9 = arith.cmpi eq, %iota3A, %eq3A_8 : vector<16xi32>
    "tpu.region"() ({
      %run_scoped3A = tpu.sem_alloc : memref<!tpu.dma_semaphore, #tpu.memory_space<semaphore_mem>>
      %dma_start3A_20 = tpu.memref_slice %arg6[%mul3A_2] : memref<2048xi32, #tpu.memory_space<hbm>> -> memref<64xi32, #tpu.memory_space<hbm>>
      %dma_start3A_21 = tpu.memref_slice %arg6[%mul3A_2] : memref<2048xi32, #tpu.memory_space<hbm>> -> memref<64xi32, #tpu.memory_space<hbm>>
      tpu.enqueue_dma source(%dma_start3A_21 : memref<64xi32, #tpu.memory_space<hbm>>) target(%arg20 : memref<64xi32, #tpu.memory_space<vmem>>) target_semaphore(%run_scoped3A : memref<!tpu.dma_semaphore, #tpu.memory_space<semaphore_mem>>)
      %dma_wait3A = tpu.memref_slice %arg6[%mul3A_2] : memref<2048xi32, #tpu.memory_space<hbm>> -> memref<64xi32, #tpu.memory_space<hbm>>
      %dma_wait3A_22 = tpu.memref_slice %arg6[%mul3A_2] : memref<2048xi32, #tpu.memory_space<hbm>> -> memref<64xi32, #tpu.memory_space<hbm>>
      tpu.wait_dma2 semaphore(%run_scoped3A : memref<!tpu.dma_semaphore, #tpu.memory_space<semaphore_mem>>) src(%dma_wait3A_22 : memref<64xi32, #tpu.memory_space<hbm>>) dst(%arg20 : memref<64xi32, #tpu.memory_space<vmem>>)
      tpu.yield
    }) : () -> ()
    %dma_start3A = arith.constant 0 : i32
    %dma_start3A_10 = tpu.memref_slice %arg2[%mul3A_2, %dma_start3A] : memref<2048x32000xf32, #tpu.memory_space<hbm>> -> memref<1x32000xf32, #tpu.memory_space<hbm>>
    %dma_start3A_11 = tpu.memref_squeeze %dma_start3A_10 : memref<1x32000xf32, #tpu.memory_space<hbm>> -> memref<32000xf32, #tpu.memory_space<hbm>>
    %dma_start3A_12 = arith.constant 0 : i32
    %dma_start3A_13 = tpu.memref_slice %arg2[%mul3A_2, %dma_start3A_12] : memref<2048x32000xf32, #tpu.memory_space<hbm>> -> memref<1x32000xf32, #tpu.memory_space<hbm>>
    %dma_start3A_14 = tpu.memref_squeeze %dma_start3A_13 : memref<1x32000xf32, #tpu.memory_space<hbm>> -> memref<32000xf32, #tpu.memory_space<hbm>>
    tpu.enqueue_dma source(%dma_start3A_14 : memref<32000xf32, #tpu.memory_space<hbm>>) target(%arg14 : memref<32000xf32, #tpu.memory_space<vmem>>) target_semaphore(%arg27 : memref<!tpu.dma_semaphore, #tpu.memory_space<semaphore_mem>>)
    %scan3A = arith.constant 0 : i32
    %scan3A_15 = arith.constant 0 : i32
    %scan3A_16 = arith.constant 64 : i32
    %scan3A_17 = arith.addi %scan3A_15, %scan3A_16 : i32
    %scan3A_18 = arith.constant 1 : i32
    scf.for %scan3A_20 = %scan3A_15 to %scan3A_17 step %scan3A_18  : i32 {
      %add3A_21 = arith.addi %mul3A_2, %scan3A_20 : i32
      "tpu.region"() ({
        %run_scoped3A = tpu.sem_alloc : memref<!tpu.dma_semaphore, #tpu.memory_space<semaphore_mem>>
        %dma_start3A_71 = arith.constant 0 : i32
        %dma_start3A_72 = tpu.memref_slice %arg3[%add3A_21, %dma_start3A_71] : memref<2048x512xf32, #tpu.memory_space<hbm>> -> memref<1x512xf32, #tpu.memory_space<hbm>>
        %dma_start3A_73 = tpu.memref_squeeze %dma_start3A_72 : memref<1x512xf32, #tpu.memory_space<hbm>> -> memref<512xf32, #tpu.memory_space<hbm>>
        %dma_start3A_74 = arith.constant 0 : i32
        %dma_start3A_75 = tpu.memref_slice %arg3[%add3A_21, %dma_start3A_74] : memref<2048x512xf32, #tpu.memory_space<hbm>> -> memref<1x512xf32, #tpu.memory_space<hbm>>
        %dma_start3A_76 = tpu.memref_squeeze %dma_start3A_75 : memref<1x512xf32, #tpu.memory_space<hbm>> -> memref<512xf32, #tpu.memory_space<hbm>>
        tpu.enqueue_dma source(%dma_start3A_76 : memref<512xf32, #tpu.memory_space<hbm>>) target(%arg16 : memref<512xf32, #tpu.memory_space<vmem>>) target_semaphore(%run_scoped3A : memref<!tpu.dma_semaphore, #tpu.memory_space<semaphore_mem>>)
        %dma_wait3A = arith.constant 0 : i32
        %dma_wait3A_77 = tpu.memref_slice %arg3[%add3A_21, %dma_wait3A] : memref<2048x512xf32, #tpu.memory_space<hbm>> -> memref<1x512xf32, #tpu.memory_space<hbm>>
        %dma_wait3A_78 = tpu.memref_squeeze %dma_wait3A_77 : memref<1x512xf32, #tpu.memory_space<hbm>> -> memref<512xf32, #tpu.memory_space<hbm>>
        %dma_wait3A_79 = arith.constant 0 : i32
        %dma_wait3A_80 = tpu.memref_slice %arg3[%add3A_21, %dma_wait3A_79] : memref<2048x512xf32, #tpu.memory_space<hbm>> -> memref<1x512xf32, #tpu.memory_space<hbm>>
        %dma_wait3A_81 = tpu.memref_squeeze %dma_wait3A_80 : memref<1x512xf32, #tpu.memory_space<hbm>> -> memref<512xf32, #tpu.memory_space<hbm>>
        tpu.wait_dma2 semaphore(%run_scoped3A : memref<!tpu.dma_semaphore, #tpu.memory_space<semaphore_mem>>) src(%dma_wait3A_81 : memref<512xf32, #tpu.memory_space<hbm>>) dst(%arg16 : memref<512xf32, #tpu.memory_space<vmem>>)
        tpu.yield
      }) : () -> ()
      "tpu.region"() ({
        %run_scoped3A = tpu.sem_alloc : memref<!tpu.dma_semaphore, #tpu.memory_space<semaphore_mem>>
        %dma_start3A_71 = arith.constant 0 : i32
        %dma_start3A_72 = tpu.memref_slice %arg4[%add3A_21, %dma_start3A_71] : memref<2048x512xf32, #tpu.memory_space<hbm>> -> memref<1x512xf32, #tpu.memory_space<hbm>>
        %dma_start3A_73 = tpu.memref_squeeze %dma_start3A_72 : memref<1x512xf32, #tpu.memory_space<hbm>> -> memref<512xf32, #tpu.memory_space<hbm>>
        %dma_start3A_74 = arith.constant 0 : i32
        %dma_start3A_75 = tpu.memref_slice %arg4[%add3A_21, %dma_start3A_74] : memref<2048x512xf32, #tpu.memory_space<hbm>> -> memref<1x512xf32, #tpu.memory_space<hbm>>
        %dma_start3A_76 = tpu.memref_squeeze %dma_start3A_75 : memref<1x512xf32, #tpu.memory_space<hbm>> -> memref<512xf32, #tpu.memory_space<hbm>>
        tpu.enqueue_dma source(%dma_start3A_76 : memref<512xf32, #tpu.memory_space<hbm>>) target(%arg17 : memref<512xf32, #tpu.memory_space<vmem>>) target_semaphore(%run_scoped3A : memref<!tpu.dma_semaphore, #tpu.memory_space<semaphore_mem>>)
        %dma_wait3A = arith.constant 0 : i32
        %dma_wait3A_77 = tpu.memref_slice %arg4[%add3A_21, %dma_wait3A] : memref<2048x512xf32, #tpu.memory_space<hbm>> -> memref<1x512xf32, #tpu.memory_space<hbm>>
        %dma_wait3A_78 = tpu.memref_squeeze %dma_wait3A_77 : memref<1x512xf32, #tpu.memory_space<hbm>> -> memref<512xf32, #tpu.memory_space<hbm>>
        %dma_wait3A_79 = arith.constant 0 : i32
        %dma_wait3A_80 = tpu.memref_slice %arg4[%add3A_21, %dma_wait3A_79] : memref<2048x512xf32, #tpu.memory_space<hbm>> -> memref<1x512xf32, #tpu.memory_space<hbm>>
        %dma_wait3A_81 = tpu.memref_squeeze %dma_wait3A_80 : memref<1x512xf32, #tpu.memory_space<hbm>> -> memref<512xf32, #tpu.memory_space<hbm>>
        tpu.wait_dma2 semaphore(%run_scoped3A : memref<!tpu.dma_semaphore, #tpu.memory_space<semaphore_mem>>) src(%dma_wait3A_81 : memref<512xf32, #tpu.memory_space<hbm>>) dst(%arg17 : memref<512xf32, #tpu.memory_space<vmem>>)
        tpu.yield
      }) : () -> ()
      "tpu.region"() ({
        %run_scoped3A = tpu.sem_alloc : memref<!tpu.dma_semaphore, #tpu.memory_space<semaphore_mem>>
        %dma_start3A_71 = arith.constant 0 : i32
        %dma_start3A_72 = tpu.memref_slice %arg5[%add3A_21, %dma_start3A_71] : memref<2048x512xi32, #tpu.memory_space<hbm>> -> memref<1x512xi32, #tpu.memory_space<hbm>>
        %dma_start3A_73 = tpu.memref_squeeze %dma_start3A_72 : memref<1x512xi32, #tpu.memory_space<hbm>> -> memref<512xi32, #tpu.memory_space<hbm>>
        %dma_start3A_74 = arith.constant 0 : i32
        %dma_start3A_75 = tpu.memref_slice %arg5[%add3A_21, %dma_start3A_74] : memref<2048x512xi32, #tpu.memory_space<hbm>> -> memref<1x512xi32, #tpu.memory_space<hbm>>
        %dma_start3A_76 = tpu.memref_squeeze %dma_start3A_75 : memref<1x512xi32, #tpu.memory_space<hbm>> -> memref<512xi32, #tpu.memory_space<hbm>>
        tpu.enqueue_dma source(%dma_start3A_76 : memref<512xi32, #tpu.memory_space<hbm>>) target(%arg18 : memref<512xi32, #tpu.memory_space<vmem>>) target_semaphore(%run_scoped3A : memref<!tpu.dma_semaphore, #tpu.memory_space<semaphore_mem>>)
        %dma_wait3A = arith.constant 0 : i32
        %dma_wait3A_77 = tpu.memref_slice %arg5[%add3A_21, %dma_wait3A] : memref<2048x512xi32, #tpu.memory_space<hbm>> -> memref<1x512xi32, #tpu.memory_space<hbm>>
        %dma_wait3A_78 = tpu.memref_squeeze %dma_wait3A_77 : memref<1x512xi32, #tpu.memory_space<hbm>> -> memref<512xi32, #tpu.memory_space<hbm>>
        %dma_wait3A_79 = arith.constant 0 : i32
        %dma_wait3A_80 = tpu.memref_slice %arg5[%add3A_21, %dma_wait3A_79] : memref<2048x512xi32, #tpu.memory_space<hbm>> -> memref<1x512xi32, #tpu.memory_space<hbm>>
        %dma_wait3A_81 = tpu.memref_squeeze %dma_wait3A_80 : memref<1x512xi32, #tpu.memory_space<hbm>> -> memref<512xi32, #tpu.memory_space<hbm>>
        tpu.wait_dma2 semaphore(%run_scoped3A : memref<!tpu.dma_semaphore, #tpu.memory_space<semaphore_mem>>) src(%dma_wait3A_81 : memref<512xi32, #tpu.memory_space<hbm>>) dst(%arg18 : memref<512xi32, #tpu.memory_space<vmem>>)
        tpu.yield
      }) : () -> ()
      %scan3A_22 = arith.constant 0 : i32
      %scan3A_23 = arith.constant 32 : i32
      %scan3A_24 = arith.addi %scan3A_22, %scan3A_23 : i32
      %scan3A_25 = arith.constant 1 : i32
      %scan3A_26:3 = scf.for %scan3A_71 = %scan3A_22 to %scan3A_24 step %scan3A_25 iter_args(%scan3A_72 = %broadcast_in_dim3A_3, %scan3A_73 = %broadcast_in_dim3A_5, %scan3A_74 = %broadcast_in_dim3A_7) -> (vector<16xf32>, vector<16xf32>, vector<16xi32>)  : i32 {
        %mul3A_75 = arith.constant 16 : i32
        %mul3A_76 = arith.muli %scan3A_71, %mul3A_75 : i32
        %get3A = arith.index_cast %mul3A_76 : i32 to index
        %get3A_77 = tpu.vector_load %arg16[%get3A] {strides = array<i32>} : memref<512xf32, #tpu.memory_space<vmem>>, vector<16xf32>,
        %mul3A_78 = arith.constant 16 : i32
        %mul3A_79 = arith.muli %scan3A_71, %mul3A_78 : i32
        %get3A_80 = arith.index_cast %mul3A_79 : i32 to index
        %get3A_81 = tpu.vector_load %arg17[%get3A_80] {strides = array<i32>} : memref<512xf32, #tpu.memory_space<vmem>>, vector<16xf32>,
        %mul3A_82 = arith.mulf %get3A_77, %get3A_81 : vector<16xf32>
        %gt3A = arith.cmpf ogt, %mul3A_82, %scan3A_73 : vector<16xf32>
        %add3A_83 = arith.addf %scan3A_72, %mul3A_82 : vector<16xf32>
        %max3A = arith.maximumf %scan3A_73, %mul3A_82 : vector<16xf32>
        %broadcast_in_dim3A_84 = vector.broadcast %scan3A_71 : i32 to vector<16xi32>
        %select_n3A_85 = arith.select %gt3A, %broadcast_in_dim3A_84, %scan3A_74 : vector<16xi1>, vector<16xi32>
        scf.yield %add3A_83, %max3A, %select_n3A_85 : vector<16xf32>, vector<16xf32>, vector<16xi32>
      }
      %scan3A_27 = arith.constant 32 : i32
      %reduce_sum3A = arith.constant true
      %reduce_sum3A_28 = vector.broadcast %reduce_sum3A : i1 to vector<16xi1>
      %reduce_sum3A_29 = tpu.scan <sum>, %scan3A_26#0 masked %reduce_sum3A_28 : vector<16xf32>, vector<16xi1> -> vector<16xf32>
      %reduce_sum3A_30 = vector.extract %reduce_sum3A_29[15] : f32 from vector<16xf32>
      %reduce_max3A = arith.constant true
      %reduce_max3A_31 = vector.broadcast %reduce_max3A : i1 to vector<16xi1>
      %reduce_max3A_32 = tpu.scan <max>, %scan3A_26#1 masked %reduce_max3A_31 : vector<16xf32>, vector<16xi1> -> vector<16xf32>
      %reduce_max3A_33 = vector.extract %reduce_max3A_32[15] : f32 from vector<16xf32>
      %mul3A_34 = arith.constant 16 : i32
      %mul3A_35 = vector.broadcast %mul3A_34 : i32 to vector<16xi32>
      %mul3A_36 = arith.muli %scan3A_26#2, %mul3A_35 : vector<16xi32>
      %add3A_37 = arith.addi %mul3A_36, %iota3A : vector<16xi32>
      %eq3A_38 = vector.broadcast %reduce_max3A_33 : f32 to vector<16xf32>
      %eq3A_39 = arith.cmpf oeq, %scan3A_26#1, %eq3A_38 : vector<16xf32>
      %jit3A = arith.constant 1073741824 : i32
      %broadcast_in_dim3A_40 = vector.broadcast %jit3A : i32 to vector<16xi32>
      %select_n3A = arith.select %eq3A_39, %add3A_37, %broadcast_in_dim3A_40 : vector<16xi1>, vector<16xi32>
      %reduce_min3A = arith.constant true
      %reduce_min3A_41 = vector.broadcast %reduce_min3A : i1 to vector<16xi1>
      %reduce_min3A_42 = arith.constant -2147483648 : i32
      %reduce_min3A_43 = vector.broadcast %reduce_min3A_42 : i32 to vector<16xi32>
      %reduce_min3A_44 = arith.xori %select_n3A, %reduce_min3A_43 : vector<16xi32>
      %reduce_min3A_45 = tpu.scan <min>, %reduce_min3A_44 masked %reduce_min3A_41 : vector<16xi32>, vector<16xi1> -> vector<16xi32>
      %reduce_min3A_46 = arith.xori %reduce_min3A_45, %reduce_min3A_43 : vector<16xi32>
      %reduce_min3A_47 = vector.extract %reduce_min3A_46[15] : i32 from vector<16xi32>
      %broadcast_in_dim3A_48 = vector.broadcast %reduce_min3A_47 : i32 to vector<16xi32>
      %gather3A = tpu.vector_load_idx %arg18[%broadcast_in_dim3A_48] : memref<512xi32, #tpu.memory_space<vmem>>[vector<16xi32>], vector<16xi32>,
      %jit3A_49 = arith.constant 2 : i32
      %eq3A_50 = arith.constant 0 : i32
      %eq3A_51 = arith.cmpi eq, %jit3A_49, %eq3A_50 : i32
      %jit3A_52 = arith.constant 1 : i32
      %select_n3A_53 = arith.select %eq3A_51, %jit3A_52, %jit3A_49 : i32
      %rem3A = arith.remsi %scan3A_20, %select_n3A_53 : i32
      %ne3A = arith.constant 0 : i32
      %ne3A_54 = arith.cmpi ne, %rem3A, %ne3A : i32
      %lt3A = arith.constant 0 : i32
      %lt3A_55 = arith.cmpi slt, %rem3A, %lt3A : i32
      %lt3A_56 = arith.constant 0 : i32
      %lt3A_57 = arith.cmpi slt, %select_n3A_53, %lt3A_56 : i32
      %ne3A_58 = arith.xori %lt3A_55, %lt3A_57 : i1
      %and3A = arith.andi %ne3A_58, %ne3A_54 : i1
      %add3A_59 = arith.addi %rem3A, %select_n3A_53 : i32
      %select_n3A_60 = arith.select %and3A, %add3A_59, %rem3A : i32
      %eq3A_61 = arith.constant 0 : i32
      %eq3A_62 = arith.cmpi eq, %select_n3A_60, %eq3A_61 : i32
      %convert_element_type3A = arith.extui %eq3A_62 : i1 to i32
      %cond3A = arith.constant 0 : i32
      %cond3A_63 = arith.constant 0 : i32
      %cond3A_64 = arith.cmpi ne, %convert_element_type3A, %cond3A_63 : i32
      %cond3A_65:3 = scf.if %cond3A_64 -> (f32, i32, vector<16xf32>) {
        %dma_wait3A = arith.constant 0 : i32
        %dma_wait3A_71 = tpu.memref_slice %arg2[%mul3A_2, %dma_wait3A] : memref<2048x32000xf32, #tpu.memory_space<hbm>> -> memref<1x32000xf32, #tpu.memory_space<hbm>>
        %dma_wait3A_72 = tpu.memref_squeeze %dma_wait3A_71 : memref<1x32000xf32, #tpu.memory_space<hbm>> -> memref<32000xf32, #tpu.memory_space<hbm>>
        %dma_wait3A_73 = arith.constant 0 : i32
        %dma_wait3A_74 = tpu.memref_slice %arg2[%mul3A_2, %dma_wait3A_73] : memref<2048x32000xf32, #tpu.memory_space<hbm>> -> memref<1x32000xf32, #tpu.memory_space<hbm>>
        %dma_wait3A_75 = tpu.memref_squeeze %dma_wait3A_74 : memref<1x32000xf32, #tpu.memory_space<hbm>> -> memref<32000xf32, #tpu.memory_space<hbm>>
        tpu.wait_dma2 semaphore(%arg27 : memref<!tpu.dma_semaphore, #tpu.memory_space<semaphore_mem>>) src(%dma_wait3A_75 : memref<32000xf32, #tpu.memory_space<hbm>>) dst(%arg14 : memref<32000xf32, #tpu.memory_space<vmem>>)
        %lt3A_76 = arith.constant 63 : i32
        %lt3A_77 = arith.cmpi slt, %scan3A_20, %lt3A_76 : i32
        %convert_element_type3A_78 = arith.extui %lt3A_77 : i1 to i32
        %cond3A_79 = arith.constant 0 : i32
        %cond3A_80 = arith.cmpi ne, %convert_element_type3A_78, %cond3A_79 : i32
        scf.if %cond3A_80 {
          %add3A_153 = arith.constant 1 : i32
          %add3A_154 = arith.addi %add3A_21, %add3A_153 : i32
          %dma_start3A_155 = arith.constant 0 : i32
          %dma_start3A_156 = tpu.memref_slice %arg2[%add3A_154, %dma_start3A_155] : memref<2048x32000xf32, #tpu.memory_space<hbm>> -> memref<1x32000xf32, #tpu.memory_space<hbm>>
          %dma_start3A_157 = tpu.memref_squeeze %dma_start3A_156 : memref<1x32000xf32, #tpu.memory_space<hbm>> -> memref<32000xf32, #tpu.memory_space<hbm>>
          %dma_start3A_158 = arith.constant 0 : i32
          %dma_start3A_159 = tpu.memref_slice %arg2[%add3A_154, %dma_start3A_158] : memref<2048x32000xf32, #tpu.memory_space<hbm>> -> memref<1x32000xf32, #tpu.memory_space<hbm>>
          %dma_start3A_160 = tpu.memref_squeeze %dma_start3A_159 : memref<1x32000xf32, #tpu.memory_space<hbm>> -> memref<32000xf32, #tpu.memory_space<hbm>>
          tpu.enqueue_dma source(%dma_start3A_160 : memref<32000xf32, #tpu.memory_space<hbm>>) target(%arg15 : memref<32000xf32, #tpu.memory_space<vmem>>) target_semaphore(%arg28 : memref<!tpu.dma_semaphore, #tpu.memory_space<semaphore_mem>>)
        } else {
        }
        %scan3A_81 = arith.constant 0 : i32
        %scan3A_82 = arith.constant 500 : i32
        %scan3A_83 = arith.addi %scan3A_81, %scan3A_82 : i32
        %scan3A_84 = arith.constant 1 : i32
        %scan3A_85:8 = scf.for %scan3A_153 = %scan3A_81 to %scan3A_83 step %scan3A_84 iter_args(%scan3A_154 = %broadcast_in_dim3A_5, %scan3A_155 = %broadcast_in_dim3A_5, %scan3A_156 = %broadcast_in_dim3A_5, %scan3A_157 = %broadcast_in_dim3A_5, %scan3A_158 = %broadcast_in_dim3A_7, %scan3A_159 = %broadcast_in_dim3A_7, %scan3A_160 = %broadcast_in_dim3A_7, %scan3A_161 = %broadcast_in_dim3A_7) -> (vector<16xf32>, vector<16xf32>, vector<16xf32>, vector<16xf32>, vector<16xi32>, vector<16xi32>, vector<16xi32>, vector<16xi32>)  : i32 {
          %broadcast_in_dim3A_162 = vector.broadcast %scan3A_153 : i32 to vector<16xi32>
          %mul3A_163 = arith.constant 64 : i32
          %mul3A_164 = arith.muli %scan3A_153, %mul3A_163 : i32
          %get3A = arith.index_cast %mul3A_164 : i32 to index
          %get3A_165 = tpu.vector_load %arg14[%get3A] {strides = array<i32>} : memref<32000xf32, #tpu.memory_space<vmem>>, vector<16xf32>,
          %gt3A_166 = arith.cmpf ogt, %get3A_165, %scan3A_154 : vector<16xf32>
          %max3A_167 = arith.maximumf %scan3A_154, %get3A_165 : vector<16xf32>
          %select_n3A_168 = arith.select %gt3A_166, %broadcast_in_dim3A_162, %scan3A_158 : vector<16xi1>, vector<16xi32>
          %mul3A_169 = arith.constant 64 : i32
          %mul3A_170 = arith.muli %scan3A_153, %mul3A_169 : i32
          %add3A_171 = arith.constant 16 : i32
          %add3A_172 = arith.addi %mul3A_170, %add3A_171 : i32
          %get3A_173 = arith.index_cast %add3A_172 : i32 to index
          %get3A_174 = tpu.vector_load %arg14[%get3A_173] {strides = array<i32>} : memref<32000xf32, #tpu.memory_space<vmem>>, vector<16xf32>,
          %gt3A_175 = arith.cmpf ogt, %get3A_174, %scan3A_155 : vector<16xf32>
          %max3A_176 = arith.maximumf %scan3A_155, %get3A_174 : vector<16xf32>
          %select_n3A_177 = arith.select %gt3A_175, %broadcast_in_dim3A_162, %scan3A_159 : vector<16xi1>, vector<16xi32>
          %mul3A_178 = arith.constant 64 : i32
          %mul3A_179 = arith.muli %scan3A_153, %mul3A_178 : i32
          %add3A_180 = arith.constant 32 : i32
          %add3A_181 = arith.addi %mul3A_179, %add3A_180 : i32
          %get3A_182 = arith.index_cast %add3A_181 : i32 to index
          %get3A_183 = tpu.vector_load %arg14[%get3A_182] {strides = array<i32>} : memref<32000xf32, #tpu.memory_space<vmem>>, vector<16xf32>,
          %gt3A_184 = arith.cmpf ogt, %get3A_183, %scan3A_156 : vector<16xf32>
          %max3A_185 = arith.maximumf %scan3A_156, %get3A_183 : vector<16xf32>
          %select_n3A_186 = arith.select %gt3A_184, %broadcast_in_dim3A_162, %scan3A_160 : vector<16xi1>, vector<16xi32>
          %mul3A_187 = arith.constant 64 : i32
          %mul3A_188 = arith.muli %scan3A_153, %mul3A_187 : i32
          %add3A_189 = arith.constant 48 : i32
          %add3A_190 = arith.addi %mul3A_188, %add3A_189 : i32
          %get3A_191 = arith.index_cast %add3A_190 : i32 to index
          %get3A_192 = tpu.vector_load %arg14[%get3A_191] {strides = array<i32>} : memref<32000xf32, #tpu.memory_space<vmem>>, vector<16xf32>,
          %gt3A_193 = arith.cmpf ogt, %get3A_192, %scan3A_157 : vector<16xf32>
          %max3A_194 = arith.maximumf %scan3A_157, %get3A_192 : vector<16xf32>
          %select_n3A_195 = arith.select %gt3A_193, %broadcast_in_dim3A_162, %scan3A_161 : vector<16xi1>, vector<16xi32>
          scf.yield %max3A_167, %max3A_176, %max3A_185, %max3A_194, %select_n3A_168, %select_n3A_177, %select_n3A_186, %select_n3A_195 : vector<16xf32>, vector<16xf32>, vector<16xf32>, vector<16xf32>, vector<16xi32>, vector<16xi32>, vector<16xi32>, vector<16xi32>
        }
        %scan3A_86 = arith.constant 500 : i32
        %mul3A_87 = arith.constant 64 : i32
        %mul3A_88 = vector.broadcast %mul3A_87 : i32 to vector<16xi32>
        %mul3A_89 = arith.muli %scan3A_85#4, %mul3A_88 : vector<16xi32>
        %add3A_90 = arith.addi %mul3A_89, %iota3A : vector<16xi32>
        %mul3A_91 = arith.constant 64 : i32
        %mul3A_92 = vector.broadcast %mul3A_91 : i32 to vector<16xi32>
        %mul3A_93 = arith.muli %scan3A_85#5, %mul3A_92 : vector<16xi32>
        %add3A_94 = arith.constant 16 : i32
        %add3A_95 = vector.broadcast %add3A_94 : i32 to vector<16xi32>
        %add3A_96 = arith.addi %mul3A_93, %add3A_95 : vector<16xi32>
        %add3A_97 = arith.addi %add3A_96, %iota3A : vector<16xi32>
        %max3A = arith.maximumf %scan3A_85#0, %scan3A_85#1 : vector<16xf32>
        %gt3A = arith.cmpf ogt, %scan3A_85#0, %scan3A_85#1 : vector<16xf32>
        %gt3A_98 = arith.cmpf ogt, %scan3A_85#1, %scan3A_85#0 : vector<16xf32>
        %min3A = arith.minsi %add3A_90, %add3A_97 : vector<16xi32>
        %select_n3A_99 = arith.select %gt3A_98, %add3A_97, %min3A : vector<16xi1>, vector<16xi32>
        %select_n3A_100 = arith.select %gt3A, %add3A_90, %select_n3A_99 : vector<16xi1>, vector<16xi32>
        %mul3A_101 = arith.constant 64 : i32
        %mul3A_102 = vector.broadcast %mul3A_101 : i32 to vector<16xi32>
        %mul3A_103 = arith.muli %scan3A_85#6, %mul3A_102 : vector<16xi32>
        %add3A_104 = arith.constant 32 : i32
        %add3A_105 = vector.broadcast %add3A_104 : i32 to vector<16xi32>
        %add3A_106 = arith.addi %mul3A_103, %add3A_105 : vector<16xi32>
        %add3A_107 = arith.addi %add3A_106, %iota3A : vector<16xi32>
        %mul3A_108 = arith.constant 64 : i32
        %mul3A_109 = vector.broadcast %mul3A_108 : i32 to vector<16xi32>
        %mul3A_110 = arith.muli %scan3A_85#7, %mul3A_109 : vector<16xi32>
        %add3A_111 = arith.constant 48 : i32
        %add3A_112 = vector.broadcast %add3A_111 : i32 to vector<16xi32>
        %add3A_113 = arith.addi %mul3A_110, %add3A_112 : vector<16xi32>
        %add3A_114 = arith.addi %add3A_113, %iota3A : vector<16xi32>
        %max3A_115 = arith.maximumf %scan3A_85#2, %scan3A_85#3 : vector<16xf32>
        %gt3A_116 = arith.cmpf ogt, %scan3A_85#2, %scan3A_85#3 : vector<16xf32>
        %gt3A_117 = arith.cmpf ogt, %scan3A_85#3, %scan3A_85#2 : vector<16xf32>
        %min3A_118 = arith.minsi %add3A_107, %add3A_114 : vector<16xi32>
        %select_n3A_119 = arith.select %gt3A_117, %add3A_114, %min3A_118 : vector<16xi1>, vector<16xi32>
        %select_n3A_120 = arith.select %gt3A_116, %add3A_107, %select_n3A_119 : vector<16xi1>, vector<16xi32>
        %max3A_121 = arith.maximumf %max3A, %max3A_115 : vector<16xf32>
        %gt3A_122 = arith.cmpf ogt, %max3A, %max3A_115 : vector<16xf32>
        %gt3A_123 = arith.cmpf ogt, %max3A_115, %max3A : vector<16xf32>
        %min3A_124 = arith.minsi %select_n3A_100, %select_n3A_120 : vector<16xi32>
        %select_n3A_125 = arith.select %gt3A_123, %select_n3A_120, %min3A_124 : vector<16xi1>, vector<16xi32>
        %select_n3A_126 = arith.select %gt3A_122, %select_n3A_100, %select_n3A_125 : vector<16xi1>, vector<16xi32>
        %reduce_max3A_127 = arith.constant true
        %reduce_max3A_128 = vector.broadcast %reduce_max3A_127 : i1 to vector<16xi1>
        %reduce_max3A_129 = tpu.scan <max>, %max3A_121 masked %reduce_max3A_128 : vector<16xf32>, vector<16xi1> -> vector<16xf32>
        %reduce_max3A_130 = vector.extract %reduce_max3A_129[15] : f32 from vector<16xf32>
        %eq3A_131 = vector.broadcast %reduce_max3A_130 : f32 to vector<16xf32>
        %eq3A_132 = arith.cmpf oeq, %max3A_121, %eq3A_131 : vector<16xf32>
        %jit3A_133 = arith.constant 1073741824 : i32
        %broadcast_in_dim3A_134 = vector.broadcast %jit3A_133 : i32 to vector<16xi32>
        %select_n3A_135 = arith.select %eq3A_132, %select_n3A_126, %broadcast_in_dim3A_134 : vector<16xi1>, vector<16xi32>
        %reduce_min3A_136 = arith.constant true
        %reduce_min3A_137 = vector.broadcast %reduce_min3A_136 : i1 to vector<16xi1>
        %reduce_min3A_138 = arith.constant -2147483648 : i32
        %reduce_min3A_139 = vector.broadcast %reduce_min3A_138 : i32 to vector<16xi32>
        %reduce_min3A_140 = arith.xori %select_n3A_135, %reduce_min3A_139 : vector<16xi32>
        %reduce_min3A_141 = tpu.scan <min>, %reduce_min3A_140 masked %reduce_min3A_137 : vector<16xi32>, vector<16xi1> -> vector<16xi32>
        %reduce_min3A_142 = arith.xori %reduce_min3A_141, %reduce_min3A_139 : vector<16xi32>
        %reduce_min3A_143 = vector.extract %reduce_min3A_142[15] : i32 from vector<16xi32>
        %broadcast_in_dim3A_144 = vector.broadcast %scan3A_20 : i32 to vector<16xi32>
        %gather3A_145 = tpu.vector_load_idx %arg20[%broadcast_in_dim3A_144] : memref<64xi32, #tpu.memory_space<vmem>>[vector<16xi32>], vector<16xi32>,
        %gather3A_146 = tpu.vector_load_idx %arg14[%gather3A_145] : memref<32000xf32, #tpu.memory_space<vmem>>[vector<16xi32>], vector<16xf32>,
        %scan3A_147 = arith.constant 0 : i32
        %scan3A_148 = arith.constant 0 : i32
        %scan3A_149 = arith.constant 32 : i32
        %scan3A_150 = arith.addi %scan3A_148, %scan3A_149 : i32
        %scan3A_151 = arith.constant 1 : i32
        scf.for %scan3A_153 = %scan3A_148 to %scan3A_150 step %scan3A_151  : i32 {
          %mul3A_154 = arith.constant 16 : i32
          %mul3A_155 = arith.muli %scan3A_153, %mul3A_154 : i32
          %get3A = arith.index_cast %mul3A_155 : i32 to index
          %get3A_156 = tpu.vector_load %arg18[%get3A] {strides = array<i32>} : memref<512xi32, #tpu.memory_space<vmem>>, vector<16xi32>,
          %lt3A_157 = arith.constant 32000 : i32
          %lt3A_158 = vector.broadcast %lt3A_157 : i32 to vector<16xi32>
          %lt3A_159 = arith.cmpi slt, %get3A_156, %lt3A_158 : vector<16xi32>
          %jit3A_160 = arith.constant 0 : i32
          %broadcast_in_dim3A_161 = vector.broadcast %jit3A_160 : i32 to vector<16xi32>
          %select_n3A_162 = arith.select %lt3A_159, %get3A_156, %broadcast_in_dim3A_161 : vector<16xi1>, vector<16xi32>
          %gather3A_163 = tpu.vector_load_idx %arg14[%select_n3A_162] : memref<32000xf32, #tpu.memory_space<vmem>>[vector<16xi32>], vector<16xf32>,
          %mul3A_164 = arith.constant 16 : i32
          %mul3A_165 = arith.muli %scan3A_153, %mul3A_164 : i32
          %swap3A = arith.index_cast %mul3A_165 : i32 to index
          %swap3A_166 = tpu.vector_load %arg19[%swap3A] {strides = array<i32>} : memref<512xf32, #tpu.memory_space<vmem>>, vector<16xf32>,
          tpu.vector_store %arg19[%swap3A], %gather3A_163 {strides = array<i32>} : memref<512xf32, #tpu.memory_space<vmem>>, vector<16xf32>,
        }
        %scan3A_152 = arith.constant 32 : i32
        scf.yield %reduce_max3A_130, %reduce_min3A_143, %gather3A_146 : f32, i32, vector<16xf32>
      } else {
        %dma_wait3A = arith.constant 0 : i32
        %dma_wait3A_71 = tpu.memref_slice %arg2[%mul3A_2, %dma_wait3A] : memref<2048x32000xf32, #tpu.memory_space<hbm>> -> memref<1x32000xf32, #tpu.memory_space<hbm>>
        %dma_wait3A_72 = tpu.memref_squeeze %dma_wait3A_71 : memref<1x32000xf32, #tpu.memory_space<hbm>> -> memref<32000xf32, #tpu.memory_space<hbm>>
        %dma_wait3A_73 = arith.constant 0 : i32
        %dma_wait3A_74 = tpu.memref_slice %arg2[%mul3A_2, %dma_wait3A_73] : memref<2048x32000xf32, #tpu.memory_space<hbm>> -> memref<1x32000xf32, #tpu.memory_space<hbm>>
        %dma_wait3A_75 = tpu.memref_squeeze %dma_wait3A_74 : memref<1x32000xf32, #tpu.memory_space<hbm>> -> memref<32000xf32, #tpu.memory_space<hbm>>
        tpu.wait_dma2 semaphore(%arg28 : memref<!tpu.dma_semaphore, #tpu.memory_space<semaphore_mem>>) src(%dma_wait3A_75 : memref<32000xf32, #tpu.memory_space<hbm>>) dst(%arg15 : memref<32000xf32, #tpu.memory_space<vmem>>)
        %lt3A_76 = arith.constant 63 : i32
        %lt3A_77 = arith.cmpi slt, %scan3A_20, %lt3A_76 : i32
        %convert_element_type3A_78 = arith.extui %lt3A_77 : i1 to i32
        %cond3A_79 = arith.constant 0 : i32
        %cond3A_80 = arith.cmpi ne, %convert_element_type3A_78, %cond3A_79 : i32
        scf.if %cond3A_80 {
          %add3A_153 = arith.constant 1 : i32
          %add3A_154 = arith.addi %add3A_21, %add3A_153 : i32
          %dma_start3A_155 = arith.constant 0 : i32
          %dma_start3A_156 = tpu.memref_slice %arg2[%add3A_154, %dma_start3A_155] : memref<2048x32000xf32, #tpu.memory_space<hbm>> -> memref<1x32000xf32, #tpu.memory_space<hbm>>
          %dma_start3A_157 = tpu.memref_squeeze %dma_start3A_156 : memref<1x32000xf32, #tpu.memory_space<hbm>> -> memref<32000xf32, #tpu.memory_space<hbm>>
          %dma_start3A_158 = arith.constant 0 : i32
          %dma_start3A_159 = tpu.memref_slice %arg2[%add3A_154, %dma_start3A_158] : memref<2048x32000xf32, #tpu.memory_space<hbm>> -> memref<1x32000xf32, #tpu.memory_space<hbm>>
          %dma_start3A_160 = tpu.memref_squeeze %dma_start3A_159 : memref<1x32000xf32, #tpu.memory_space<hbm>> -> memref<32000xf32, #tpu.memory_space<hbm>>
          tpu.enqueue_dma source(%dma_start3A_160 : memref<32000xf32, #tpu.memory_space<hbm>>) target(%arg14 : memref<32000xf32, #tpu.memory_space<vmem>>) target_semaphore(%arg27 : memref<!tpu.dma_semaphore, #tpu.memory_space<semaphore_mem>>)
        } else {
        }
        %scan3A_81 = arith.constant 0 : i32
        %scan3A_82 = arith.constant 500 : i32
        %scan3A_83 = arith.addi %scan3A_81, %scan3A_82 : i32
        %scan3A_84 = arith.constant 1 : i32
        %scan3A_85:8 = scf.for %scan3A_153 = %scan3A_81 to %scan3A_83 step %scan3A_84 iter_args(%scan3A_154 = %broadcast_in_dim3A_5, %scan3A_155 = %broadcast_in_dim3A_5, %scan3A_156 = %broadcast_in_dim3A_5, %scan3A_157 = %broadcast_in_dim3A_5, %scan3A_158 = %broadcast_in_dim3A_7, %scan3A_159 = %broadcast_in_dim3A_7, %scan3A_160 = %broadcast_in_dim3A_7, %scan3A_161 = %broadcast_in_dim3A_7) -> (vector<16xf32>, vector<16xf32>, vector<16xf32>, vector<16xf32>, vector<16xi32>, vector<16xi32>, vector<16xi32>, vector<16xi32>)  : i32 {
          %broadcast_in_dim3A_162 = vector.broadcast %scan3A_153 : i32 to vector<16xi32>
          %mul3A_163 = arith.constant 64 : i32
          %mul3A_164 = arith.muli %scan3A_153, %mul3A_163 : i32
          %get3A = arith.index_cast %mul3A_164 : i32 to index
          %get3A_165 = tpu.vector_load %arg15[%get3A] {strides = array<i32>} : memref<32000xf32, #tpu.memory_space<vmem>>, vector<16xf32>,
          %gt3A_166 = arith.cmpf ogt, %get3A_165, %scan3A_154 : vector<16xf32>
          %max3A_167 = arith.maximumf %scan3A_154, %get3A_165 : vector<16xf32>
          %select_n3A_168 = arith.select %gt3A_166, %broadcast_in_dim3A_162, %scan3A_158 : vector<16xi1>, vector<16xi32>
          %mul3A_169 = arith.constant 64 : i32
          %mul3A_170 = arith.muli %scan3A_153, %mul3A_169 : i32
          %add3A_171 = arith.constant 16 : i32
          %add3A_172 = arith.addi %mul3A_170, %add3A_171 : i32
          %get3A_173 = arith.index_cast %add3A_172 : i32 to index
          %get3A_174 = tpu.vector_load %arg15[%get3A_173] {strides = array<i32>} : memref<32000xf32, #tpu.memory_space<vmem>>, vector<16xf32>,
          %gt3A_175 = arith.cmpf ogt, %get3A_174, %scan3A_155 : vector<16xf32>
          %max3A_176 = arith.maximumf %scan3A_155, %get3A_174 : vector<16xf32>
          %select_n3A_177 = arith.select %gt3A_175, %broadcast_in_dim3A_162, %scan3A_159 : vector<16xi1>, vector<16xi32>
          %mul3A_178 = arith.constant 64 : i32
          %mul3A_179 = arith.muli %scan3A_153, %mul3A_178 : i32
          %add3A_180 = arith.constant 32 : i32
          %add3A_181 = arith.addi %mul3A_179, %add3A_180 : i32
          %get3A_182 = arith.index_cast %add3A_181 : i32 to index
          %get3A_183 = tpu.vector_load %arg15[%get3A_182] {strides = array<i32>} : memref<32000xf32, #tpu.memory_space<vmem>>, vector<16xf32>,
          %gt3A_184 = arith.cmpf ogt, %get3A_183, %scan3A_156 : vector<16xf32>
          %max3A_185 = arith.maximumf %scan3A_156, %get3A_183 : vector<16xf32>
          %select_n3A_186 = arith.select %gt3A_184, %broadcast_in_dim3A_162, %scan3A_160 : vector<16xi1>, vector<16xi32>
          %mul3A_187 = arith.constant 64 : i32
          %mul3A_188 = arith.muli %scan3A_153, %mul3A_187 : i32
          %add3A_189 = arith.constant 48 : i32
          %add3A_190 = arith.addi %mul3A_188, %add3A_189 : i32
          %get3A_191 = arith.index_cast %add3A_190 : i32 to index
          %get3A_192 = tpu.vector_load %arg15[%get3A_191] {strides = array<i32>} : memref<32000xf32, #tpu.memory_space<vmem>>, vector<16xf32>,
          %gt3A_193 = arith.cmpf ogt, %get3A_192, %scan3A_157 : vector<16xf32>
          %max3A_194 = arith.maximumf %scan3A_157, %get3A_192 : vector<16xf32>
          %select_n3A_195 = arith.select %gt3A_193, %broadcast_in_dim3A_162, %scan3A_161 : vector<16xi1>, vector<16xi32>
          scf.yield %max3A_167, %max3A_176, %max3A_185, %max3A_194, %select_n3A_168, %select_n3A_177, %select_n3A_186, %select_n3A_195 : vector<16xf32>, vector<16xf32>, vector<16xf32>, vector<16xf32>, vector<16xi32>, vector<16xi32>, vector<16xi32>, vector<16xi32>
        }
        %scan3A_86 = arith.constant 500 : i32
        %mul3A_87 = arith.constant 64 : i32
        %mul3A_88 = vector.broadcast %mul3A_87 : i32 to vector<16xi32>
        %mul3A_89 = arith.muli %scan3A_85#4, %mul3A_88 : vector<16xi32>
        %add3A_90 = arith.addi %mul3A_89, %iota3A : vector<16xi32>
        %mul3A_91 = arith.constant 64 : i32
        %mul3A_92 = vector.broadcast %mul3A_91 : i32 to vector<16xi32>
        %mul3A_93 = arith.muli %scan3A_85#5, %mul3A_92 : vector<16xi32>
        %add3A_94 = arith.constant 16 : i32
        %add3A_95 = vector.broadcast %add3A_94 : i32 to vector<16xi32>
        %add3A_96 = arith.addi %mul3A_93, %add3A_95 : vector<16xi32>
        %add3A_97 = arith.addi %add3A_96, %iota3A : vector<16xi32>
        %max3A = arith.maximumf %scan3A_85#0, %scan3A_85#1 : vector<16xf32>
        %gt3A = arith.cmpf ogt, %scan3A_85#0, %scan3A_85#1 : vector<16xf32>
        %gt3A_98 = arith.cmpf ogt, %scan3A_85#1, %scan3A_85#0 : vector<16xf32>
        %min3A = arith.minsi %add3A_90, %add3A_97 : vector<16xi32>
        %select_n3A_99 = arith.select %gt3A_98, %add3A_97, %min3A : vector<16xi1>, vector<16xi32>
        %select_n3A_100 = arith.select %gt3A, %add3A_90, %select_n3A_99 : vector<16xi1>, vector<16xi32>
        %mul3A_101 = arith.constant 64 : i32
        %mul3A_102 = vector.broadcast %mul3A_101 : i32 to vector<16xi32>
        %mul3A_103 = arith.muli %scan3A_85#6, %mul3A_102 : vector<16xi32>
        %add3A_104 = arith.constant 32 : i32
        %add3A_105 = vector.broadcast %add3A_104 : i32 to vector<16xi32>
        %add3A_106 = arith.addi %mul3A_103, %add3A_105 : vector<16xi32>
        %add3A_107 = arith.addi %add3A_106, %iota3A : vector<16xi32>
        %mul3A_108 = arith.constant 64 : i32
        %mul3A_109 = vector.broadcast %mul3A_108 : i32 to vector<16xi32>
        %mul3A_110 = arith.muli %scan3A_85#7, %mul3A_109 : vector<16xi32>
        %add3A_111 = arith.constant 48 : i32
        %add3A_112 = vector.broadcast %add3A_111 : i32 to vector<16xi32>
        %add3A_113 = arith.addi %mul3A_110, %add3A_112 : vector<16xi32>
        %add3A_114 = arith.addi %add3A_113, %iota3A : vector<16xi32>
        %max3A_115 = arith.maximumf %scan3A_85#2, %scan3A_85#3 : vector<16xf32>
        %gt3A_116 = arith.cmpf ogt, %scan3A_85#2, %scan3A_85#3 : vector<16xf32>
        %gt3A_117 = arith.cmpf ogt, %scan3A_85#3, %scan3A_85#2 : vector<16xf32>
        %min3A_118 = arith.minsi %add3A_107, %add3A_114 : vector<16xi32>
        %select_n3A_119 = arith.select %gt3A_117, %add3A_114, %min3A_118 : vector<16xi1>, vector<16xi32>
        %select_n3A_120 = arith.select %gt3A_116, %add3A_107, %select_n3A_119 : vector<16xi1>, vector<16xi32>
        %max3A_121 = arith.maximumf %max3A, %max3A_115 : vector<16xf32>
        %gt3A_122 = arith.cmpf ogt, %max3A, %max3A_115 : vector<16xf32>
        %gt3A_123 = arith.cmpf ogt, %max3A_115, %max3A : vector<16xf32>
        %min3A_124 = arith.minsi %select_n3A_100, %select_n3A_120 : vector<16xi32>
        %select_n3A_125 = arith.select %gt3A_123, %select_n3A_120, %min3A_124 : vector<16xi1>, vector<16xi32>
        %select_n3A_126 = arith.select %gt3A_122, %select_n3A_100, %select_n3A_125 : vector<16xi1>, vector<16xi32>
        %reduce_max3A_127 = arith.constant true
        %reduce_max3A_128 = vector.broadcast %reduce_max3A_127 : i1 to vector<16xi1>
        %reduce_max3A_129 = tpu.scan <max>, %max3A_121 masked %reduce_max3A_128 : vector<16xf32>, vector<16xi1> -> vector<16xf32>
        %reduce_max3A_130 = vector.extract %reduce_max3A_129[15] : f32 from vector<16xf32>
        %eq3A_131 = vector.broadcast %reduce_max3A_130 : f32 to vector<16xf32>
        %eq3A_132 = arith.cmpf oeq, %max3A_121, %eq3A_131 : vector<16xf32>
        %jit3A_133 = arith.constant 1073741824 : i32
        %broadcast_in_dim3A_134 = vector.broadcast %jit3A_133 : i32 to vector<16xi32>
        %select_n3A_135 = arith.select %eq3A_132, %select_n3A_126, %broadcast_in_dim3A_134 : vector<16xi1>, vector<16xi32>
        %reduce_min3A_136 = arith.constant true
        %reduce_min3A_137 = vector.broadcast %reduce_min3A_136 : i1 to vector<16xi1>
        %reduce_min3A_138 = arith.constant -2147483648 : i32
        %reduce_min3A_139 = vector.broadcast %reduce_min3A_138 : i32 to vector<16xi32>
        %reduce_min3A_140 = arith.xori %select_n3A_135, %reduce_min3A_139 : vector<16xi32>
        %reduce_min3A_141 = tpu.scan <min>, %reduce_min3A_140 masked %reduce_min3A_137 : vector<16xi32>, vector<16xi1> -> vector<16xi32>
        %reduce_min3A_142 = arith.xori %reduce_min3A_141, %reduce_min3A_139 : vector<16xi32>
        %reduce_min3A_143 = vector.extract %reduce_min3A_142[15] : i32 from vector<16xi32>
        %broadcast_in_dim3A_144 = vector.broadcast %scan3A_20 : i32 to vector<16xi32>
        %gather3A_145 = tpu.vector_load_idx %arg20[%broadcast_in_dim3A_144] : memref<64xi32, #tpu.memory_space<vmem>>[vector<16xi32>], vector<16xi32>,
        %gather3A_146 = tpu.vector_load_idx %arg15[%gather3A_145] : memref<32000xf32, #tpu.memory_space<vmem>>[vector<16xi32>], vector<16xf32>,
        %scan3A_147 = arith.constant 0 : i32
        %scan3A_148 = arith.constant 0 : i32
        %scan3A_149 = arith.constant 32 : i32
        %scan3A_150 = arith.addi %scan3A_148, %scan3A_149 : i32
        %scan3A_151 = arith.constant 1 : i32
        scf.for %scan3A_153 = %scan3A_148 to %scan3A_150 step %scan3A_151  : i32 {
          %mul3A_154 = arith.constant 16 : i32
          %mul3A_155 = arith.muli %scan3A_153, %mul3A_154 : i32
          %get3A = arith.index_cast %mul3A_155 : i32 to index
          %get3A_156 = tpu.vector_load %arg18[%get3A] {strides = array<i32>} : memref<512xi32, #tpu.memory_space<vmem>>, vector<16xi32>,
          %lt3A_157 = arith.constant 32000 : i32
          %lt3A_158 = vector.broadcast %lt3A_157 : i32 to vector<16xi32>
          %lt3A_159 = arith.cmpi slt, %get3A_156, %lt3A_158 : vector<16xi32>
          %jit3A_160 = arith.constant 0 : i32
          %broadcast_in_dim3A_161 = vector.broadcast %jit3A_160 : i32 to vector<16xi32>
          %select_n3A_162 = arith.select %lt3A_159, %get3A_156, %broadcast_in_dim3A_161 : vector<16xi1>, vector<16xi32>
          %gather3A_163 = tpu.vector_load_idx %arg15[%select_n3A_162] : memref<32000xf32, #tpu.memory_space<vmem>>[vector<16xi32>], vector<16xf32>,
          %mul3A_164 = arith.constant 16 : i32
          %mul3A_165 = arith.muli %scan3A_153, %mul3A_164 : i32
          %swap3A = arith.index_cast %mul3A_165 : i32 to index
          %swap3A_166 = tpu.vector_load %arg19[%swap3A] {strides = array<i32>} : memref<512xf32, #tpu.memory_space<vmem>>, vector<16xf32>,
          tpu.vector_store %arg19[%swap3A], %gather3A_163 {strides = array<i32>} : memref<512xf32, #tpu.memory_space<vmem>>, vector<16xf32>,
        }
        %scan3A_152 = arith.constant 32 : i32
        scf.yield %reduce_max3A_130, %reduce_min3A_143, %gather3A_146 : f32, i32, vector<16xf32>
      }
      "tpu.region"() ({
        %run_scoped3A = tpu.sem_alloc : memref<!tpu.dma_semaphore, #tpu.memory_space<semaphore_mem>>
        %dma_start3A_71 = arith.constant 0 : i32
        %dma_start3A_72 = tpu.memref_slice %arg13[%add3A_21, %dma_start3A_71] : memref<2048x512xf32, #tpu.memory_space<hbm>> -> memref<1x512xf32, #tpu.memory_space<hbm>>
        %dma_start3A_73 = tpu.memref_squeeze %dma_start3A_72 : memref<1x512xf32, #tpu.memory_space<hbm>> -> memref<512xf32, #tpu.memory_space<hbm>>
        %dma_start3A_74 = arith.constant 0 : i32
        %dma_start3A_75 = tpu.memref_slice %arg13[%add3A_21, %dma_start3A_74] : memref<2048x512xf32, #tpu.memory_space<hbm>> -> memref<1x512xf32, #tpu.memory_space<hbm>>
        %dma_start3A_76 = tpu.memref_squeeze %dma_start3A_75 : memref<1x512xf32, #tpu.memory_space<hbm>> -> memref<512xf32, #tpu.memory_space<hbm>>
        tpu.enqueue_dma source(%arg19 : memref<512xf32, #tpu.memory_space<vmem>>) target(%dma_start3A_76 : memref<512xf32, #tpu.memory_space<hbm>>) target_semaphore(%run_scoped3A : memref<!tpu.dma_semaphore, #tpu.memory_space<semaphore_mem>>)
        %dma_wait3A = arith.constant 0 : i32
        %dma_wait3A_77 = tpu.memref_slice %arg13[%add3A_21, %dma_wait3A] : memref<2048x512xf32, #tpu.memory_space<hbm>> -> memref<1x512xf32, #tpu.memory_space<hbm>>
        %dma_wait3A_78 = tpu.memref_squeeze %dma_wait3A_77 : memref<1x512xf32, #tpu.memory_space<hbm>> -> memref<512xf32, #tpu.memory_space<hbm>>
        %dma_wait3A_79 = arith.constant 0 : i32
        %dma_wait3A_80 = tpu.memref_slice %arg13[%add3A_21, %dma_wait3A_79] : memref<2048x512xf32, #tpu.memory_space<hbm>> -> memref<1x512xf32, #tpu.memory_space<hbm>>
        %dma_wait3A_81 = tpu.memref_squeeze %dma_wait3A_80 : memref<1x512xf32, #tpu.memory_space<hbm>> -> memref<512xf32, #tpu.memory_space<hbm>>
        tpu.wait_dma2 semaphore(%run_scoped3A : memref<!tpu.dma_semaphore, #tpu.memory_space<semaphore_mem>>) src(%arg19 : memref<512xf32, #tpu.memory_space<vmem>>) dst(%dma_wait3A_81 : memref<512xf32, #tpu.memory_space<hbm>>)
        tpu.yield
      }) : () -> ()
      %broadcast_in_dim3A_66 = vector.broadcast %scan3A_20 : i32 to vector<16xi32>
      %broadcast_in_dim3A_67 = vector.broadcast %cond3A_65#0 : f32 to vector<16xf32>
      tpu.vector_store_idx %arg21[%broadcast_in_dim3A_66], %broadcast_in_dim3A_67 masked %eq3A_9 : memref<64xf32, #tpu.memory_space<vmem>>[vector<16xi32>], vector<16xf32>, vector<16xi1>
      %broadcast_in_dim3A_68 = vector.broadcast %cond3A_65#1 : i32 to vector<16xi32>
      tpu.vector_store_idx %arg22[%broadcast_in_dim3A_66], %broadcast_in_dim3A_68 masked %eq3A_9 : memref<64xi32, #tpu.memory_space<vmem>>[vector<16xi32>], vector<16xi32>, vector<16xi1>
      tpu.vector_store_idx %arg23[%broadcast_in_dim3A_66], %cond3A_65#2 masked %eq3A_9 : memref<64xf32, #tpu.memory_space<vmem>>[vector<16xi32>], vector<16xf32>, vector<16xi1>
      %broadcast_in_dim3A_69 = vector.broadcast %reduce_sum3A_30 : f32 to vector<16xf32>
      tpu.vector_store_idx %arg24[%broadcast_in_dim3A_66], %broadcast_in_dim3A_69 masked %eq3A_9 : memref<64xf32, #tpu.memory_space<vmem>>[vector<16xi32>], vector<16xf32>, vector<16xi1>
      %broadcast_in_dim3A_70 = vector.broadcast %reduce_max3A_33 : f32 to vector<16xf32>
      tpu.vector_store_idx %arg25[%broadcast_in_dim3A_66], %broadcast_in_dim3A_70 masked %eq3A_9 : memref<64xf32, #tpu.memory_space<vmem>>[vector<16xi32>], vector<16xf32>, vector<16xi1>
      tpu.vector_store_idx %arg26[%broadcast_in_dim3A_66], %gather3A masked %eq3A_9 : memref<64xi32, #tpu.memory_space<vmem>>[vector<16xi32>], vector<16xi32>, vector<16xi1>
    }
    %scan3A_19 = arith.constant 64 : i32
    "tpu.region"() ({
      %run_scoped3A = tpu.sem_alloc : memref<!tpu.dma_semaphore, #tpu.memory_space<semaphore_mem>>
      %dma_start3A_20 = tpu.memref_slice %arg7[%mul3A_2] : memref<2048xf32, #tpu.memory_space<hbm>> -> memref<64xf32, #tpu.memory_space<hbm>>
      %dma_start3A_21 = tpu.memref_slice %arg7[%mul3A_2] : memref<2048xf32, #tpu.memory_space<hbm>> -> memref<64xf32, #tpu.memory_space<hbm>>
      tpu.enqueue_dma source(%arg21 : memref<64xf32, #tpu.memory_space<vmem>>) target(%dma_start3A_21 : memref<64xf32, #tpu.memory_space<hbm>>) target_semaphore(%run_scoped3A : memref<!tpu.dma_semaphore, #tpu.memory_space<semaphore_mem>>)
      %dma_wait3A = tpu.memref_slice %arg7[%mul3A_2] : memref<2048xf32, #tpu.memory_space<hbm>> -> memref<64xf32, #tpu.memory_space<hbm>>
      %dma_wait3A_22 = tpu.memref_slice %arg7[%mul3A_2] : memref<2048xf32, #tpu.memory_space<hbm>> -> memref<64xf32, #tpu.memory_space<hbm>>
      tpu.wait_dma2 semaphore(%run_scoped3A : memref<!tpu.dma_semaphore, #tpu.memory_space<semaphore_mem>>) src(%arg21 : memref<64xf32, #tpu.memory_space<vmem>>) dst(%dma_wait3A_22 : memref<64xf32, #tpu.memory_space<hbm>>)
      tpu.yield
    }) : () -> ()
    "tpu.region"() ({
      %run_scoped3A = tpu.sem_alloc : memref<!tpu.dma_semaphore, #tpu.memory_space<semaphore_mem>>
      %dma_start3A_20 = tpu.memref_slice %arg8[%mul3A_2] : memref<2048xi32, #tpu.memory_space<hbm>> -> memref<64xi32, #tpu.memory_space<hbm>>
      %dma_start3A_21 = tpu.memref_slice %arg8[%mul3A_2] : memref<2048xi32, #tpu.memory_space<hbm>> -> memref<64xi32, #tpu.memory_space<hbm>>
      tpu.enqueue_dma source(%arg22 : memref<64xi32, #tpu.memory_space<vmem>>) target(%dma_start3A_21 : memref<64xi32, #tpu.memory_space<hbm>>) target_semaphore(%run_scoped3A : memref<!tpu.dma_semaphore, #tpu.memory_space<semaphore_mem>>)
      %dma_wait3A = tpu.memref_slice %arg8[%mul3A_2] : memref<2048xi32, #tpu.memory_space<hbm>> -> memref<64xi32, #tpu.memory_space<hbm>>
      %dma_wait3A_22 = tpu.memref_slice %arg8[%mul3A_2] : memref<2048xi32, #tpu.memory_space<hbm>> -> memref<64xi32, #tpu.memory_space<hbm>>
      tpu.wait_dma2 semaphore(%run_scoped3A : memref<!tpu.dma_semaphore, #tpu.memory_space<semaphore_mem>>) src(%arg22 : memref<64xi32, #tpu.memory_space<vmem>>) dst(%dma_wait3A_22 : memref<64xi32, #tpu.memory_space<hbm>>)
      tpu.yield
    }) : () -> ()
    "tpu.region"() ({
      %run_scoped3A = tpu.sem_alloc : memref<!tpu.dma_semaphore, #tpu.memory_space<semaphore_mem>>
      %dma_start3A_20 = tpu.memref_slice %arg9[%mul3A_2] : memref<2048xf32, #tpu.memory_space<hbm>> -> memref<64xf32, #tpu.memory_space<hbm>>
      %dma_start3A_21 = tpu.memref_slice %arg9[%mul3A_2] : memref<2048xf32, #tpu.memory_space<hbm>> -> memref<64xf32, #tpu.memory_space<hbm>>
      tpu.enqueue_dma source(%arg23 : memref<64xf32, #tpu.memory_space<vmem>>) target(%dma_start3A_21 : memref<64xf32, #tpu.memory_space<hbm>>) target_semaphore(%run_scoped3A : memref<!tpu.dma_semaphore, #tpu.memory_space<semaphore_mem>>)
      %dma_wait3A = tpu.memref_slice %arg9[%mul3A_2] : memref<2048xf32, #tpu.memory_space<hbm>> -> memref<64xf32, #tpu.memory_space<hbm>>
      %dma_wait3A_22 = tpu.memref_slice %arg9[%mul3A_2] : memref<2048xf32, #tpu.memory_space<hbm>> -> memref<64xf32, #tpu.memory_space<hbm>>
      tpu.wait_dma2 semaphore(%run_scoped3A : memref<!tpu.dma_semaphore, #tpu.memory_space<semaphore_mem>>) src(%arg23 : memref<64xf32, #tpu.memory_space<vmem>>) dst(%dma_wait3A_22 : memref<64xf32, #tpu.memory_space<hbm>>)
      tpu.yield
    }) : () -> ()
    "tpu.region"() ({
      %run_scoped3A = tpu.sem_alloc : memref<!tpu.dma_semaphore, #tpu.memory_space<semaphore_mem>>
      %dma_start3A_20 = tpu.memref_slice %arg10[%mul3A_2] : memref<2048xf32, #tpu.memory_space<hbm>> -> memref<64xf32, #tpu.memory_space<hbm>>
      %dma_start3A_21 = tpu.memref_slice %arg10[%mul3A_2] : memref<2048xf32, #tpu.memory_space<hbm>> -> memref<64xf32, #tpu.memory_space<hbm>>
      tpu.enqueue_dma source(%arg24 : memref<64xf32, #tpu.memory_space<vmem>>) target(%dma_start3A_21 : memref<64xf32, #tpu.memory_space<hbm>>) target_semaphore(%run_scoped3A : memref<!tpu.dma_semaphore, #tpu.memory_space<semaphore_mem>>)
      %dma_wait3A = tpu.memref_slice %arg10[%mul3A_2] : memref<2048xf32, #tpu.memory_space<hbm>> -> memref<64xf32, #tpu.memory_space<hbm>>
      %dma_wait3A_22 = tpu.memref_slice %arg10[%mul3A_2] : memref<2048xf32, #tpu.memory_space<hbm>> -> memref<64xf32, #tpu.memory_space<hbm>>
      tpu.wait_dma2 semaphore(%run_scoped3A : memref<!tpu.dma_semaphore, #tpu.memory_space<semaphore_mem>>) src(%arg24 : memref<64xf32, #tpu.memory_space<vmem>>) dst(%dma_wait3A_22 : memref<64xf32, #tpu.memory_space<hbm>>)
      tpu.yield
    }) : () -> ()
    "tpu.region"() ({
      %run_scoped3A = tpu.sem_alloc : memref<!tpu.dma_semaphore, #tpu.memory_space<semaphore_mem>>
      %dma_start3A_20 = tpu.memref_slice %arg11[%mul3A_2] : memref<2048xf32, #tpu.memory_space<hbm>> -> memref<64xf32, #tpu.memory_space<hbm>>
      %dma_start3A_21 = tpu.memref_slice %arg11[%mul3A_2] : memref<2048xf32, #tpu.memory_space<hbm>> -> memref<64xf32, #tpu.memory_space<hbm>>
      tpu.enqueue_dma source(%arg25 : memref<64xf32, #tpu.memory_space<vmem>>) target(%dma_start3A_21 : memref<64xf32, #tpu.memory_space<hbm>>) target_semaphore(%run_scoped3A : memref<!tpu.dma_semaphore, #tpu.memory_space<semaphore_mem>>)
      %dma_wait3A = tpu.memref_slice %arg11[%mul3A_2] : memref<2048xf32, #tpu.memory_space<hbm>> -> memref<64xf32, #tpu.memory_space<hbm>>
      %dma_wait3A_22 = tpu.memref_slice %arg11[%mul3A_2] : memref<2048xf32, #tpu.memory_space<hbm>> -> memref<64xf32, #tpu.memory_space<hbm>>
      tpu.wait_dma2 semaphore(%run_scoped3A : memref<!tpu.dma_semaphore, #tpu.memory_space<semaphore_mem>>) src(%arg25 : memref<64xf32, #tpu.memory_space<vmem>>) dst(%dma_wait3A_22 : memref<64xf32, #tpu.memory_space<hbm>>)
      tpu.yield
    }) : () -> ()
    "tpu.region"() ({
      %run_scoped3A = tpu.sem_alloc : memref<!tpu.dma_semaphore, #tpu.memory_space<semaphore_mem>>
      %dma_start3A_20 = tpu.memref_slice %arg12[%mul3A_2] : memref<2048xi32, #tpu.memory_space<hbm>> -> memref<64xi32, #tpu.memory_space<hbm>>
      %dma_start3A_21 = tpu.memref_slice %arg12[%mul3A_2] : memref<2048xi32, #tpu.memory_space<hbm>> -> memref<64xi32, #tpu.memory_space<hbm>>
      tpu.enqueue_dma source(%arg26 : memref<64xi32, #tpu.memory_space<vmem>>) target(%dma_start3A_21 : memref<64xi32, #tpu.memory_space<hbm>>) target_semaphore(%run_scoped3A : memref<!tpu.dma_semaphore, #tpu.memory_space<semaphore_mem>>)
      %dma_wait3A = tpu.memref_slice %arg12[%mul3A_2] : memref<2048xi32, #tpu.memory_space<hbm>> -> memref<64xi32, #tpu.memory_space<hbm>>
      %dma_wait3A_22 = tpu.memref_slice %arg12[%mul3A_2] : memref<2048xi32, #tpu.memory_space<hbm>> -> memref<64xi32, #tpu.memory_space<hbm>>
      tpu.wait_dma2 semaphore(%run_scoped3A : memref<!tpu.dma_semaphore, #tpu.memory_space<semaphore_mem>>) src(%arg26 : memref<64xi32, #tpu.memory_space<vmem>>) dst(%dma_wait3A_22 : memref<64xi32, #tpu.memory_space<hbm>>)
      tpu.yield
    }) : () -> ()
    return
  }
}

#map = affine_map<(d0, d1) -> (0, 0)>
#map1 = affine_map<(d0, d1) -> (0)>
module attributes {stable_mosaic.version = 14 : i64} {
  func.func @_sc_b_body(%arg0: i32, %arg1: i32, %arg2: memref<2048x512xi32, #tpu.memory_space<hbm>>, %arg3: memref<1048576xi32, #tpu.memory_space<hbm>>, %arg4: memref<1048576xf32, #tpu.memory_space<hbm>>, %arg5: memref<2048x512xf32, #tpu.memory_space<hbm>>, %arg6: memref<2048xf32, #tpu.memory_space<hbm>>, %arg7: memref<2048xi32, #tpu.memory_space<hbm>>, %arg8: memref<2048xf32, #tpu.memory_space<hbm>>, %arg9: memref<2048xi32, #tpu.memory_space<hbm>>, %arg10: memref<2048xi32, #tpu.memory_space<hbm>>, %arg11: memref<32000xf32, #tpu.memory_space<vmem>>, %arg12: memref<512xi32, #tpu.memory_space<vmem>>, %arg13: memref<512xi32, #tpu.memory_space<vmem>>, %arg14: memref<512xf32, #tpu.memory_space<vmem>>, %arg15: memref<512xf32, #tpu.memory_space<vmem>>, %arg16: memref<528xi32, #tpu.memory_space<vmem>>, %arg17: memref<528xi32, #tpu.memory_space<vmem>>, %arg18: memref<512xf32, #tpu.memory_space<vmem>>, %arg19: memref<512xf32, #tpu.memory_space<vmem>>, %arg20: memref<128xf32, #tpu.memory_space<vmem>>, %arg21: memref<128xi32, #tpu.memory_space<vmem>>, %arg22: memref<64xi32, #tpu.memory_space<vmem>>, %arg23: memref<!tpu.dma_semaphore, #tpu.memory_space<semaphore_mem>>, %arg24: memref<!tpu.dma_semaphore, #tpu.memory_space<semaphore_mem>>) attributes {dimension_semantics = [#tpu.dimension_semantics<core_parallel>, #tpu.dimension_semantics<subcore_parallel>], iteration_bounds = array<i64: 2, 16>, scalar_prefetch = 0 : i64, scratch_operands = 14 : i64, tpu.core_type = #tpu.core_type<sc_vector_subcore>, window_params = [{transform_indices = #map}, {transform_indices = #map1}, {transform_indices = #map1}, {transform_indices = #map}, {transform_indices = #map1}, {transform_indices = #map1}, {transform_indices = #map1}, {transform_indices = #map1}, {transform_indices = #map1}]} {
    %mul3A = arith.constant 2 : i32
    %mul3A_0 = arith.muli %arg1, %mul3A : i32
    %add3A = arith.addi %mul3A_0, %arg0 : i32
    %mul3A_1 = arith.constant 64 : i32
    %mul3A_2 = arith.muli %add3A, %mul3A_1 : i32
    %iota3A = tpu.iota {dimensions = array<i32: 0>} : vector<16xi32>
    %broadcast_in_dim3A = arith.constant -3.000000e+38 : f32
    %broadcast_in_dim3A_3 = vector.broadcast %broadcast_in_dim3A : f32 to vector<16xf32>
    %broadcast_in_dim3A_4 = arith.constant 0 : i32
    %broadcast_in_dim3A_5 = vector.broadcast %broadcast_in_dim3A_4 : i32 to vector<16xi32>
    %eq3A = arith.constant 0 : i32
    %eq3A_6 = vector.broadcast %eq3A : i32 to vector<16xi32>
    %eq3A_7 = arith.cmpi eq, %iota3A, %eq3A_6 : vector<16xi32>
    "tpu.region"() ({
      %run_scoped3A = tpu.sem_alloc : memref<!tpu.dma_semaphore, #tpu.memory_space<semaphore_mem>>
      %dma_start3A_43 = arith.constant 0 : i32
      %dma_start3A_44 = tpu.memref_slice %arg20[%dma_start3A_43] : memref<128xf32, #tpu.memory_space<vmem>> -> memref<64xf32, #tpu.memory_space<vmem>>
      %dma_start3A_45 = tpu.memref_slice %arg6[%mul3A_2] : memref<2048xf32, #tpu.memory_space<hbm>> -> memref<64xf32, #tpu.memory_space<hbm>>
      %dma_start3A_46 = arith.constant 0 : i32
      %dma_start3A_47 = tpu.memref_slice %arg20[%dma_start3A_46] : memref<128xf32, #tpu.memory_space<vmem>> -> memref<64xf32, #tpu.memory_space<vmem>>
      %dma_start3A_48 = tpu.memref_slice %arg6[%mul3A_2] : memref<2048xf32, #tpu.memory_space<hbm>> -> memref<64xf32, #tpu.memory_space<hbm>>
      tpu.enqueue_dma source(%dma_start3A_48 : memref<64xf32, #tpu.memory_space<hbm>>) target(%dma_start3A_47 : memref<64xf32, #tpu.memory_space<vmem>>) target_semaphore(%run_scoped3A : memref<!tpu.dma_semaphore, #tpu.memory_space<semaphore_mem>>)
      %dma_wait3A = arith.constant 0 : i32
      %dma_wait3A_49 = tpu.memref_slice %arg20[%dma_wait3A] : memref<128xf32, #tpu.memory_space<vmem>> -> memref<64xf32, #tpu.memory_space<vmem>>
      %dma_wait3A_50 = tpu.memref_slice %arg6[%mul3A_2] : memref<2048xf32, #tpu.memory_space<hbm>> -> memref<64xf32, #tpu.memory_space<hbm>>
      %dma_wait3A_51 = arith.constant 0 : i32
      %dma_wait3A_52 = tpu.memref_slice %arg20[%dma_wait3A_51] : memref<128xf32, #tpu.memory_space<vmem>> -> memref<64xf32, #tpu.memory_space<vmem>>
      %dma_wait3A_53 = tpu.memref_slice %arg6[%mul3A_2] : memref<2048xf32, #tpu.memory_space<hbm>> -> memref<64xf32, #tpu.memory_space<hbm>>
      tpu.wait_dma2 semaphore(%run_scoped3A : memref<!tpu.dma_semaphore, #tpu.memory_space<semaphore_mem>>) src(%dma_wait3A_53 : memref<64xf32, #tpu.memory_space<hbm>>) dst(%dma_wait3A_52 : memref<64xf32, #tpu.memory_space<vmem>>)
      tpu.yield
    }) : () -> ()
    "tpu.region"() ({
      %run_scoped3A = tpu.sem_alloc : memref<!tpu.dma_semaphore, #tpu.memory_space<semaphore_mem>>
      %dma_start3A_43 = arith.constant 64 : i32
      %dma_start3A_44 = tpu.memref_slice %arg20[%dma_start3A_43] : memref<128xf32, #tpu.memory_space<vmem>> -> memref<64xf32, #tpu.memory_space<vmem>>
      %dma_start3A_45 = tpu.memref_slice %arg8[%mul3A_2] : memref<2048xf32, #tpu.memory_space<hbm>> -> memref<64xf32, #tpu.memory_space<hbm>>
      %dma_start3A_46 = arith.constant 64 : i32
      %dma_start3A_47 = tpu.memref_slice %arg20[%dma_start3A_46] : memref<128xf32, #tpu.memory_space<vmem>> -> memref<64xf32, #tpu.memory_space<vmem>>
      %dma_start3A_48 = tpu.memref_slice %arg8[%mul3A_2] : memref<2048xf32, #tpu.memory_space<hbm>> -> memref<64xf32, #tpu.memory_space<hbm>>
      tpu.enqueue_dma source(%dma_start3A_48 : memref<64xf32, #tpu.memory_space<hbm>>) target(%dma_start3A_47 : memref<64xf32, #tpu.memory_space<vmem>>) target_semaphore(%run_scoped3A : memref<!tpu.dma_semaphore, #tpu.memory_space<semaphore_mem>>)
      %dma_wait3A = arith.constant 64 : i32
      %dma_wait3A_49 = tpu.memref_slice %arg20[%dma_wait3A] : memref<128xf32, #tpu.memory_space<vmem>> -> memref<64xf32, #tpu.memory_space<vmem>>
      %dma_wait3A_50 = tpu.memref_slice %arg8[%mul3A_2] : memref<2048xf32, #tpu.memory_space<hbm>> -> memref<64xf32, #tpu.memory_space<hbm>>
      %dma_wait3A_51 = arith.constant 64 : i32
      %dma_wait3A_52 = tpu.memref_slice %arg20[%dma_wait3A_51] : memref<128xf32, #tpu.memory_space<vmem>> -> memref<64xf32, #tpu.memory_space<vmem>>
      %dma_wait3A_53 = tpu.memref_slice %arg8[%mul3A_2] : memref<2048xf32, #tpu.memory_space<hbm>> -> memref<64xf32, #tpu.memory_space<hbm>>
      tpu.wait_dma2 semaphore(%run_scoped3A : memref<!tpu.dma_semaphore, #tpu.memory_space<semaphore_mem>>) src(%dma_wait3A_53 : memref<64xf32, #tpu.memory_space<hbm>>) dst(%dma_wait3A_52 : memref<64xf32, #tpu.memory_space<vmem>>)
      tpu.yield
    }) : () -> ()
    "tpu.region"() ({
      %run_scoped3A = tpu.sem_alloc : memref<!tpu.dma_semaphore, #tpu.memory_space<semaphore_mem>>
      %dma_start3A_43 = arith.constant 0 : i32
      %dma_start3A_44 = tpu.memref_slice %arg21[%dma_start3A_43] : memref<128xi32, #tpu.memory_space<vmem>> -> memref<64xi32, #tpu.memory_space<vmem>>
      %dma_start3A_45 = tpu.memref_slice %arg7[%mul3A_2] : memref<2048xi32, #tpu.memory_space<hbm>> -> memref<64xi32, #tpu.memory_space<hbm>>
      %dma_start3A_46 = arith.constant 0 : i32
      %dma_start3A_47 = tpu.memref_slice %arg21[%dma_start3A_46] : memref<128xi32, #tpu.memory_space<vmem>> -> memref<64xi32, #tpu.memory_space<vmem>>
      %dma_start3A_48 = tpu.memref_slice %arg7[%mul3A_2] : memref<2048xi32, #tpu.memory_space<hbm>> -> memref<64xi32, #tpu.memory_space<hbm>>
      tpu.enqueue_dma source(%dma_start3A_48 : memref<64xi32, #tpu.memory_space<hbm>>) target(%dma_start3A_47 : memref<64xi32, #tpu.memory_space<vmem>>) target_semaphore(%run_scoped3A : memref<!tpu.dma_semaphore, #tpu.memory_space<semaphore_mem>>)
      %dma_wait3A = arith.constant 0 : i32
      %dma_wait3A_49 = tpu.memref_slice %arg21[%dma_wait3A] : memref<128xi32, #tpu.memory_space<vmem>> -> memref<64xi32, #tpu.memory_space<vmem>>
      %dma_wait3A_50 = tpu.memref_slice %arg7[%mul3A_2] : memref<2048xi32, #tpu.memory_space<hbm>> -> memref<64xi32, #tpu.memory_space<hbm>>
      %dma_wait3A_51 = arith.constant 0 : i32
      %dma_wait3A_52 = tpu.memref_slice %arg21[%dma_wait3A_51] : memref<128xi32, #tpu.memory_space<vmem>> -> memref<64xi32, #tpu.memory_space<vmem>>
      %dma_wait3A_53 = tpu.memref_slice %arg7[%mul3A_2] : memref<2048xi32, #tpu.memory_space<hbm>> -> memref<64xi32, #tpu.memory_space<hbm>>
      tpu.wait_dma2 semaphore(%run_scoped3A : memref<!tpu.dma_semaphore, #tpu.memory_space<semaphore_mem>>) src(%dma_wait3A_53 : memref<64xi32, #tpu.memory_space<hbm>>) dst(%dma_wait3A_52 : memref<64xi32, #tpu.memory_space<vmem>>)
      tpu.yield
    }) : () -> ()
    "tpu.region"() ({
      %run_scoped3A = tpu.sem_alloc : memref<!tpu.dma_semaphore, #tpu.memory_space<semaphore_mem>>
      %dma_start3A_43 = arith.constant 64 : i32
      %dma_start3A_44 = tpu.memref_slice %arg21[%dma_start3A_43] : memref<128xi32, #tpu.memory_space<vmem>> -> memref<64xi32, #tpu.memory_space<vmem>>
      %dma_start3A_45 = tpu.memref_slice %arg9[%mul3A_2] : memref<2048xi32, #tpu.memory_space<hbm>> -> memref<64xi32, #tpu.memory_space<hbm>>
      %dma_start3A_46 = arith.constant 64 : i32
      %dma_start3A_47 = tpu.memref_slice %arg21[%dma_start3A_46] : memref<128xi32, #tpu.memory_space<vmem>> -> memref<64xi32, #tpu.memory_space<vmem>>
      %dma_start3A_48 = tpu.memref_slice %arg9[%mul3A_2] : memref<2048xi32, #tpu.memory_space<hbm>> -> memref<64xi32, #tpu.memory_space<hbm>>
      tpu.enqueue_dma source(%dma_start3A_48 : memref<64xi32, #tpu.memory_space<hbm>>) target(%dma_start3A_47 : memref<64xi32, #tpu.memory_space<vmem>>) target_semaphore(%run_scoped3A : memref<!tpu.dma_semaphore, #tpu.memory_space<semaphore_mem>>)
      %dma_wait3A = arith.constant 64 : i32
      %dma_wait3A_49 = tpu.memref_slice %arg21[%dma_wait3A] : memref<128xi32, #tpu.memory_space<vmem>> -> memref<64xi32, #tpu.memory_space<vmem>>
      %dma_wait3A_50 = tpu.memref_slice %arg9[%mul3A_2] : memref<2048xi32, #tpu.memory_space<hbm>> -> memref<64xi32, #tpu.memory_space<hbm>>
      %dma_wait3A_51 = arith.constant 64 : i32
      %dma_wait3A_52 = tpu.memref_slice %arg21[%dma_wait3A_51] : memref<128xi32, #tpu.memory_space<vmem>> -> memref<64xi32, #tpu.memory_space<vmem>>
      %dma_wait3A_53 = tpu.memref_slice %arg9[%mul3A_2] : memref<2048xi32, #tpu.memory_space<hbm>> -> memref<64xi32, #tpu.memory_space<hbm>>
      tpu.wait_dma2 semaphore(%run_scoped3A : memref<!tpu.dma_semaphore, #tpu.memory_space<semaphore_mem>>) src(%dma_wait3A_53 : memref<64xi32, #tpu.memory_space<hbm>>) dst(%dma_wait3A_52 : memref<64xi32, #tpu.memory_space<vmem>>)
      tpu.yield
    }) : () -> ()
    %broadcast_in_dim3A_8 = arith.constant -1 : i32
    %broadcast_in_dim3A_9 = vector.broadcast %broadcast_in_dim3A_8 : i32 to vector<16xi32>
    %swap3A = arith.constant 512 : index
    %swap3A_10 = tpu.vector_load %arg16[%swap3A] {strides = array<i32>} : memref<528xi32, #tpu.memory_space<vmem>>, vector<16xi32>,
    tpu.vector_store %arg16[%swap3A], %broadcast_in_dim3A_9 {strides = array<i32>} : memref<528xi32, #tpu.memory_space<vmem>>, vector<16xi32>,
    %broadcast_in_dim3A_11 = arith.constant -1 : i32
    %broadcast_in_dim3A_12 = vector.broadcast %broadcast_in_dim3A_11 : i32 to vector<16xi32>
    %swap3A_13 = arith.constant 512 : index
    %swap3A_14 = tpu.vector_load %arg17[%swap3A_13] {strides = array<i32>} : memref<528xi32, #tpu.memory_space<vmem>>, vector<16xi32>,
    tpu.vector_store %arg17[%swap3A_13], %broadcast_in_dim3A_12 {strides = array<i32>} : memref<528xi32, #tpu.memory_space<vmem>>, vector<16xi32>,
    %dma_start3A = arith.constant 0 : i32
    %dma_start3A_15 = tpu.memref_slice %arg2[%mul3A_2, %dma_start3A] : memref<2048x512xi32, #tpu.memory_space<hbm>> -> memref<1x512xi32, #tpu.memory_space<hbm>>
    %dma_start3A_16 = tpu.memref_squeeze %dma_start3A_15 : memref<1x512xi32, #tpu.memory_space<hbm>> -> memref<512xi32, #tpu.memory_space<hbm>>
    %dma_start3A_17 = arith.constant 0 : i32
    %dma_start3A_18 = tpu.memref_slice %arg2[%mul3A_2, %dma_start3A_17] : memref<2048x512xi32, #tpu.memory_space<hbm>> -> memref<1x512xi32, #tpu.memory_space<hbm>>
    %dma_start3A_19 = tpu.memref_squeeze %dma_start3A_18 : memref<1x512xi32, #tpu.memory_space<hbm>> -> memref<512xi32, #tpu.memory_space<hbm>>
    tpu.enqueue_dma source(%dma_start3A_19 : memref<512xi32, #tpu.memory_space<hbm>>) target(%arg12 : memref<512xi32, #tpu.memory_space<vmem>>) target_semaphore(%arg23 : memref<!tpu.dma_semaphore, #tpu.memory_space<semaphore_mem>>)
    %dma_start3A_20 = arith.constant 0 : i32
    %dma_start3A_21 = tpu.memref_slice %arg5[%mul3A_2, %dma_start3A_20] : memref<2048x512xf32, #tpu.memory_space<hbm>> -> memref<1x512xf32, #tpu.memory_space<hbm>>
    %dma_start3A_22 = tpu.memref_squeeze %dma_start3A_21 : memref<1x512xf32, #tpu.memory_space<hbm>> -> memref<512xf32, #tpu.memory_space<hbm>>
    %dma_start3A_23 = arith.constant 0 : i32
    %dma_start3A_24 = tpu.memref_slice %arg5[%mul3A_2, %dma_start3A_23] : memref<2048x512xf32, #tpu.memory_space<hbm>> -> memref<1x512xf32, #tpu.memory_space<hbm>>
    %dma_start3A_25 = tpu.memref_squeeze %dma_start3A_24 : memref<1x512xf32, #tpu.memory_space<hbm>> -> memref<512xf32, #tpu.memory_space<hbm>>
    tpu.enqueue_dma source(%dma_start3A_25 : memref<512xf32, #tpu.memory_space<hbm>>) target(%arg14 : memref<512xf32, #tpu.memory_space<vmem>>) target_semaphore(%arg23 : memref<!tpu.dma_semaphore, #tpu.memory_space<semaphore_mem>>)
    %mul3A_26 = arith.constant 512 : i32
    %mul3A_27 = arith.muli %mul3A_2, %mul3A_26 : i32
    %dma_start3A_28 = arith.constant 0 : i32
    %dma_start3A_29 = tpu.memref_slice %arg16[%dma_start3A_28] : memref<528xi32, #tpu.memory_space<vmem>> -> memref<512xi32, #tpu.memory_space<vmem>>
    %dma_start3A_30 = tpu.memref_slice %arg3[%mul3A_27] : memref<1048576xi32, #tpu.memory_space<hbm>> -> memref<512xi32, #tpu.memory_space<hbm>>
    %dma_start3A_31 = arith.constant 0 : i32
    %dma_start3A_32 = tpu.memref_slice %arg16[%dma_start3A_31] : memref<528xi32, #tpu.memory_space<vmem>> -> memref<512xi32, #tpu.memory_space<vmem>>
    %dma_start3A_33 = tpu.memref_slice %arg3[%mul3A_27] : memref<1048576xi32, #tpu.memory_space<hbm>> -> memref<512xi32, #tpu.memory_space<hbm>>
    tpu.enqueue_dma source(%dma_start3A_33 : memref<512xi32, #tpu.memory_space<hbm>>) target(%dma_start3A_32 : memref<512xi32, #tpu.memory_space<vmem>>) target_semaphore(%arg23 : memref<!tpu.dma_semaphore, #tpu.memory_space<semaphore_mem>>)
    %mul3A_34 = arith.constant 512 : i32
    %mul3A_35 = arith.muli %mul3A_2, %mul3A_34 : i32
    %dma_start3A_36 = tpu.memref_slice %arg4[%mul3A_35] : memref<1048576xf32, #tpu.memory_space<hbm>> -> memref<512xf32, #tpu.memory_space<hbm>>
    %dma_start3A_37 = tpu.memref_slice %arg4[%mul3A_35] : memref<1048576xf32, #tpu.memory_space<hbm>> -> memref<512xf32, #tpu.memory_space<hbm>>
    tpu.enqueue_dma source(%dma_start3A_37 : memref<512xf32, #tpu.memory_space<hbm>>) target(%arg18 : memref<512xf32, #tpu.memory_space<vmem>>) target_semaphore(%arg23 : memref<!tpu.dma_semaphore, #tpu.memory_space<semaphore_mem>>)
    %scan3A = arith.constant 0 : i32
    %scan3A_38 = arith.constant 0 : i32
    %scan3A_39 = arith.constant 64 : i32
    %scan3A_40 = arith.addi %scan3A_38, %scan3A_39 : i32
    %scan3A_41 = arith.constant 1 : i32
    scf.for %scan3A_43 = %scan3A_38 to %scan3A_40 step %scan3A_41  : i32 {
      %add3A_44 = arith.addi %mul3A_2, %scan3A_43 : i32
      %jit3A = arith.constant 2 : i32
      %eq3A_45 = arith.constant 0 : i32
      %eq3A_46 = arith.cmpi eq, %jit3A, %eq3A_45 : i32
      %jit3A_47 = arith.constant 1 : i32
      %select_n3A = arith.select %eq3A_46, %jit3A_47, %jit3A : i32
      %rem3A = arith.remsi %scan3A_43, %select_n3A : i32
      %ne3A = arith.constant 0 : i32
      %ne3A_48 = arith.cmpi ne, %rem3A, %ne3A : i32
      %lt3A = arith.constant 0 : i32
      %lt3A_49 = arith.cmpi slt, %rem3A, %lt3A : i32
      %lt3A_50 = arith.constant 0 : i32
      %lt3A_51 = arith.cmpi slt, %select_n3A, %lt3A_50 : i32
      %ne3A_52 = arith.xori %lt3A_49, %lt3A_51 : i1
      %and3A = arith.andi %ne3A_52, %ne3A_48 : i1
      %add3A_53 = arith.addi %rem3A, %select_n3A : i32
      %select_n3A_54 = arith.select %and3A, %add3A_53, %rem3A : i32
      %eq3A_55 = arith.constant 0 : i32
      %eq3A_56 = arith.cmpi eq, %select_n3A_54, %eq3A_55 : i32
      %convert_element_type3A = arith.extui %eq3A_56 : i1 to i32
      %cond3A = arith.constant 0 : i32
      %cond3A_57 = arith.constant 0 : i32
      %cond3A_58 = arith.cmpi ne, %convert_element_type3A, %cond3A_57 : i32
      %cond3A_59 = scf.if %cond3A_58 -> (i32) {
        %dma_wait3A = arith.constant 0 : i32
        %dma_wait3A_60 = tpu.memref_slice %arg2[%add3A_44, %dma_wait3A] : memref<2048x512xi32, #tpu.memory_space<hbm>> -> memref<1x512xi32, #tpu.memory_space<hbm>>
        %dma_wait3A_61 = tpu.memref_squeeze %dma_wait3A_60 : memref<1x512xi32, #tpu.memory_space<hbm>> -> memref<512xi32, #tpu.memory_space<hbm>>
        %dma_wait3A_62 = arith.constant 0 : i32
        %dma_wait3A_63 = tpu.memref_slice %arg2[%add3A_44, %dma_wait3A_62] : memref<2048x512xi32, #tpu.memory_space<hbm>> -> memref<1x512xi32, #tpu.memory_space<hbm>>
        %dma_wait3A_64 = tpu.memref_squeeze %dma_wait3A_63 : memref<1x512xi32, #tpu.memory_space<hbm>> -> memref<512xi32, #tpu.memory_space<hbm>>
        tpu.wait_dma2 semaphore(%arg23 : memref<!tpu.dma_semaphore, #tpu.memory_space<semaphore_mem>>) src(%dma_wait3A_64 : memref<512xi32, #tpu.memory_space<hbm>>) dst(%arg12 : memref<512xi32, #tpu.memory_space<vmem>>)
        %dma_wait3A_65 = arith.constant 0 : i32
        %dma_wait3A_66 = tpu.memref_slice %arg5[%add3A_44, %dma_wait3A_65] : memref<2048x512xf32, #tpu.memory_space<hbm>> -> memref<1x512xf32, #tpu.memory_space<hbm>>
        %dma_wait3A_67 = tpu.memref_squeeze %dma_wait3A_66 : memref<1x512xf32, #tpu.memory_space<hbm>> -> memref<512xf32, #tpu.memory_space<hbm>>
        %dma_wait3A_68 = arith.constant 0 : i32
        %dma_wait3A_69 = tpu.memref_slice %arg5[%add3A_44, %dma_wait3A_68] : memref<2048x512xf32, #tpu.memory_space<hbm>> -> memref<1x512xf32, #tpu.memory_space<hbm>>
        %dma_wait3A_70 = tpu.memref_squeeze %dma_wait3A_69 : memref<1x512xf32, #tpu.memory_space<hbm>> -> memref<512xf32, #tpu.memory_space<hbm>>
        tpu.wait_dma2 semaphore(%arg23 : memref<!tpu.dma_semaphore, #tpu.memory_space<semaphore_mem>>) src(%dma_wait3A_70 : memref<512xf32, #tpu.memory_space<hbm>>) dst(%arg14 : memref<512xf32, #tpu.memory_space<vmem>>)
        %mul3A_71 = arith.constant 512 : i32
        %mul3A_72 = arith.muli %add3A_44, %mul3A_71 : i32
        %dma_wait3A_73 = arith.constant 0 : i32
        %dma_wait3A_74 = tpu.memref_slice %arg16[%dma_wait3A_73] : memref<528xi32, #tpu.memory_space<vmem>> -> memref<512xi32, #tpu.memory_space<vmem>>
        %dma_wait3A_75 = tpu.memref_slice %arg3[%mul3A_72] : memref<1048576xi32, #tpu.memory_space<hbm>> -> memref<512xi32, #tpu.memory_space<hbm>>
        %dma_wait3A_76 = arith.constant 0 : i32
        %dma_wait3A_77 = tpu.memref_slice %arg16[%dma_wait3A_76] : memref<528xi32, #tpu.memory_space<vmem>> -> memref<512xi32, #tpu.memory_space<vmem>>
        %dma_wait3A_78 = tpu.memref_slice %arg3[%mul3A_72] : memref<1048576xi32, #tpu.memory_space<hbm>> -> memref<512xi32, #tpu.memory_space<hbm>>
        tpu.wait_dma2 semaphore(%arg23 : memref<!tpu.dma_semaphore, #tpu.memory_space<semaphore_mem>>) src(%dma_wait3A_78 : memref<512xi32, #tpu.memory_space<hbm>>) dst(%dma_wait3A_77 : memref<512xi32, #tpu.memory_space<vmem>>)
        %mul3A_79 = arith.constant 512 : i32
        %mul3A_80 = arith.muli %add3A_44, %mul3A_79 : i32
        %dma_wait3A_81 = tpu.memref_slice %arg4[%mul3A_80] : memref<1048576xf32, #tpu.memory_space<hbm>> -> memref<512xf32, #tpu.memory_space<hbm>>
        %dma_wait3A_82 = tpu.memref_slice %arg4[%mul3A_80] : memref<1048576xf32, #tpu.memory_space<hbm>> -> memref<512xf32, #tpu.memory_space<hbm>>
        tpu.wait_dma2 semaphore(%arg23 : memref<!tpu.dma_semaphore, #tpu.memory_space<semaphore_mem>>) src(%dma_wait3A_82 : memref<512xf32, #tpu.memory_space<hbm>>) dst(%arg18 : memref<512xf32, #tpu.memory_space<vmem>>)
        %lt3A_83 = arith.constant 63 : i32
        %lt3A_84 = arith.cmpi slt, %scan3A_43, %lt3A_83 : i32
        %convert_element_type3A_85 = arith.extui %lt3A_84 : i1 to i32
        %cond3A_86 = arith.constant 0 : i32
        %cond3A_87 = arith.cmpi ne, %convert_element_type3A_85, %cond3A_86 : i32
        scf.if %cond3A_87 {
          %add3A_157 = arith.constant 1 : i32
          %add3A_158 = arith.addi %add3A_44, %add3A_157 : i32
          %dma_start3A_159 = arith.constant 0 : i32
          %dma_start3A_160 = tpu.memref_slice %arg2[%add3A_158, %dma_start3A_159] : memref<2048x512xi32, #tpu.memory_space<hbm>> -> memref<1x512xi32, #tpu.memory_space<hbm>>
          %dma_start3A_161 = tpu.memref_squeeze %dma_start3A_160 : memref<1x512xi32, #tpu.memory_space<hbm>> -> memref<512xi32, #tpu.memory_space<hbm>>
          %dma_start3A_162 = arith.constant 0 : i32
          %dma_start3A_163 = tpu.memref_slice %arg2[%add3A_158, %dma_start3A_162] : memref<2048x512xi32, #tpu.memory_space<hbm>> -> memref<1x512xi32, #tpu.memory_space<hbm>>
          %dma_start3A_164 = tpu.memref_squeeze %dma_start3A_163 : memref<1x512xi32, #tpu.memory_space<hbm>> -> memref<512xi32, #tpu.memory_space<hbm>>
          tpu.enqueue_dma source(%dma_start3A_164 : memref<512xi32, #tpu.memory_space<hbm>>) target(%arg13 : memref<512xi32, #tpu.memory_space<vmem>>) target_semaphore(%arg24 : memref<!tpu.dma_semaphore, #tpu.memory_space<semaphore_mem>>)
          %dma_start3A_165 = arith.constant 0 : i32
          %dma_start3A_166 = tpu.memref_slice %arg5[%add3A_158, %dma_start3A_165] : memref<2048x512xf32, #tpu.memory_space<hbm>> -> memref<1x512xf32, #tpu.memory_space<hbm>>
          %dma_start3A_167 = tpu.memref_squeeze %dma_start3A_166 : memref<1x512xf32, #tpu.memory_space<hbm>> -> memref<512xf32, #tpu.memory_space<hbm>>
          %dma_start3A_168 = arith.constant 0 : i32
          %dma_start3A_169 = tpu.memref_slice %arg5[%add3A_158, %dma_start3A_168] : memref<2048x512xf32, #tpu.memory_space<hbm>> -> memref<1x512xf32, #tpu.memory_space<hbm>>
          %dma_start3A_170 = tpu.memref_squeeze %dma_start3A_169 : memref<1x512xf32, #tpu.memory_space<hbm>> -> memref<512xf32, #tpu.memory_space<hbm>>
          tpu.enqueue_dma source(%dma_start3A_170 : memref<512xf32, #tpu.memory_space<hbm>>) target(%arg15 : memref<512xf32, #tpu.memory_space<vmem>>) target_semaphore(%arg24 : memref<!tpu.dma_semaphore, #tpu.memory_space<semaphore_mem>>)
          %mul3A_171 = arith.constant 512 : i32
          %mul3A_172 = arith.muli %add3A_158, %mul3A_171 : i32
          %dma_start3A_173 = arith.constant 0 : i32
          %dma_start3A_174 = tpu.memref_slice %arg17[%dma_start3A_173] : memref<528xi32, #tpu.memory_space<vmem>> -> memref<512xi32, #tpu.memory_space<vmem>>
          %dma_start3A_175 = tpu.memref_slice %arg3[%mul3A_172] : memref<1048576xi32, #tpu.memory_space<hbm>> -> memref<512xi32, #tpu.memory_space<hbm>>
          %dma_start3A_176 = arith.constant 0 : i32
          %dma_start3A_177 = tpu.memref_slice %arg17[%dma_start3A_176] : memref<528xi32, #tpu.memory_space<vmem>> -> memref<512xi32, #tpu.memory_space<vmem>>
          %dma_start3A_178 = tpu.memref_slice %arg3[%mul3A_172] : memref<1048576xi32, #tpu.memory_space<hbm>> -> memref<512xi32, #tpu.memory_space<hbm>>
          tpu.enqueue_dma source(%dma_start3A_178 : memref<512xi32, #tpu.memory_space<hbm>>) target(%dma_start3A_177 : memref<512xi32, #tpu.memory_space<vmem>>) target_semaphore(%arg24 : memref<!tpu.dma_semaphore, #tpu.memory_space<semaphore_mem>>)
          %mul3A_179 = arith.constant 512 : i32
          %mul3A_180 = arith.muli %add3A_158, %mul3A_179 : i32
          %dma_start3A_181 = tpu.memref_slice %arg4[%mul3A_180] : memref<1048576xf32, #tpu.memory_space<hbm>> -> memref<512xf32, #tpu.memory_space<hbm>>
          %dma_start3A_182 = tpu.memref_slice %arg4[%mul3A_180] : memref<1048576xf32, #tpu.memory_space<hbm>> -> memref<512xf32, #tpu.memory_space<hbm>>
          tpu.enqueue_dma source(%dma_start3A_182 : memref<512xf32, #tpu.memory_space<hbm>>) target(%arg19 : memref<512xf32, #tpu.memory_space<vmem>>) target_semaphore(%arg24 : memref<!tpu.dma_semaphore, #tpu.memory_space<semaphore_mem>>)
        } else {
        }
        %scan3A_88 = arith.constant 0 : i32
        %scan3A_89 = arith.constant 0 : i32
        %scan3A_90 = arith.constant 8 : i32
        %scan3A_91 = arith.addi %scan3A_89, %scan3A_90 : i32
        %scan3A_92 = arith.constant 1 : i32
        scf.for %scan3A_157 = %scan3A_89 to %scan3A_91 step %scan3A_92  : i32 {
          %mul3A_158 = arith.constant 4 : i32
          %mul3A_159 = arith.muli %scan3A_157, %mul3A_158 : i32
          %mul3A_160 = arith.constant 16 : i32
          %mul3A_161 = arith.muli %mul3A_159, %mul3A_160 : i32
          %add3A_162 = arith.constant 0 : i32
          %add3A_163 = arith.addi %mul3A_161, %add3A_162 : i32
          %get3A = arith.index_cast %add3A_163 : i32 to index
          %get3A_164 = tpu.vector_load %arg12[%get3A] {strides = array<i32>} : memref<512xi32, #tpu.memory_space<vmem>>, vector<16xi32>,
          %lt3A_165 = arith.constant 32000 : i32
          %lt3A_166 = vector.broadcast %lt3A_165 : i32 to vector<16xi32>
          %lt3A_167 = arith.cmpi slt, %get3A_164, %lt3A_166 : vector<16xi32>
          %jit3A_168 = arith.constant 0 : i32
          %broadcast_in_dim3A_169 = vector.broadcast %jit3A_168 : i32 to vector<16xi32>
          %select_n3A_170 = arith.select %lt3A_167, %get3A_164, %broadcast_in_dim3A_169 : vector<16xi1>, vector<16xi32>
          %mul3A_171 = arith.constant 4 : i32
          %mul3A_172 = arith.muli %scan3A_157, %mul3A_171 : i32
          %mul3A_173 = arith.constant 16 : i32
          %mul3A_174 = arith.muli %mul3A_172, %mul3A_173 : i32
          %add3A_175 = arith.constant 0 : i32
          %add3A_176 = arith.addi %mul3A_174, %add3A_175 : i32
          %get3A_177 = arith.index_cast %add3A_176 : i32 to index
          %get3A_178 = tpu.vector_load %arg14[%get3A_177] {strides = array<i32>} : memref<512xf32, #tpu.memory_space<vmem>>, vector<16xf32>,
          tpu.vector_store_idx %arg11[%select_n3A_170], %get3A_178 : memref<32000xf32, #tpu.memory_space<vmem>>[vector<16xi32>], vector<16xf32>,
          %mul3A_179 = arith.constant 4 : i32
          %mul3A_180 = arith.muli %scan3A_157, %mul3A_179 : i32
          %mul3A_181 = arith.constant 16 : i32
          %mul3A_182 = arith.muli %mul3A_180, %mul3A_181 : i32
          %add3A_183 = arith.constant 16 : i32
          %add3A_184 = arith.addi %mul3A_182, %add3A_183 : i32
          %get3A_185 = arith.index_cast %add3A_184 : i32 to index
          %get3A_186 = tpu.vector_load %arg12[%get3A_185] {strides = array<i32>} : memref<512xi32, #tpu.memory_space<vmem>>, vector<16xi32>,
          %lt3A_187 = arith.constant 32000 : i32
          %lt3A_188 = vector.broadcast %lt3A_187 : i32 to vector<16xi32>
          %lt3A_189 = arith.cmpi slt, %get3A_186, %lt3A_188 : vector<16xi32>
          %jit3A_190 = arith.constant 0 : i32
          %broadcast_in_dim3A_191 = vector.broadcast %jit3A_190 : i32 to vector<16xi32>
          %select_n3A_192 = arith.select %lt3A_189, %get3A_186, %broadcast_in_dim3A_191 : vector<16xi1>, vector<16xi32>
          %mul3A_193 = arith.constant 4 : i32
          %mul3A_194 = arith.muli %scan3A_157, %mul3A_193 : i32
          %mul3A_195 = arith.constant 16 : i32
          %mul3A_196 = arith.muli %mul3A_194, %mul3A_195 : i32
          %add3A_197 = arith.constant 16 : i32
          %add3A_198 = arith.addi %mul3A_196, %add3A_197 : i32
          %get3A_199 = arith.index_cast %add3A_198 : i32 to index
          %get3A_200 = tpu.vector_load %arg14[%get3A_199] {strides = array<i32>} : memref<512xf32, #tpu.memory_space<vmem>>, vector<16xf32>,
          tpu.vector_store_idx %arg11[%select_n3A_192], %get3A_200 : memref<32000xf32, #tpu.memory_space<vmem>>[vector<16xi32>], vector<16xf32>,
          %mul3A_201 = arith.constant 4 : i32
          %mul3A_202 = arith.muli %scan3A_157, %mul3A_201 : i32
          %mul3A_203 = arith.constant 16 : i32
          %mul3A_204 = arith.muli %mul3A_202, %mul3A_203 : i32
          %add3A_205 = arith.constant 32 : i32
          %add3A_206 = arith.addi %mul3A_204, %add3A_205 : i32
          %get3A_207 = arith.index_cast %add3A_206 : i32 to index
          %get3A_208 = tpu.vector_load %arg12[%get3A_207] {strides = array<i32>} : memref<512xi32, #tpu.memory_space<vmem>>, vector<16xi32>,
          %lt3A_209 = arith.constant 32000 : i32
          %lt3A_210 = vector.broadcast %lt3A_209 : i32 to vector<16xi32>
          %lt3A_211 = arith.cmpi slt, %get3A_208, %lt3A_210 : vector<16xi32>
          %jit3A_212 = arith.constant 0 : i32
          %broadcast_in_dim3A_213 = vector.broadcast %jit3A_212 : i32 to vector<16xi32>
          %select_n3A_214 = arith.select %lt3A_211, %get3A_208, %broadcast_in_dim3A_213 : vector<16xi1>, vector<16xi32>
          %mul3A_215 = arith.constant 4 : i32
          %mul3A_216 = arith.muli %scan3A_157, %mul3A_215 : i32
          %mul3A_217 = arith.constant 16 : i32
          %mul3A_218 = arith.muli %mul3A_216, %mul3A_217 : i32
          %add3A_219 = arith.constant 32 : i32
          %add3A_220 = arith.addi %mul3A_218, %add3A_219 : i32
          %get3A_221 = arith.index_cast %add3A_220 : i32 to index
          %get3A_222 = tpu.vector_load %arg14[%get3A_221] {strides = array<i32>} : memref<512xf32, #tpu.memory_space<vmem>>, vector<16xf32>,
          tpu.vector_store_idx %arg11[%select_n3A_214], %get3A_222 : memref<32000xf32, #tpu.memory_space<vmem>>[vector<16xi32>], vector<16xf32>,
          %mul3A_223 = arith.constant 4 : i32
          %mul3A_224 = arith.muli %scan3A_157, %mul3A_223 : i32
          %mul3A_225 = arith.constant 16 : i32
          %mul3A_226 = arith.muli %mul3A_224, %mul3A_225 : i32
          %add3A_227 = arith.constant 48 : i32
          %add3A_228 = arith.addi %mul3A_226, %add3A_227 : i32
          %get3A_229 = arith.index_cast %add3A_228 : i32 to index
          %get3A_230 = tpu.vector_load %arg12[%get3A_229] {strides = array<i32>} : memref<512xi32, #tpu.memory_space<vmem>>, vector<16xi32>,
          %lt3A_231 = arith.constant 32000 : i32
          %lt3A_232 = vector.broadcast %lt3A_231 : i32 to vector<16xi32>
          %lt3A_233 = arith.cmpi slt, %get3A_230, %lt3A_232 : vector<16xi32>
          %jit3A_234 = arith.constant 0 : i32
          %broadcast_in_dim3A_235 = vector.broadcast %jit3A_234 : i32 to vector<16xi32>
          %select_n3A_236 = arith.select %lt3A_233, %get3A_230, %broadcast_in_dim3A_235 : vector<16xi1>, vector<16xi32>
          %mul3A_237 = arith.constant 4 : i32
          %mul3A_238 = arith.muli %scan3A_157, %mul3A_237 : i32
          %mul3A_239 = arith.constant 16 : i32
          %mul3A_240 = arith.muli %mul3A_238, %mul3A_239 : i32
          %add3A_241 = arith.constant 48 : i32
          %add3A_242 = arith.addi %mul3A_240, %add3A_241 : i32
          %get3A_243 = arith.index_cast %add3A_242 : i32 to index
          %get3A_244 = tpu.vector_load %arg14[%get3A_243] {strides = array<i32>} : memref<512xf32, #tpu.memory_space<vmem>>, vector<16xf32>,
          tpu.vector_store_idx %arg11[%select_n3A_236], %get3A_244 : memref<32000xf32, #tpu.memory_space<vmem>>[vector<16xi32>], vector<16xf32>,
        }
        %scan3A_93 = arith.constant 8 : i32
        %mul3A_94 = arith.constant 32000 : i32
        %mul3A_95 = arith.muli %add3A_44, %mul3A_94 : i32
        %scan3A_96 = arith.constant 0 : i32
        %scan3A_97 = arith.constant 8 : i32
        %scan3A_98 = arith.addi %scan3A_96, %scan3A_97 : i32
        %scan3A_99 = arith.constant 1 : i32
        %scan3A_100:8 = scf.for %scan3A_157 = %scan3A_96 to %scan3A_98 step %scan3A_99 iter_args(%scan3A_158 = %broadcast_in_dim3A_3, %scan3A_159 = %broadcast_in_dim3A_5, %scan3A_160 = %broadcast_in_dim3A_3, %scan3A_161 = %broadcast_in_dim3A_5, %scan3A_162 = %broadcast_in_dim3A_3, %scan3A_163 = %broadcast_in_dim3A_5, %scan3A_164 = %broadcast_in_dim3A_3, %scan3A_165 = %broadcast_in_dim3A_5) -> (vector<16xf32>, vector<16xi32>, vector<16xf32>, vector<16xi32>, vector<16xf32>, vector<16xi32>, vector<16xf32>, vector<16xi32>)  : i32 {
          %mul3A_166 = arith.constant 4 : i32
          %mul3A_167 = arith.muli %scan3A_157, %mul3A_166 : i32
          %mul3A_168 = arith.constant 16 : i32
          %mul3A_169 = arith.muli %mul3A_167, %mul3A_168 : i32
          %add3A_170 = arith.constant 0 : i32
          %add3A_171 = arith.addi %mul3A_169, %add3A_170 : i32
          %get3A = arith.index_cast %add3A_171 : i32 to index
          %get3A_172 = tpu.vector_load %arg16[%get3A] {strides = array<i32>} : memref<528xi32, #tpu.memory_space<vmem>>, vector<16xi32>,
          %mul3A_173 = arith.constant 4 : i32
          %mul3A_174 = arith.muli %scan3A_157, %mul3A_173 : i32
          %mul3A_175 = arith.constant 16 : i32
          %mul3A_176 = arith.muli %mul3A_174, %mul3A_175 : i32
          %add3A_177 = arith.constant 0 : i32
          %add3A_178 = arith.addi %mul3A_176, %add3A_177 : i32
          %add3A_179 = arith.constant 1 : i32
          %add3A_180 = arith.addi %add3A_178, %add3A_179 : i32
          %get3A_181 = arith.index_cast %add3A_180 : i32 to index
          %get3A_182 = tpu.vector_load %arg16[%get3A_181] {strides = array<i32>} : memref<528xi32, #tpu.memory_space<vmem>>, vector<16xi32>,
          %mul3A_183 = arith.constant 4 : i32
          %mul3A_184 = arith.muli %scan3A_157, %mul3A_183 : i32
          %mul3A_185 = arith.constant 16 : i32
          %mul3A_186 = arith.muli %mul3A_184, %mul3A_185 : i32
          %add3A_187 = arith.constant 0 : i32
          %add3A_188 = arith.addi %mul3A_186, %add3A_187 : i32
          %get3A_189 = arith.index_cast %add3A_188 : i32 to index
          %get3A_190 = tpu.vector_load %arg18[%get3A_189] {strides = array<i32>} : memref<512xf32, #tpu.memory_space<vmem>>, vector<16xf32>,
          %sub3A = vector.broadcast %mul3A_95 : i32 to vector<16xi32>
          %sub3A_191 = arith.subi %get3A_172, %sub3A : vector<16xi32>
          %gather3A_192 = tpu.vector_load_idx %arg11[%sub3A_191] : memref<32000xf32, #tpu.memory_space<vmem>>[vector<16xi32>], vector<16xf32>,
          %ne3A_193 = arith.cmpi ne, %get3A_172, %get3A_182 : vector<16xi32>
          %add3A_194 = arith.addf %gather3A_192, %get3A_190 : vector<16xf32>
          %select_n3A_195 = arith.select %ne3A_193, %add3A_194, %broadcast_in_dim3A_3 : vector<16xi1>, vector<16xf32>
          %gt3A_196 = arith.cmpf ogt, %select_n3A_195, %scan3A_158 : vector<16xf32>
          %max3A_197 = arith.maximumf %scan3A_158, %select_n3A_195 : vector<16xf32>
          %select_n3A_198 = arith.select %gt3A_196, %sub3A_191, %scan3A_159 : vector<16xi1>, vector<16xi32>
          %mul3A_199 = arith.constant 4 : i32
          %mul3A_200 = arith.muli %scan3A_157, %mul3A_199 : i32
          %mul3A_201 = arith.constant 16 : i32
          %mul3A_202 = arith.muli %mul3A_200, %mul3A_201 : i32
          %add3A_203 = arith.constant 16 : i32
          %add3A_204 = arith.addi %mul3A_202, %add3A_203 : i32
          %get3A_205 = arith.index_cast %add3A_204 : i32 to index
          %get3A_206 = tpu.vector_load %arg16[%get3A_205] {strides = array<i32>} : memref<528xi32, #tpu.memory_space<vmem>>, vector<16xi32>,
          %mul3A_207 = arith.constant 4 : i32
          %mul3A_208 = arith.muli %scan3A_157, %mul3A_207 : i32
          %mul3A_209 = arith.constant 16 : i32
          %mul3A_210 = arith.muli %mul3A_208, %mul3A_209 : i32
          %add3A_211 = arith.constant 16 : i32
          %add3A_212 = arith.addi %mul3A_210, %add3A_211 : i32
          %add3A_213 = arith.constant 1 : i32
          %add3A_214 = arith.addi %add3A_212, %add3A_213 : i32
          %get3A_215 = arith.index_cast %add3A_214 : i32 to index
          %get3A_216 = tpu.vector_load %arg16[%get3A_215] {strides = array<i32>} : memref<528xi32, #tpu.memory_space<vmem>>, vector<16xi32>,
          %mul3A_217 = arith.constant 4 : i32
          %mul3A_218 = arith.muli %scan3A_157, %mul3A_217 : i32
          %mul3A_219 = arith.constant 16 : i32
          %mul3A_220 = arith.muli %mul3A_218, %mul3A_219 : i32
          %add3A_221 = arith.constant 16 : i32
          %add3A_222 = arith.addi %mul3A_220, %add3A_221 : i32
          %get3A_223 = arith.index_cast %add3A_222 : i32 to index
          %get3A_224 = tpu.vector_load %arg18[%get3A_223] {strides = array<i32>} : memref<512xf32, #tpu.memory_space<vmem>>, vector<16xf32>,
          %sub3A_225 = vector.broadcast %mul3A_95 : i32 to vector<16xi32>
          %sub3A_226 = arith.subi %get3A_206, %sub3A_225 : vector<16xi32>
          %gather3A_227 = tpu.vector_load_idx %arg11[%sub3A_226] : memref<32000xf32, #tpu.memory_space<vmem>>[vector<16xi32>], vector<16xf32>,
          %ne3A_228 = arith.cmpi ne, %get3A_206, %get3A_216 : vector<16xi32>
          %add3A_229 = arith.addf %gather3A_227, %get3A_224 : vector<16xf32>
          %select_n3A_230 = arith.select %ne3A_228, %add3A_229, %broadcast_in_dim3A_3 : vector<16xi1>, vector<16xf32>
          %gt3A_231 = arith.cmpf ogt, %select_n3A_230, %scan3A_160 : vector<16xf32>
          %max3A_232 = arith.maximumf %scan3A_160, %select_n3A_230 : vector<16xf32>
          %select_n3A_233 = arith.select %gt3A_231, %sub3A_226, %scan3A_161 : vector<16xi1>, vector<16xi32>
          %mul3A_234 = arith.constant 4 : i32
          %mul3A_235 = arith.muli %scan3A_157, %mul3A_234 : i32
          %mul3A_236 = arith.constant 16 : i32
          %mul3A_237 = arith.muli %mul3A_235, %mul3A_236 : i32
          %add3A_238 = arith.constant 32 : i32
          %add3A_239 = arith.addi %mul3A_237, %add3A_238 : i32
          %get3A_240 = arith.index_cast %add3A_239 : i32 to index
          %get3A_241 = tpu.vector_load %arg16[%get3A_240] {strides = array<i32>} : memref<528xi32, #tpu.memory_space<vmem>>, vector<16xi32>,
          %mul3A_242 = arith.constant 4 : i32
          %mul3A_243 = arith.muli %scan3A_157, %mul3A_242 : i32
          %mul3A_244 = arith.constant 16 : i32
          %mul3A_245 = arith.muli %mul3A_243, %mul3A_244 : i32
          %add3A_246 = arith.constant 32 : i32
          %add3A_247 = arith.addi %mul3A_245, %add3A_246 : i32
          %add3A_248 = arith.constant 1 : i32
          %add3A_249 = arith.addi %add3A_247, %add3A_248 : i32
          %get3A_250 = arith.index_cast %add3A_249 : i32 to index
          %get3A_251 = tpu.vector_load %arg16[%get3A_250] {strides = array<i32>} : memref<528xi32, #tpu.memory_space<vmem>>, vector<16xi32>,
          %mul3A_252 = arith.constant 4 : i32
          %mul3A_253 = arith.muli %scan3A_157, %mul3A_252 : i32
          %mul3A_254 = arith.constant 16 : i32
          %mul3A_255 = arith.muli %mul3A_253, %mul3A_254 : i32
          %add3A_256 = arith.constant 32 : i32
          %add3A_257 = arith.addi %mul3A_255, %add3A_256 : i32
          %get3A_258 = arith.index_cast %add3A_257 : i32 to index
          %get3A_259 = tpu.vector_load %arg18[%get3A_258] {strides = array<i32>} : memref<512xf32, #tpu.memory_space<vmem>>, vector<16xf32>,
          %sub3A_260 = vector.broadcast %mul3A_95 : i32 to vector<16xi32>
          %sub3A_261 = arith.subi %get3A_241, %sub3A_260 : vector<16xi32>
          %gather3A_262 = tpu.vector_load_idx %arg11[%sub3A_261] : memref<32000xf32, #tpu.memory_space<vmem>>[vector<16xi32>], vector<16xf32>,
          %ne3A_263 = arith.cmpi ne, %get3A_241, %get3A_251 : vector<16xi32>
          %add3A_264 = arith.addf %gather3A_262, %get3A_259 : vector<16xf32>
          %select_n3A_265 = arith.select %ne3A_263, %add3A_264, %broadcast_in_dim3A_3 : vector<16xi1>, vector<16xf32>
          %gt3A_266 = arith.cmpf ogt, %select_n3A_265, %scan3A_162 : vector<16xf32>
          %max3A_267 = arith.maximumf %scan3A_162, %select_n3A_265 : vector<16xf32>
          %select_n3A_268 = arith.select %gt3A_266, %sub3A_261, %scan3A_163 : vector<16xi1>, vector<16xi32>
          %mul3A_269 = arith.constant 4 : i32
          %mul3A_270 = arith.muli %scan3A_157, %mul3A_269 : i32
          %mul3A_271 = arith.constant 16 : i32
          %mul3A_272 = arith.muli %mul3A_270, %mul3A_271 : i32
          %add3A_273 = arith.constant 48 : i32
          %add3A_274 = arith.addi %mul3A_272, %add3A_273 : i32
          %get3A_275 = arith.index_cast %add3A_274 : i32 to index
          %get3A_276 = tpu.vector_load %arg16[%get3A_275] {strides = array<i32>} : memref<528xi32, #tpu.memory_space<vmem>>, vector<16xi32>,
          %mul3A_277 = arith.constant 4 : i32
          %mul3A_278 = arith.muli %scan3A_157, %mul3A_277 : i32
          %mul3A_279 = arith.constant 16 : i32
          %mul3A_280 = arith.muli %mul3A_278, %mul3A_279 : i32
          %add3A_281 = arith.constant 48 : i32
          %add3A_282 = arith.addi %mul3A_280, %add3A_281 : i32
          %add3A_283 = arith.constant 1 : i32
          %add3A_284 = arith.addi %add3A_282, %add3A_283 : i32
          %get3A_285 = arith.index_cast %add3A_284 : i32 to index
          %get3A_286 = tpu.vector_load %arg16[%get3A_285] {strides = array<i32>} : memref<528xi32, #tpu.memory_space<vmem>>, vector<16xi32>,
          %mul3A_287 = arith.constant 4 : i32
          %mul3A_288 = arith.muli %scan3A_157, %mul3A_287 : i32
          %mul3A_289 = arith.constant 16 : i32
          %mul3A_290 = arith.muli %mul3A_288, %mul3A_289 : i32
          %add3A_291 = arith.constant 48 : i32
          %add3A_292 = arith.addi %mul3A_290, %add3A_291 : i32
          %get3A_293 = arith.index_cast %add3A_292 : i32 to index
          %get3A_294 = tpu.vector_load %arg18[%get3A_293] {strides = array<i32>} : memref<512xf32, #tpu.memory_space<vmem>>, vector<16xf32>,
          %sub3A_295 = vector.broadcast %mul3A_95 : i32 to vector<16xi32>
          %sub3A_296 = arith.subi %get3A_276, %sub3A_295 : vector<16xi32>
          %gather3A_297 = tpu.vector_load_idx %arg11[%sub3A_296] : memref<32000xf32, #tpu.memory_space<vmem>>[vector<16xi32>], vector<16xf32>,
          %ne3A_298 = arith.cmpi ne, %get3A_276, %get3A_286 : vector<16xi32>
          %add3A_299 = arith.addf %gather3A_297, %get3A_294 : vector<16xf32>
          %select_n3A_300 = arith.select %ne3A_298, %add3A_299, %broadcast_in_dim3A_3 : vector<16xi1>, vector<16xf32>
          %gt3A_301 = arith.cmpf ogt, %select_n3A_300, %scan3A_164 : vector<16xf32>
          %max3A_302 = arith.maximumf %scan3A_164, %select_n3A_300 : vector<16xf32>
          %select_n3A_303 = arith.select %gt3A_301, %sub3A_296, %scan3A_165 : vector<16xi1>, vector<16xi32>
          scf.yield %max3A_197, %select_n3A_198, %max3A_232, %select_n3A_233, %max3A_267, %select_n3A_268, %max3A_302, %select_n3A_303 : vector<16xf32>, vector<16xi32>, vector<16xf32>, vector<16xi32>, vector<16xf32>, vector<16xi32>, vector<16xf32>, vector<16xi32>
        }
        %scan3A_101 = arith.constant 8 : i32
        %max3A = arith.maximumf %scan3A_100#0, %scan3A_100#2 : vector<16xf32>
        %gt3A = arith.cmpf ogt, %scan3A_100#0, %scan3A_100#2 : vector<16xf32>
        %gt3A_102 = arith.cmpf ogt, %scan3A_100#2, %scan3A_100#0 : vector<16xf32>
        %min3A = arith.minsi %scan3A_100#1, %scan3A_100#3 : vector<16xi32>
        %select_n3A_103 = arith.select %gt3A_102, %scan3A_100#3, %min3A : vector<16xi1>, vector<16xi32>
        %select_n3A_104 = arith.select %gt3A, %scan3A_100#1, %select_n3A_103 : vector<16xi1>, vector<16xi32>
        %max3A_105 = arith.maximumf %scan3A_100#4, %scan3A_100#6 : vector<16xf32>
        %gt3A_106 = arith.cmpf ogt, %scan3A_100#4, %scan3A_100#6 : vector<16xf32>
        %gt3A_107 = arith.cmpf ogt, %scan3A_100#6, %scan3A_100#4 : vector<16xf32>
        %min3A_108 = arith.minsi %scan3A_100#5, %scan3A_100#7 : vector<16xi32>
        %select_n3A_109 = arith.select %gt3A_107, %scan3A_100#7, %min3A_108 : vector<16xi1>, vector<16xi32>
        %select_n3A_110 = arith.select %gt3A_106, %scan3A_100#5, %select_n3A_109 : vector<16xi1>, vector<16xi32>
        %max3A_111 = arith.maximumf %max3A, %max3A_105 : vector<16xf32>
        %gt3A_112 = arith.cmpf ogt, %max3A, %max3A_105 : vector<16xf32>
        %gt3A_113 = arith.cmpf ogt, %max3A_105, %max3A : vector<16xf32>
        %min3A_114 = arith.minsi %select_n3A_104, %select_n3A_110 : vector<16xi32>
        %select_n3A_115 = arith.select %gt3A_113, %select_n3A_110, %min3A_114 : vector<16xi1>, vector<16xi32>
        %select_n3A_116 = arith.select %gt3A_112, %select_n3A_104, %select_n3A_115 : vector<16xi1>, vector<16xi32>
        %reduce_max3A = arith.constant true
        %reduce_max3A_117 = vector.broadcast %reduce_max3A : i1 to vector<16xi1>
        %reduce_max3A_118 = tpu.scan <max>, %max3A_111 masked %reduce_max3A_117 : vector<16xf32>, vector<16xi1> -> vector<16xf32>
        %reduce_max3A_119 = vector.extract %reduce_max3A_118[15] : f32 from vector<16xf32>
        %eq3A_120 = vector.broadcast %reduce_max3A_119 : f32 to vector<16xf32>
        %eq3A_121 = arith.cmpf oeq, %max3A_111, %eq3A_120 : vector<16xf32>
        %jit3A_122 = arith.constant 1073741824 : i32
        %broadcast_in_dim3A_123 = vector.broadcast %jit3A_122 : i32 to vector<16xi32>
        %select_n3A_124 = arith.select %eq3A_121, %select_n3A_116, %broadcast_in_dim3A_123 : vector<16xi1>, vector<16xi32>
        %reduce_min3A = arith.constant true
        %reduce_min3A_125 = vector.broadcast %reduce_min3A : i1 to vector<16xi1>
        %reduce_min3A_126 = arith.constant -2147483648 : i32
        %reduce_min3A_127 = vector.broadcast %reduce_min3A_126 : i32 to vector<16xi32>
        %reduce_min3A_128 = arith.xori %select_n3A_124, %reduce_min3A_127 : vector<16xi32>
        %reduce_min3A_129 = tpu.scan <min>, %reduce_min3A_128 masked %reduce_min3A_125 : vector<16xi32>, vector<16xi1> -> vector<16xi32>
        %reduce_min3A_130 = arith.xori %reduce_min3A_129, %reduce_min3A_127 : vector<16xi32>
        %reduce_min3A_131 = vector.extract %reduce_min3A_130[15] : i32 from vector<16xi32>
        %broadcast_in_dim3A_132 = vector.broadcast %scan3A_43 : i32 to vector<16xi32>
        %gather3A = tpu.vector_load_idx %arg20[%broadcast_in_dim3A_132] : memref<128xf32, #tpu.memory_space<vmem>>[vector<16xi32>], vector<16xf32>,
        %add3A_133 = arith.constant 64 : i32
        %add3A_134 = vector.broadcast %add3A_133 : i32 to vector<16xi32>
        %add3A_135 = arith.addi %broadcast_in_dim3A_132, %add3A_134 : vector<16xi32>
        %gather3A_136 = tpu.vector_load_idx %arg20[%add3A_135] : memref<128xf32, #tpu.memory_space<vmem>>[vector<16xi32>], vector<16xf32>,
        %gather3A_137 = tpu.vector_load_idx %arg21[%broadcast_in_dim3A_132] : memref<128xi32, #tpu.memory_space<vmem>>[vector<16xi32>], vector<16xi32>,
        %add3A_138 = arith.constant 64 : i32
        %add3A_139 = vector.broadcast %add3A_138 : i32 to vector<16xi32>
        %add3A_140 = arith.addi %broadcast_in_dim3A_132, %add3A_139 : vector<16xi32>
        %gather3A_141 = tpu.vector_load_idx %arg21[%add3A_140] : memref<128xi32, #tpu.memory_space<vmem>>[vector<16xi32>], vector<16xi32>,
        %reduce_max3A_142 = arith.constant true
        %reduce_max3A_143 = vector.broadcast %reduce_max3A_142 : i1 to vector<16xi1>
        %reduce_max3A_144 = tpu.scan <max>, %gather3A masked %reduce_max3A_143 : vector<16xf32>, vector<16xi1> -> vector<16xf32>
        %reduce_max3A_145 = vector.extract %reduce_max3A_144[15] : f32 from vector<16xf32>
        %reduce_max3A_146 = arith.constant true
        %reduce_max3A_147 = vector.broadcast %reduce_max3A_146 : i1 to vector<16xi1>
        %reduce_max3A_148 = tpu.scan <max>, %gather3A_136 masked %reduce_max3A_147 : vector<16xf32>, vector<16xi1> -> vector<16xf32>
        %reduce_max3A_149 = vector.extract %reduce_max3A_148[15] : f32 from vector<16xf32>
        %max3A_150 = arith.maximumf %reduce_max3A_145, %reduce_max3A_119 : f32
        %gt3A_151 = arith.cmpf ogt, %reduce_max3A_119, %reduce_max3A_145 : f32
        %broadcast_in_dim3A_152 = vector.broadcast %reduce_min3A_131 : i32 to vector<16xi32>
        %select_n3A_153 = arith.select %gt3A_151, %broadcast_in_dim3A_152, %gather3A_137 : vector<16xi32>
        %lt3A_154 = arith.cmpf olt, %max3A_150, %reduce_max3A_149 : f32
        %select_n3A_155 = arith.select %lt3A_154, %gather3A_141, %select_n3A_153 : vector<16xi32>
        tpu.vector_store_idx %arg22[%broadcast_in_dim3A_132], %select_n3A_155 masked %eq3A_7 : memref<64xi32, #tpu.memory_space<vmem>>[vector<16xi32>], vector<16xi32>, vector<16xi1>
        %cond3A_156 = arith.constant 0 : i32
        scf.yield %cond3A_156 : i32
      } else {
        %dma_wait3A = arith.constant 0 : i32
        %dma_wait3A_60 = tpu.memref_slice %arg2[%add3A_44, %dma_wait3A] : memref<2048x512xi32, #tpu.memory_space<hbm>> -> memref<1x512xi32, #tpu.memory_space<hbm>>
        %dma_wait3A_61 = tpu.memref_squeeze %dma_wait3A_60 : memref<1x512xi32, #tpu.memory_space<hbm>> -> memref<512xi32, #tpu.memory_space<hbm>>
        %dma_wait3A_62 = arith.constant 0 : i32
        %dma_wait3A_63 = tpu.memref_slice %arg2[%add3A_44, %dma_wait3A_62] : memref<2048x512xi32, #tpu.memory_space<hbm>> -> memref<1x512xi32, #tpu.memory_space<hbm>>
        %dma_wait3A_64 = tpu.memref_squeeze %dma_wait3A_63 : memref<1x512xi32, #tpu.memory_space<hbm>> -> memref<512xi32, #tpu.memory_space<hbm>>
        tpu.wait_dma2 semaphore(%arg24 : memref<!tpu.dma_semaphore, #tpu.memory_space<semaphore_mem>>) src(%dma_wait3A_64 : memref<512xi32, #tpu.memory_space<hbm>>) dst(%arg13 : memref<512xi32, #tpu.memory_space<vmem>>)
        %dma_wait3A_65 = arith.constant 0 : i32
        %dma_wait3A_66 = tpu.memref_slice %arg5[%add3A_44, %dma_wait3A_65] : memref<2048x512xf32, #tpu.memory_space<hbm>> -> memref<1x512xf32, #tpu.memory_space<hbm>>
        %dma_wait3A_67 = tpu.memref_squeeze %dma_wait3A_66 : memref<1x512xf32, #tpu.memory_space<hbm>> -> memref<512xf32, #tpu.memory_space<hbm>>
        %dma_wait3A_68 = arith.constant 0 : i32
        %dma_wait3A_69 = tpu.memref_slice %arg5[%add3A_44, %dma_wait3A_68] : memref<2048x512xf32, #tpu.memory_space<hbm>> -> memref<1x512xf32, #tpu.memory_space<hbm>>
        %dma_wait3A_70 = tpu.memref_squeeze %dma_wait3A_69 : memref<1x512xf32, #tpu.memory_space<hbm>> -> memref<512xf32, #tpu.memory_space<hbm>>
        tpu.wait_dma2 semaphore(%arg24 : memref<!tpu.dma_semaphore, #tpu.memory_space<semaphore_mem>>) src(%dma_wait3A_70 : memref<512xf32, #tpu.memory_space<hbm>>) dst(%arg15 : memref<512xf32, #tpu.memory_space<vmem>>)
        %mul3A_71 = arith.constant 512 : i32
        %mul3A_72 = arith.muli %add3A_44, %mul3A_71 : i32
        %dma_wait3A_73 = arith.constant 0 : i32
        %dma_wait3A_74 = tpu.memref_slice %arg17[%dma_wait3A_73] : memref<528xi32, #tpu.memory_space<vmem>> -> memref<512xi32, #tpu.memory_space<vmem>>
        %dma_wait3A_75 = tpu.memref_slice %arg3[%mul3A_72] : memref<1048576xi32, #tpu.memory_space<hbm>> -> memref<512xi32, #tpu.memory_space<hbm>>
        %dma_wait3A_76 = arith.constant 0 : i32
        %dma_wait3A_77 = tpu.memref_slice %arg17[%dma_wait3A_76] : memref<528xi32, #tpu.memory_space<vmem>> -> memref<512xi32, #tpu.memory_space<vmem>>
        %dma_wait3A_78 = tpu.memref_slice %arg3[%mul3A_72] : memref<1048576xi32, #tpu.memory_space<hbm>> -> memref<512xi32, #tpu.memory_space<hbm>>
        tpu.wait_dma2 semaphore(%arg24 : memref<!tpu.dma_semaphore, #tpu.memory_space<semaphore_mem>>) src(%dma_wait3A_78 : memref<512xi32, #tpu.memory_space<hbm>>) dst(%dma_wait3A_77 : memref<512xi32, #tpu.memory_space<vmem>>)
        %mul3A_79 = arith.constant 512 : i32
        %mul3A_80 = arith.muli %add3A_44, %mul3A_79 : i32
        %dma_wait3A_81 = tpu.memref_slice %arg4[%mul3A_80] : memref<1048576xf32, #tpu.memory_space<hbm>> -> memref<512xf32, #tpu.memory_space<hbm>>
        %dma_wait3A_82 = tpu.memref_slice %arg4[%mul3A_80] : memref<1048576xf32, #tpu.memory_space<hbm>> -> memref<512xf32, #tpu.memory_space<hbm>>
        tpu.wait_dma2 semaphore(%arg24 : memref<!tpu.dma_semaphore, #tpu.memory_space<semaphore_mem>>) src(%dma_wait3A_82 : memref<512xf32, #tpu.memory_space<hbm>>) dst(%arg19 : memref<512xf32, #tpu.memory_space<vmem>>)
        %lt3A_83 = arith.constant 63 : i32
        %lt3A_84 = arith.cmpi slt, %scan3A_43, %lt3A_83 : i32
        %convert_element_type3A_85 = arith.extui %lt3A_84 : i1 to i32
        %cond3A_86 = arith.constant 0 : i32
        %cond3A_87 = arith.cmpi ne, %convert_element_type3A_85, %cond3A_86 : i32
        scf.if %cond3A_87 {
          %add3A_157 = arith.constant 1 : i32
          %add3A_158 = arith.addi %add3A_44, %add3A_157 : i32
          %dma_start3A_159 = arith.constant 0 : i32
          %dma_start3A_160 = tpu.memref_slice %arg2[%add3A_158, %dma_start3A_159] : memref<2048x512xi32, #tpu.memory_space<hbm>> -> memref<1x512xi32, #tpu.memory_space<hbm>>
          %dma_start3A_161 = tpu.memref_squeeze %dma_start3A_160 : memref<1x512xi32, #tpu.memory_space<hbm>> -> memref<512xi32, #tpu.memory_space<hbm>>
          %dma_start3A_162 = arith.constant 0 : i32
          %dma_start3A_163 = tpu.memref_slice %arg2[%add3A_158, %dma_start3A_162] : memref<2048x512xi32, #tpu.memory_space<hbm>> -> memref<1x512xi32, #tpu.memory_space<hbm>>
          %dma_start3A_164 = tpu.memref_squeeze %dma_start3A_163 : memref<1x512xi32, #tpu.memory_space<hbm>> -> memref<512xi32, #tpu.memory_space<hbm>>
          tpu.enqueue_dma source(%dma_start3A_164 : memref<512xi32, #tpu.memory_space<hbm>>) target(%arg12 : memref<512xi32, #tpu.memory_space<vmem>>) target_semaphore(%arg23 : memref<!tpu.dma_semaphore, #tpu.memory_space<semaphore_mem>>)
          %dma_start3A_165 = arith.constant 0 : i32
          %dma_start3A_166 = tpu.memref_slice %arg5[%add3A_158, %dma_start3A_165] : memref<2048x512xf32, #tpu.memory_space<hbm>> -> memref<1x512xf32, #tpu.memory_space<hbm>>
          %dma_start3A_167 = tpu.memref_squeeze %dma_start3A_166 : memref<1x512xf32, #tpu.memory_space<hbm>> -> memref<512xf32, #tpu.memory_space<hbm>>
          %dma_start3A_168 = arith.constant 0 : i32
          %dma_start3A_169 = tpu.memref_slice %arg5[%add3A_158, %dma_start3A_168] : memref<2048x512xf32, #tpu.memory_space<hbm>> -> memref<1x512xf32, #tpu.memory_space<hbm>>
          %dma_start3A_170 = tpu.memref_squeeze %dma_start3A_169 : memref<1x512xf32, #tpu.memory_space<hbm>> -> memref<512xf32, #tpu.memory_space<hbm>>
          tpu.enqueue_dma source(%dma_start3A_170 : memref<512xf32, #tpu.memory_space<hbm>>) target(%arg14 : memref<512xf32, #tpu.memory_space<vmem>>) target_semaphore(%arg23 : memref<!tpu.dma_semaphore, #tpu.memory_space<semaphore_mem>>)
          %mul3A_171 = arith.constant 512 : i32
          %mul3A_172 = arith.muli %add3A_158, %mul3A_171 : i32
          %dma_start3A_173 = arith.constant 0 : i32
          %dma_start3A_174 = tpu.memref_slice %arg16[%dma_start3A_173] : memref<528xi32, #tpu.memory_space<vmem>> -> memref<512xi32, #tpu.memory_space<vmem>>
          %dma_start3A_175 = tpu.memref_slice %arg3[%mul3A_172] : memref<1048576xi32, #tpu.memory_space<hbm>> -> memref<512xi32, #tpu.memory_space<hbm>>
          %dma_start3A_176 = arith.constant 0 : i32
          %dma_start3A_177 = tpu.memref_slice %arg16[%dma_start3A_176] : memref<528xi32, #tpu.memory_space<vmem>> -> memref<512xi32, #tpu.memory_space<vmem>>
          %dma_start3A_178 = tpu.memref_slice %arg3[%mul3A_172] : memref<1048576xi32, #tpu.memory_space<hbm>> -> memref<512xi32, #tpu.memory_space<hbm>>
          tpu.enqueue_dma source(%dma_start3A_178 : memref<512xi32, #tpu.memory_space<hbm>>) target(%dma_start3A_177 : memref<512xi32, #tpu.memory_space<vmem>>) target_semaphore(%arg23 : memref<!tpu.dma_semaphore, #tpu.memory_space<semaphore_mem>>)
          %mul3A_179 = arith.constant 512 : i32
          %mul3A_180 = arith.muli %add3A_158, %mul3A_179 : i32
          %dma_start3A_181 = tpu.memref_slice %arg4[%mul3A_180] : memref<1048576xf32, #tpu.memory_space<hbm>> -> memref<512xf32, #tpu.memory_space<hbm>>
          %dma_start3A_182 = tpu.memref_slice %arg4[%mul3A_180] : memref<1048576xf32, #tpu.memory_space<hbm>> -> memref<512xf32, #tpu.memory_space<hbm>>
          tpu.enqueue_dma source(%dma_start3A_182 : memref<512xf32, #tpu.memory_space<hbm>>) target(%arg18 : memref<512xf32, #tpu.memory_space<vmem>>) target_semaphore(%arg23 : memref<!tpu.dma_semaphore, #tpu.memory_space<semaphore_mem>>)
        } else {
        }
        %scan3A_88 = arith.constant 0 : i32
        %scan3A_89 = arith.constant 0 : i32
        %scan3A_90 = arith.constant 8 : i32
        %scan3A_91 = arith.addi %scan3A_89, %scan3A_90 : i32
        %scan3A_92 = arith.constant 1 : i32
        scf.for %scan3A_157 = %scan3A_89 to %scan3A_91 step %scan3A_92  : i32 {
          %mul3A_158 = arith.constant 4 : i32
          %mul3A_159 = arith.muli %scan3A_157, %mul3A_158 : i32
          %mul3A_160 = arith.constant 16 : i32
          %mul3A_161 = arith.muli %mul3A_159, %mul3A_160 : i32
          %add3A_162 = arith.constant 0 : i32
          %add3A_163 = arith.addi %mul3A_161, %add3A_162 : i32
          %get3A = arith.index_cast %add3A_163 : i32 to index
          %get3A_164 = tpu.vector_load %arg13[%get3A] {strides = array<i32>} : memref<512xi32, #tpu.memory_space<vmem>>, vector<16xi32>,
          %lt3A_165 = arith.constant 32000 : i32
          %lt3A_166 = vector.broadcast %lt3A_165 : i32 to vector<16xi32>
          %lt3A_167 = arith.cmpi slt, %get3A_164, %lt3A_166 : vector<16xi32>
          %jit3A_168 = arith.constant 0 : i32
          %broadcast_in_dim3A_169 = vector.broadcast %jit3A_168 : i32 to vector<16xi32>
          %select_n3A_170 = arith.select %lt3A_167, %get3A_164, %broadcast_in_dim3A_169 : vector<16xi1>, vector<16xi32>
          %mul3A_171 = arith.constant 4 : i32
          %mul3A_172 = arith.muli %scan3A_157, %mul3A_171 : i32
          %mul3A_173 = arith.constant 16 : i32
          %mul3A_174 = arith.muli %mul3A_172, %mul3A_173 : i32
          %add3A_175 = arith.constant 0 : i32
          %add3A_176 = arith.addi %mul3A_174, %add3A_175 : i32
          %get3A_177 = arith.index_cast %add3A_176 : i32 to index
          %get3A_178 = tpu.vector_load %arg15[%get3A_177] {strides = array<i32>} : memref<512xf32, #tpu.memory_space<vmem>>, vector<16xf32>,
          tpu.vector_store_idx %arg11[%select_n3A_170], %get3A_178 : memref<32000xf32, #tpu.memory_space<vmem>>[vector<16xi32>], vector<16xf32>,
          %mul3A_179 = arith.constant 4 : i32
          %mul3A_180 = arith.muli %scan3A_157, %mul3A_179 : i32
          %mul3A_181 = arith.constant 16 : i32
          %mul3A_182 = arith.muli %mul3A_180, %mul3A_181 : i32
          %add3A_183 = arith.constant 16 : i32
          %add3A_184 = arith.addi %mul3A_182, %add3A_183 : i32
          %get3A_185 = arith.index_cast %add3A_184 : i32 to index
          %get3A_186 = tpu.vector_load %arg13[%get3A_185] {strides = array<i32>} : memref<512xi32, #tpu.memory_space<vmem>>, vector<16xi32>,
          %lt3A_187 = arith.constant 32000 : i32
          %lt3A_188 = vector.broadcast %lt3A_187 : i32 to vector<16xi32>
          %lt3A_189 = arith.cmpi slt, %get3A_186, %lt3A_188 : vector<16xi32>
          %jit3A_190 = arith.constant 0 : i32
          %broadcast_in_dim3A_191 = vector.broadcast %jit3A_190 : i32 to vector<16xi32>
          %select_n3A_192 = arith.select %lt3A_189, %get3A_186, %broadcast_in_dim3A_191 : vector<16xi1>, vector<16xi32>
          %mul3A_193 = arith.constant 4 : i32
          %mul3A_194 = arith.muli %scan3A_157, %mul3A_193 : i32
          %mul3A_195 = arith.constant 16 : i32
          %mul3A_196 = arith.muli %mul3A_194, %mul3A_195 : i32
          %add3A_197 = arith.constant 16 : i32
          %add3A_198 = arith.addi %mul3A_196, %add3A_197 : i32
          %get3A_199 = arith.index_cast %add3A_198 : i32 to index
          %get3A_200 = tpu.vector_load %arg15[%get3A_199] {strides = array<i32>} : memref<512xf32, #tpu.memory_space<vmem>>, vector<16xf32>,
          tpu.vector_store_idx %arg11[%select_n3A_192], %get3A_200 : memref<32000xf32, #tpu.memory_space<vmem>>[vector<16xi32>], vector<16xf32>,
          %mul3A_201 = arith.constant 4 : i32
          %mul3A_202 = arith.muli %scan3A_157, %mul3A_201 : i32
          %mul3A_203 = arith.constant 16 : i32
          %mul3A_204 = arith.muli %mul3A_202, %mul3A_203 : i32
          %add3A_205 = arith.constant 32 : i32
          %add3A_206 = arith.addi %mul3A_204, %add3A_205 : i32
          %get3A_207 = arith.index_cast %add3A_206 : i32 to index
          %get3A_208 = tpu.vector_load %arg13[%get3A_207] {strides = array<i32>} : memref<512xi32, #tpu.memory_space<vmem>>, vector<16xi32>,
          %lt3A_209 = arith.constant 32000 : i32
          %lt3A_210 = vector.broadcast %lt3A_209 : i32 to vector<16xi32>
          %lt3A_211 = arith.cmpi slt, %get3A_208, %lt3A_210 : vector<16xi32>
          %jit3A_212 = arith.constant 0 : i32
          %broadcast_in_dim3A_213 = vector.broadcast %jit3A_212 : i32 to vector<16xi32>
          %select_n3A_214 = arith.select %lt3A_211, %get3A_208, %broadcast_in_dim3A_213 : vector<16xi1>, vector<16xi32>
          %mul3A_215 = arith.constant 4 : i32
          %mul3A_216 = arith.muli %scan3A_157, %mul3A_215 : i32
          %mul3A_217 = arith.constant 16 : i32
          %mul3A_218 = arith.muli %mul3A_216, %mul3A_217 : i32
          %add3A_219 = arith.constant 32 : i32
          %add3A_220 = arith.addi %mul3A_218, %add3A_219 : i32
          %get3A_221 = arith.index_cast %add3A_220 : i32 to index
          %get3A_222 = tpu.vector_load %arg15[%get3A_221] {strides = array<i32>} : memref<512xf32, #tpu.memory_space<vmem>>, vector<16xf32>,
          tpu.vector_store_idx %arg11[%select_n3A_214], %get3A_222 : memref<32000xf32, #tpu.memory_space<vmem>>[vector<16xi32>], vector<16xf32>,
          %mul3A_223 = arith.constant 4 : i32
          %mul3A_224 = arith.muli %scan3A_157, %mul3A_223 : i32
          %mul3A_225 = arith.constant 16 : i32
          %mul3A_226 = arith.muli %mul3A_224, %mul3A_225 : i32
          %add3A_227 = arith.constant 48 : i32
          %add3A_228 = arith.addi %mul3A_226, %add3A_227 : i32
          %get3A_229 = arith.index_cast %add3A_228 : i32 to index
          %get3A_230 = tpu.vector_load %arg13[%get3A_229] {strides = array<i32>} : memref<512xi32, #tpu.memory_space<vmem>>, vector<16xi32>,
          %lt3A_231 = arith.constant 32000 : i32
          %lt3A_232 = vector.broadcast %lt3A_231 : i32 to vector<16xi32>
          %lt3A_233 = arith.cmpi slt, %get3A_230, %lt3A_232 : vector<16xi32>
          %jit3A_234 = arith.constant 0 : i32
          %broadcast_in_dim3A_235 = vector.broadcast %jit3A_234 : i32 to vector<16xi32>
          %select_n3A_236 = arith.select %lt3A_233, %get3A_230, %broadcast_in_dim3A_235 : vector<16xi1>, vector<16xi32>
          %mul3A_237 = arith.constant 4 : i32
          %mul3A_238 = arith.muli %scan3A_157, %mul3A_237 : i32
          %mul3A_239 = arith.constant 16 : i32
          %mul3A_240 = arith.muli %mul3A_238, %mul3A_239 : i32
          %add3A_241 = arith.constant 48 : i32
          %add3A_242 = arith.addi %mul3A_240, %add3A_241 : i32
          %get3A_243 = arith.index_cast %add3A_242 : i32 to index
          %get3A_244 = tpu.vector_load %arg15[%get3A_243] {strides = array<i32>} : memref<512xf32, #tpu.memory_space<vmem>>, vector<16xf32>,
          tpu.vector_store_idx %arg11[%select_n3A_236], %get3A_244 : memref<32000xf32, #tpu.memory_space<vmem>>[vector<16xi32>], vector<16xf32>,
        }
        %scan3A_93 = arith.constant 8 : i32
        %mul3A_94 = arith.constant 32000 : i32
        %mul3A_95 = arith.muli %add3A_44, %mul3A_94 : i32
        %scan3A_96 = arith.constant 0 : i32
        %scan3A_97 = arith.constant 8 : i32
        %scan3A_98 = arith.addi %scan3A_96, %scan3A_97 : i32
        %scan3A_99 = arith.constant 1 : i32
        %scan3A_100:8 = scf.for %scan3A_157 = %scan3A_96 to %scan3A_98 step %scan3A_99 iter_args(%scan3A_158 = %broadcast_in_dim3A_3, %scan3A_159 = %broadcast_in_dim3A_5, %scan3A_160 = %broadcast_in_dim3A_3, %scan3A_161 = %broadcast_in_dim3A_5, %scan3A_162 = %broadcast_in_dim3A_3, %scan3A_163 = %broadcast_in_dim3A_5, %scan3A_164 = %broadcast_in_dim3A_3, %scan3A_165 = %broadcast_in_dim3A_5) -> (vector<16xf32>, vector<16xi32>, vector<16xf32>, vector<16xi32>, vector<16xf32>, vector<16xi32>, vector<16xf32>, vector<16xi32>)  : i32 {
          %mul3A_166 = arith.constant 4 : i32
          %mul3A_167 = arith.muli %scan3A_157, %mul3A_166 : i32
          %mul3A_168 = arith.constant 16 : i32
          %mul3A_169 = arith.muli %mul3A_167, %mul3A_168 : i32
          %add3A_170 = arith.constant 0 : i32
          %add3A_171 = arith.addi %mul3A_169, %add3A_170 : i32
          %get3A = arith.index_cast %add3A_171 : i32 to index
          %get3A_172 = tpu.vector_load %arg17[%get3A] {strides = array<i32>} : memref<528xi32, #tpu.memory_space<vmem>>, vector<16xi32>,
          %mul3A_173 = arith.constant 4 : i32
          %mul3A_174 = arith.muli %scan3A_157, %mul3A_173 : i32
          %mul3A_175 = arith.constant 16 : i32
          %mul3A_176 = arith.muli %mul3A_174, %mul3A_175 : i32
          %add3A_177 = arith.constant 0 : i32
          %add3A_178 = arith.addi %mul3A_176, %add3A_177 : i32
          %add3A_179 = arith.constant 1 : i32
          %add3A_180 = arith.addi %add3A_178, %add3A_179 : i32
          %get3A_181 = arith.index_cast %add3A_180 : i32 to index
          %get3A_182 = tpu.vector_load %arg17[%get3A_181] {strides = array<i32>} : memref<528xi32, #tpu.memory_space<vmem>>, vector<16xi32>,
          %mul3A_183 = arith.constant 4 : i32
          %mul3A_184 = arith.muli %scan3A_157, %mul3A_183 : i32
          %mul3A_185 = arith.constant 16 : i32
          %mul3A_186 = arith.muli %mul3A_184, %mul3A_185 : i32
          %add3A_187 = arith.constant 0 : i32
          %add3A_188 = arith.addi %mul3A_186, %add3A_187 : i32
          %get3A_189 = arith.index_cast %add3A_188 : i32 to index
          %get3A_190 = tpu.vector_load %arg19[%get3A_189] {strides = array<i32>} : memref<512xf32, #tpu.memory_space<vmem>>, vector<16xf32>,
          %sub3A = vector.broadcast %mul3A_95 : i32 to vector<16xi32>
          %sub3A_191 = arith.subi %get3A_172, %sub3A : vector<16xi32>
          %gather3A_192 = tpu.vector_load_idx %arg11[%sub3A_191] : memref<32000xf32, #tpu.memory_space<vmem>>[vector<16xi32>], vector<16xf32>,
          %ne3A_193 = arith.cmpi ne, %get3A_172, %get3A_182 : vector<16xi32>
          %add3A_194 = arith.addf %gather3A_192, %get3A_190 : vector<16xf32>
          %select_n3A_195 = arith.select %ne3A_193, %add3A_194, %broadcast_in_dim3A_3 : vector<16xi1>, vector<16xf32>
          %gt3A_196 = arith.cmpf ogt, %select_n3A_195, %scan3A_158 : vector<16xf32>
          %max3A_197 = arith.maximumf %scan3A_158, %select_n3A_195 : vector<16xf32>
          %select_n3A_198 = arith.select %gt3A_196, %sub3A_191, %scan3A_159 : vector<16xi1>, vector<16xi32>
          %mul3A_199 = arith.constant 4 : i32
          %mul3A_200 = arith.muli %scan3A_157, %mul3A_199 : i32
          %mul3A_201 = arith.constant 16 : i32
          %mul3A_202 = arith.muli %mul3A_200, %mul3A_201 : i32
          %add3A_203 = arith.constant 16 : i32
          %add3A_204 = arith.addi %mul3A_202, %add3A_203 : i32
          %get3A_205 = arith.index_cast %add3A_204 : i32 to index
          %get3A_206 = tpu.vector_load %arg17[%get3A_205] {strides = array<i32>} : memref<528xi32, #tpu.memory_space<vmem>>, vector<16xi32>,
          %mul3A_207 = arith.constant 4 : i32
          %mul3A_208 = arith.muli %scan3A_157, %mul3A_207 : i32
          %mul3A_209 = arith.constant 16 : i32
          %mul3A_210 = arith.muli %mul3A_208, %mul3A_209 : i32
          %add3A_211 = arith.constant 16 : i32
          %add3A_212 = arith.addi %mul3A_210, %add3A_211 : i32
          %add3A_213 = arith.constant 1 : i32
          %add3A_214 = arith.addi %add3A_212, %add3A_213 : i32
          %get3A_215 = arith.index_cast %add3A_214 : i32 to index
          %get3A_216 = tpu.vector_load %arg17[%get3A_215] {strides = array<i32>} : memref<528xi32, #tpu.memory_space<vmem>>, vector<16xi32>,
          %mul3A_217 = arith.constant 4 : i32
          %mul3A_218 = arith.muli %scan3A_157, %mul3A_217 : i32
          %mul3A_219 = arith.constant 16 : i32
          %mul3A_220 = arith.muli %mul3A_218, %mul3A_219 : i32
          %add3A_221 = arith.constant 16 : i32
          %add3A_222 = arith.addi %mul3A_220, %add3A_221 : i32
          %get3A_223 = arith.index_cast %add3A_222 : i32 to index
          %get3A_224 = tpu.vector_load %arg19[%get3A_223] {strides = array<i32>} : memref<512xf32, #tpu.memory_space<vmem>>, vector<16xf32>,
          %sub3A_225 = vector.broadcast %mul3A_95 : i32 to vector<16xi32>
          %sub3A_226 = arith.subi %get3A_206, %sub3A_225 : vector<16xi32>
          %gather3A_227 = tpu.vector_load_idx %arg11[%sub3A_226] : memref<32000xf32, #tpu.memory_space<vmem>>[vector<16xi32>], vector<16xf32>,
          %ne3A_228 = arith.cmpi ne, %get3A_206, %get3A_216 : vector<16xi32>
          %add3A_229 = arith.addf %gather3A_227, %get3A_224 : vector<16xf32>
          %select_n3A_230 = arith.select %ne3A_228, %add3A_229, %broadcast_in_dim3A_3 : vector<16xi1>, vector<16xf32>
          %gt3A_231 = arith.cmpf ogt, %select_n3A_230, %scan3A_160 : vector<16xf32>
          %max3A_232 = arith.maximumf %scan3A_160, %select_n3A_230 : vector<16xf32>
          %select_n3A_233 = arith.select %gt3A_231, %sub3A_226, %scan3A_161 : vector<16xi1>, vector<16xi32>
          %mul3A_234 = arith.constant 4 : i32
          %mul3A_235 = arith.muli %scan3A_157, %mul3A_234 : i32
          %mul3A_236 = arith.constant 16 : i32
          %mul3A_237 = arith.muli %mul3A_235, %mul3A_236 : i32
          %add3A_238 = arith.constant 32 : i32
          %add3A_239 = arith.addi %mul3A_237, %add3A_238 : i32
          %get3A_240 = arith.index_cast %add3A_239 : i32 to index
          %get3A_241 = tpu.vector_load %arg17[%get3A_240] {strides = array<i32>} : memref<528xi32, #tpu.memory_space<vmem>>, vector<16xi32>,
          %mul3A_242 = arith.constant 4 : i32
          %mul3A_243 = arith.muli %scan3A_157, %mul3A_242 : i32
          %mul3A_244 = arith.constant 16 : i32
          %mul3A_245 = arith.muli %mul3A_243, %mul3A_244 : i32
          %add3A_246 = arith.constant 32 : i32
          %add3A_247 = arith.addi %mul3A_245, %add3A_246 : i32
          %add3A_248 = arith.constant 1 : i32
          %add3A_249 = arith.addi %add3A_247, %add3A_248 : i32
          %get3A_250 = arith.index_cast %add3A_249 : i32 to index
          %get3A_251 = tpu.vector_load %arg17[%get3A_250] {strides = array<i32>} : memref<528xi32, #tpu.memory_space<vmem>>, vector<16xi32>,
          %mul3A_252 = arith.constant 4 : i32
          %mul3A_253 = arith.muli %scan3A_157, %mul3A_252 : i32
          %mul3A_254 = arith.constant 16 : i32
          %mul3A_255 = arith.muli %mul3A_253, %mul3A_254 : i32
          %add3A_256 = arith.constant 32 : i32
          %add3A_257 = arith.addi %mul3A_255, %add3A_256 : i32
          %get3A_258 = arith.index_cast %add3A_257 : i32 to index
          %get3A_259 = tpu.vector_load %arg19[%get3A_258] {strides = array<i32>} : memref<512xf32, #tpu.memory_space<vmem>>, vector<16xf32>,
          %sub3A_260 = vector.broadcast %mul3A_95 : i32 to vector<16xi32>
          %sub3A_261 = arith.subi %get3A_241, %sub3A_260 : vector<16xi32>
          %gather3A_262 = tpu.vector_load_idx %arg11[%sub3A_261] : memref<32000xf32, #tpu.memory_space<vmem>>[vector<16xi32>], vector<16xf32>,
          %ne3A_263 = arith.cmpi ne, %get3A_241, %get3A_251 : vector<16xi32>
          %add3A_264 = arith.addf %gather3A_262, %get3A_259 : vector<16xf32>
          %select_n3A_265 = arith.select %ne3A_263, %add3A_264, %broadcast_in_dim3A_3 : vector<16xi1>, vector<16xf32>
          %gt3A_266 = arith.cmpf ogt, %select_n3A_265, %scan3A_162 : vector<16xf32>
          %max3A_267 = arith.maximumf %scan3A_162, %select_n3A_265 : vector<16xf32>
          %select_n3A_268 = arith.select %gt3A_266, %sub3A_261, %scan3A_163 : vector<16xi1>, vector<16xi32>
          %mul3A_269 = arith.constant 4 : i32
          %mul3A_270 = arith.muli %scan3A_157, %mul3A_269 : i32
          %mul3A_271 = arith.constant 16 : i32
          %mul3A_272 = arith.muli %mul3A_270, %mul3A_271 : i32
          %add3A_273 = arith.constant 48 : i32
          %add3A_274 = arith.addi %mul3A_272, %add3A_273 : i32
          %get3A_275 = arith.index_cast %add3A_274 : i32 to index
          %get3A_276 = tpu.vector_load %arg17[%get3A_275] {strides = array<i32>} : memref<528xi32, #tpu.memory_space<vmem>>, vector<16xi32>,
          %mul3A_277 = arith.constant 4 : i32
          %mul3A_278 = arith.muli %scan3A_157, %mul3A_277 : i32
          %mul3A_279 = arith.constant 16 : i32
          %mul3A_280 = arith.muli %mul3A_278, %mul3A_279 : i32
          %add3A_281 = arith.constant 48 : i32
          %add3A_282 = arith.addi %mul3A_280, %add3A_281 : i32
          %add3A_283 = arith.constant 1 : i32
          %add3A_284 = arith.addi %add3A_282, %add3A_283 : i32
          %get3A_285 = arith.index_cast %add3A_284 : i32 to index
          %get3A_286 = tpu.vector_load %arg17[%get3A_285] {strides = array<i32>} : memref<528xi32, #tpu.memory_space<vmem>>, vector<16xi32>,
          %mul3A_287 = arith.constant 4 : i32
          %mul3A_288 = arith.muli %scan3A_157, %mul3A_287 : i32
          %mul3A_289 = arith.constant 16 : i32
          %mul3A_290 = arith.muli %mul3A_288, %mul3A_289 : i32
          %add3A_291 = arith.constant 48 : i32
          %add3A_292 = arith.addi %mul3A_290, %add3A_291 : i32
          %get3A_293 = arith.index_cast %add3A_292 : i32 to index
          %get3A_294 = tpu.vector_load %arg19[%get3A_293] {strides = array<i32>} : memref<512xf32, #tpu.memory_space<vmem>>, vector<16xf32>,
          %sub3A_295 = vector.broadcast %mul3A_95 : i32 to vector<16xi32>
          %sub3A_296 = arith.subi %get3A_276, %sub3A_295 : vector<16xi32>
          %gather3A_297 = tpu.vector_load_idx %arg11[%sub3A_296] : memref<32000xf32, #tpu.memory_space<vmem>>[vector<16xi32>], vector<16xf32>,
          %ne3A_298 = arith.cmpi ne, %get3A_276, %get3A_286 : vector<16xi32>
          %add3A_299 = arith.addf %gather3A_297, %get3A_294 : vector<16xf32>
          %select_n3A_300 = arith.select %ne3A_298, %add3A_299, %broadcast_in_dim3A_3 : vector<16xi1>, vector<16xf32>
          %gt3A_301 = arith.cmpf ogt, %select_n3A_300, %scan3A_164 : vector<16xf32>
          %max3A_302 = arith.maximumf %scan3A_164, %select_n3A_300 : vector<16xf32>
          %select_n3A_303 = arith.select %gt3A_301, %sub3A_296, %scan3A_165 : vector<16xi1>, vector<16xi32>
          scf.yield %max3A_197, %select_n3A_198, %max3A_232, %select_n3A_233, %max3A_267, %select_n3A_268, %max3A_302, %select_n3A_303 : vector<16xf32>, vector<16xi32>, vector<16xf32>, vector<16xi32>, vector<16xf32>, vector<16xi32>, vector<16xf32>, vector<16xi32>
        }
        %scan3A_101 = arith.constant 8 : i32
        %max3A = arith.maximumf %scan3A_100#0, %scan3A_100#2 : vector<16xf32>
        %gt3A = arith.cmpf ogt, %scan3A_100#0, %scan3A_100#2 : vector<16xf32>
        %gt3A_102 = arith.cmpf ogt, %scan3A_100#2, %scan3A_100#0 : vector<16xf32>
        %min3A = arith.minsi %scan3A_100#1, %scan3A_100#3 : vector<16xi32>
        %select_n3A_103 = arith.select %gt3A_102, %scan3A_100#3, %min3A : vector<16xi1>, vector<16xi32>
        %select_n3A_104 = arith.select %gt3A, %scan3A_100#1, %select_n3A_103 : vector<16xi1>, vector<16xi32>
        %max3A_105 = arith.maximumf %scan3A_100#4, %scan3A_100#6 : vector<16xf32>
        %gt3A_106 = arith.cmpf ogt, %scan3A_100#4, %scan3A_100#6 : vector<16xf32>
        %gt3A_107 = arith.cmpf ogt, %scan3A_100#6, %scan3A_100#4 : vector<16xf32>
        %min3A_108 = arith.minsi %scan3A_100#5, %scan3A_100#7 : vector<16xi32>
        %select_n3A_109 = arith.select %gt3A_107, %scan3A_100#7, %min3A_108 : vector<16xi1>, vector<16xi32>
        %select_n3A_110 = arith.select %gt3A_106, %scan3A_100#5, %select_n3A_109 : vector<16xi1>, vector<16xi32>
        %max3A_111 = arith.maximumf %max3A, %max3A_105 : vector<16xf32>
        %gt3A_112 = arith.cmpf ogt, %max3A, %max3A_105 : vector<16xf32>
        %gt3A_113 = arith.cmpf ogt, %max3A_105, %max3A : vector<16xf32>
        %min3A_114 = arith.minsi %select_n3A_104, %select_n3A_110 : vector<16xi32>
        %select_n3A_115 = arith.select %gt3A_113, %select_n3A_110, %min3A_114 : vector<16xi1>, vector<16xi32>
        %select_n3A_116 = arith.select %gt3A_112, %select_n3A_104, %select_n3A_115 : vector<16xi1>, vector<16xi32>
        %reduce_max3A = arith.constant true
        %reduce_max3A_117 = vector.broadcast %reduce_max3A : i1 to vector<16xi1>
        %reduce_max3A_118 = tpu.scan <max>, %max3A_111 masked %reduce_max3A_117 : vector<16xf32>, vector<16xi1> -> vector<16xf32>
        %reduce_max3A_119 = vector.extract %reduce_max3A_118[15] : f32 from vector<16xf32>
        %eq3A_120 = vector.broadcast %reduce_max3A_119 : f32 to vector<16xf32>
        %eq3A_121 = arith.cmpf oeq, %max3A_111, %eq3A_120 : vector<16xf32>
        %jit3A_122 = arith.constant 1073741824 : i32
        %broadcast_in_dim3A_123 = vector.broadcast %jit3A_122 : i32 to vector<16xi32>
        %select_n3A_124 = arith.select %eq3A_121, %select_n3A_116, %broadcast_in_dim3A_123 : vector<16xi1>, vector<16xi32>
        %reduce_min3A = arith.constant true
        %reduce_min3A_125 = vector.broadcast %reduce_min3A : i1 to vector<16xi1>
        %reduce_min3A_126 = arith.constant -2147483648 : i32
        %reduce_min3A_127 = vector.broadcast %reduce_min3A_126 : i32 to vector<16xi32>
        %reduce_min3A_128 = arith.xori %select_n3A_124, %reduce_min3A_127 : vector<16xi32>
        %reduce_min3A_129 = tpu.scan <min>, %reduce_min3A_128 masked %reduce_min3A_125 : vector<16xi32>, vector<16xi1> -> vector<16xi32>
        %reduce_min3A_130 = arith.xori %reduce_min3A_129, %reduce_min3A_127 : vector<16xi32>
        %reduce_min3A_131 = vector.extract %reduce_min3A_130[15] : i32 from vector<16xi32>
        %broadcast_in_dim3A_132 = vector.broadcast %scan3A_43 : i32 to vector<16xi32>
        %gather3A = tpu.vector_load_idx %arg20[%broadcast_in_dim3A_132] : memref<128xf32, #tpu.memory_space<vmem>>[vector<16xi32>], vector<16xf32>,
        %add3A_133 = arith.constant 64 : i32
        %add3A_134 = vector.broadcast %add3A_133 : i32 to vector<16xi32>
        %add3A_135 = arith.addi %broadcast_in_dim3A_132, %add3A_134 : vector<16xi32>
        %gather3A_136 = tpu.vector_load_idx %arg20[%add3A_135] : memref<128xf32, #tpu.memory_space<vmem>>[vector<16xi32>], vector<16xf32>,
        %gather3A_137 = tpu.vector_load_idx %arg21[%broadcast_in_dim3A_132] : memref<128xi32, #tpu.memory_space<vmem>>[vector<16xi32>], vector<16xi32>,
        %add3A_138 = arith.constant 64 : i32
        %add3A_139 = vector.broadcast %add3A_138 : i32 to vector<16xi32>
        %add3A_140 = arith.addi %broadcast_in_dim3A_132, %add3A_139 : vector<16xi32>
        %gather3A_141 = tpu.vector_load_idx %arg21[%add3A_140] : memref<128xi32, #tpu.memory_space<vmem>>[vector<16xi32>], vector<16xi32>,
        %reduce_max3A_142 = arith.constant true
        %reduce_max3A_143 = vector.broadcast %reduce_max3A_142 : i1 to vector<16xi1>
        %reduce_max3A_144 = tpu.scan <max>, %gather3A masked %reduce_max3A_143 : vector<16xf32>, vector<16xi1> -> vector<16xf32>
        %reduce_max3A_145 = vector.extract %reduce_max3A_144[15] : f32 from vector<16xf32>
        %reduce_max3A_146 = arith.constant true
        %reduce_max3A_147 = vector.broadcast %reduce_max3A_146 : i1 to vector<16xi1>
        %reduce_max3A_148 = tpu.scan <max>, %gather3A_136 masked %reduce_max3A_147 : vector<16xf32>, vector<16xi1> -> vector<16xf32>
        %reduce_max3A_149 = vector.extract %reduce_max3A_148[15] : f32 from vector<16xf32>
        %max3A_150 = arith.maximumf %reduce_max3A_145, %reduce_max3A_119 : f32
        %gt3A_151 = arith.cmpf ogt, %reduce_max3A_119, %reduce_max3A_145 : f32
        %broadcast_in_dim3A_152 = vector.broadcast %reduce_min3A_131 : i32 to vector<16xi32>
        %select_n3A_153 = arith.select %gt3A_151, %broadcast_in_dim3A_152, %gather3A_137 : vector<16xi32>
        %lt3A_154 = arith.cmpf olt, %max3A_150, %reduce_max3A_149 : f32
        %select_n3A_155 = arith.select %lt3A_154, %gather3A_141, %select_n3A_153 : vector<16xi32>
        tpu.vector_store_idx %arg22[%broadcast_in_dim3A_132], %select_n3A_155 masked %eq3A_7 : memref<64xi32, #tpu.memory_space<vmem>>[vector<16xi32>], vector<16xi32>, vector<16xi1>
        %cond3A_156 = arith.constant 0 : i32
        scf.yield %cond3A_156 : i32
      }
    }
    %scan3A_42 = arith.constant 64 : i32
    "tpu.region"() ({
      %run_scoped3A = tpu.sem_alloc : memref<!tpu.dma_semaphore, #tpu.memory_space<semaphore_mem>>
      %dma_start3A_43 = tpu.memref_slice %arg10[%mul3A_2] : memref<2048xi32, #tpu.memory_space<hbm>> -> memref<64xi32, #tpu.memory_space<hbm>>
      %dma_start3A_44 = tpu.memref_slice %arg10[%mul3A_2] : memref<2048xi32, #tpu.memory_space<hbm>> -> memref<64xi32, #tpu.memory_space<hbm>>
      tpu.enqueue_dma source(%arg22 : memref<64xi32, #tpu.memory_space<vmem>>) target(%dma_start3A_44 : memref<64xi32, #tpu.memory_space<hbm>>) target_semaphore(%run_scoped3A : memref<!tpu.dma_semaphore, #tpu.memory_space<semaphore_mem>>)
      %dma_wait3A = tpu.memref_slice %arg10[%mul3A_2] : memref<2048xi32, #tpu.memory_space<hbm>> -> memref<64xi32, #tpu.memory_space<hbm>>
      %dma_wait3A_45 = tpu.memref_slice %arg10[%mul3A_2] : memref<2048xi32, #tpu.memory_space<hbm>> -> memref<64xi32, #tpu.memory_space<hbm>>
      tpu.wait_dma2 semaphore(%run_scoped3A : memref<!tpu.dma_semaphore, #tpu.memory_space<semaphore_mem>>) src(%arg22 : memref<64xi32, #tpu.memory_space<vmem>>) dst(%dma_wait3A_45 : memref<64xi32, #tpu.memory_space<hbm>>)
      tpu.yield
    }) : () -> ()
    return
  }
}

module attributes {stable_mosaic.version = 14 : i64} {
  func.func @_tc_body(%arg0: memref<16x128xi32, #tpu.memory_space<vmem>>, %arg1: memref<16x128xi32, #tpu.memory_space<vmem>>, %arg2: memref<16x128xf32, #tpu.memory_space<vmem>>, %arg3: memref<16x128xf32, #tpu.memory_space<vmem>>, %arg4: memref<1x1xf32, #tpu.memory_space<vmem>>, %arg5: memref<1x1xf32, #tpu.memory_space<vmem>>, %arg6: memref<1x1xi32, #tpu.memory_space<vmem>>, %arg7: memref<1x1xi32, #tpu.memory_space<vmem>>) attributes {dimension_semantics = [], scalar_prefetch = 0 : i64, scratch_operands = 0 : i64, tpu.core_type = #tpu.core_type<tc>} {
    %get3A = arith.constant 0 : index
    %get3A_0 = arith.constant 0 : index
    %get3A_1 = vector.load %arg4[%get3A, %get3A_0] : memref<1x1xf32, #tpu.memory_space<vmem>>, vector<1x1xf32>
    %get3A_2 = vector.extract %get3A_1[0, 0] : f32 from vector<1x1xf32>
    %get3A_3 = arith.constant 0 : index
    %get3A_4 = arith.constant 0 : index
    %get3A_5 = vector.load %arg1[%get3A_3, %get3A_4] : memref<16x128xi32, #tpu.memory_space<vmem>>, vector<16x128xi32>
    %ne3A = arith.constant 0 : i32
    %ne3A_6 = vector.broadcast %ne3A : i32 to vector<16x128xi32>
    %ne3A_7 = arith.cmpi ne, %get3A_5, %ne3A_6 : vector<16x128xi32>
    %get3A_8 = arith.constant 0 : index
    %get3A_9 = arith.constant 0 : index
    %get3A_10 = vector.load %arg2[%get3A_8, %get3A_9] : memref<16x128xf32, #tpu.memory_space<vmem>>, vector<16x128xf32>
    %get3A_11 = arith.constant 0 : index
    %get3A_12 = arith.constant 0 : index
    %get3A_13 = vector.load %arg3[%get3A_11, %get3A_12] : memref<16x128xf32, #tpu.memory_space<vmem>>, vector<16x128xf32>
    %add3A = vector.broadcast %get3A_2 : f32 to vector<16x128xf32>
    %add3A_14 = arith.addf %get3A_13, %add3A : vector<16x128xf32>
    %add3A_15 = arith.addf %get3A_10, %add3A_14 : vector<16x128xf32>
    %add3A_16 = vector.broadcast %get3A_2 : f32 to vector<16x128xf32>
    %add3A_17 = arith.addf %add3A_15, %add3A_16 : vector<16x128xf32>
    %log3A = math.log %add3A_17 : vector<16x128xf32>
    %jit3A = arith.constant 0.000000e+00 : f32
    %broadcast_in_dim3A = vector.broadcast %jit3A : f32 to vector<16x128xf32>
    %select_n3A = arith.select %ne3A_7, %log3A, %broadcast_in_dim3A : vector<16x128xi1>, vector<16x128xf32>
    %reduce_sum3A = vector.shape_cast %select_n3A : vector<16x128xf32> to vector<1x16x128xf32>
    %reduce_sum3A_18 = arith.constant dense<0.000000e+00> : vector<1xf32>
    %reduce_sum3A_19 = vector.multi_reduction <add>, %reduce_sum3A, %reduce_sum3A_18 [1, 2] : vector<1x16x128xf32> to vector<1xf32>
    %reduce_sum3A_20 = vector.shape_cast %reduce_sum3A_19 : vector<1xf32> to vector<1x1x1xf32>
    %reduce_sum3A_21 = vector.extract %reduce_sum3A_20[0, 0, 0] : f32 from vector<1x1x1xf32>
    %neg3A = arith.constant 0.000000e+00 : f32
    %neg3A_22 = arith.subf %neg3A, %reduce_sum3A_21 : f32
    %reshape3A = vector.broadcast %neg3A_22 : f32 to vector<1x1xf32>
    %swap3A = arith.constant 0 : index
    %swap3A_23 = arith.constant 0 : index
    %swap3A_24 = vector.load %arg5[%swap3A, %swap3A_23] : memref<1x1xf32, #tpu.memory_space<vmem>>, vector<1x1xf32>
    tpu.vector_store %arg5[%swap3A, %swap3A_23], %reshape3A {strides = array<i32>} : memref<1x1xf32, #tpu.memory_space<vmem>>, vector<1x1xf32>,
    %convert_element_type3A = arith.extui %ne3A_7 : vector<16x128xi1> to vector<16x128xi32>
    %reduce_sum3A_25 = vector.shape_cast %convert_element_type3A : vector<16x128xi32> to vector<1x16x128xi32>
    %reduce_sum3A_26 = arith.constant dense<0> : vector<1xi32>
    %reduce_sum3A_27 = vector.multi_reduction <add>, %reduce_sum3A_25, %reduce_sum3A_26 [1, 2] : vector<1x16x128xi32> to vector<1xi32>
    %reduce_sum3A_28 = vector.shape_cast %reduce_sum3A_27 : vector<1xi32> to vector<1x1x1xi32>
    %reduce_sum3A_29 = vector.extract %reduce_sum3A_28[0, 0, 0] : i32 from vector<1x1x1xi32>
    %reshape3A_30 = vector.broadcast %reduce_sum3A_29 : i32 to vector<1x1xi32>
    %swap3A_31 = arith.constant 0 : index
    %swap3A_32 = arith.constant 0 : index
    %swap3A_33 = vector.load %arg6[%swap3A_31, %swap3A_32] : memref<1x1xi32, #tpu.memory_space<vmem>>, vector<1x1xi32>
    tpu.vector_store %arg6[%swap3A_31, %swap3A_32], %reshape3A_30 {strides = array<i32>} : memref<1x1xi32, #tpu.memory_space<vmem>>, vector<1x1xi32>,
    %get3A_34 = arith.constant 0 : index
    %get3A_35 = arith.constant 0 : index
    %get3A_36 = vector.load %arg0[%get3A_34, %get3A_35] : memref<16x128xi32, #tpu.memory_space<vmem>>, vector<16x128xi32>
    %eq3A = arith.cmpi eq, %get3A_36, %get3A_5 : vector<16x128xi32>
    %and3A = arith.andi %ne3A_7, %eq3A : vector<16x128xi1>
    %jit3A_37 = arith.constant 1 : i32
    %jit3A_38 = arith.constant 0 : i32
    %broadcast_in_dim3A_39 = vector.broadcast %jit3A_37 : i32 to vector<16x128xi32>
    %broadcast_in_dim3A_40 = vector.broadcast %jit3A_38 : i32 to vector<16x128xi32>
    %select_n3A_41 = arith.select %and3A, %broadcast_in_dim3A_39, %broadcast_in_dim3A_40 : vector<16x128xi1>, vector<16x128xi32>
    %reduce_sum3A_42 = vector.shape_cast %select_n3A_41 : vector<16x128xi32> to vector<1x16x128xi32>
    %reduce_sum3A_43 = arith.constant dense<0> : vector<1xi32>
    %reduce_sum3A_44 = vector.multi_reduction <add>, %reduce_sum3A_42, %reduce_sum3A_43 [1, 2] : vector<1x16x128xi32> to vector<1xi32>
    %reduce_sum3A_45 = vector.shape_cast %reduce_sum3A_44 : vector<1xi32> to vector<1x1x1xi32>
    %reduce_sum3A_46 = vector.extract %reduce_sum3A_45[0, 0, 0] : i32 from vector<1x1x1xi32>
    %reshape3A_47 = vector.broadcast %reduce_sum3A_46 : i32 to vector<1x1xi32>
    %swap3A_48 = arith.constant 0 : index
    %swap3A_49 = arith.constant 0 : index
    %swap3A_50 = vector.load %arg7[%swap3A_48, %swap3A_49] : memref<1x1xi32, #tpu.memory_space<vmem>>, vector<1x1xi32>
    tpu.vector_store %arg7[%swap3A_48, %swap3A_49], %reshape3A_47 {strides = array<i32>} : memref<1x1xi32, #tpu.memory_space<vmem>>, vector<1x1xi32>,
    return
  }
}

</mosaic_0001>

<sc_bundles>
// kernel: kernel.5.cloned.1.call-start
scs
__scs_entry_jumppad:
0x0: {  	(pc) =	sbr.rel $0x88, $3  }
0x1: {  	(tag) =	ssettag $0x0;
	lr =	simm.s32 $0x1  }
0x2: {  	[smem:$0x3F9B] =	sst lr;
	_ =	strace $0xD0000000  }
0x3: {  	_ = 	snop  }
0x4: {  	_ = 	snop  }
0x5: {  	_ = 	snop  }
0x6: {  	_ = 	snop  }
0x7: {  	_ = 	snop  }
__scs_overlays_trampoline_lowered:
0x8: {  	[smem:$0x3FAA] =	sst s0  }
0x9: {  	[smem:$0x3FAB] =	sst s1  }
0xa: {  	[smem:$0x3FAC] =	sst s2  }
0xb: {  	[smem:$0x3FAD] =	sst s3  }
0xc: {  	[smem:$0x3FAE] =	sst s4  }
0xd: {  	[smem:$0x3FAF] =	sst s5  }
0xe: {  	[smem:$0x3FB0] =	sst s6  }
0xf: {  	[smem:$0x3FB1] =	sst s7  }
0x10: {  	[smem:$0x3FB2] =	sst s8  }
0x11: {  	[smem:$0x3FB3] =	sst s9;
	s0 =	simm.s32 @!p0 $0x0  }
0x12: {  	s1 =	sld [smem:$0x3F99];
	s0 =	simm.s32 @p0 $0x1  }
0x13: {  	[smem:$0x3FB4] =	sst s0;
	s0 =	simm.s32 @!p1 $0x0  }
0x14: {  	s2 =	sld [smem:$0x3F98];
	s0 =	simm.s32 @p1 $0x1  }
0x15: {  	[smem:$0x3FB5] =	sst s0;
	s0 =	simm.s32 @!p2 $0x0  }
0x16: {  	s3 =	sld [smem:$0x3FDB];
	s0 =	simm.s32 @p2 $0x1  }
0x17: {  	s4 =	simm.s32 $0x1BF5;
	[smem:$0x3FB7] =	sst s0  }
0x18: {  	s0 =	sld [smem:$0x3F9A];
	_ =	swait.ge [sflag:s4], $0x0  }
0x19: {  	s7 =	sld [smem:$0x3F9B]  }
0x1a: {  	s8 =	sadd.s32 $0xFFFFE003, lr  }
0x1b: {  	s9 =	sadd.s32 $0xFFFFFEF7, lr;
	s5 =	simm.s32 $0xFFFFFFFF;
	p2 =	slt.u32 s8, $0xFFFFF086  }
0x1c: {  	p1 =	slt.u32 s9, $0xF7A;
	s5 =	simm.s32 @!p2 $0x0  }
0x1d: {  	s5 =	simm.s32 @p1 $0x1;
	p0 =	seq.s32 s7, s2  }
0x1e: {  	s7 =	smul.u32 @!p0 $0xF7A, s2;
	p2 =	seq.s32 @!p0 s5, $0x0  }
0x1f: {  	s9 =	smul.u32 $0xF7A, s1;
	s8 =	simm.s32 @!p0 $0x1BF5;
	p2 =	por !p2, p0  }
0x20: {  	[sflag:s8] =	ssyncset.s32 @!p0 $0xFFFFF086;
	s6 =	sadd.s32 @!p0 s3, s7;
	s7 =	simm.s32 @!p0 $0x108  }
0x21: {  	s3 =	sadd.s32 s3, s9;
	s6 =	sadd.s32 @!p0 $0x88, s6;
	s7 =	simm.s32 @p2 $0x1082  }
0x22: {  	[simem:s7], [sflag:s8] =	dma.local @!p0 [hbm:s6], $0xF7A  }
0x23: {  	s9 =	sor.u32 $0xD0000000, s2;
	s6 =	simm.s32 $0x108;
	_ =	swait.ge @!p0 [sflag:s8], $0x0  }
0x24: {  	s3 =	sadd.s32 $0x88, s3;
	s6 =	simm.s32 @!p1 $0x1082;
	[sflag:s4] =	ssyncset.s32 $0xFFFFF086  }
0x25: {  	[simem:s6], [sflag:s4] =	dma.local [hbm:s3], $0xF7A  }
0x26: {  	[smem:$0x3F9B] =	sst s1;
	(tag) =	ssettag s2;
	_ =	strace s9  }
0x27: {  	s1 =	sld [smem:$0x3FAB]  }
0x28: {  	s2 =	sld [smem:$0x3FAC]  }
0x29: {  	s4 =	sld [smem:$0x3FAE]  }
0x2a: {  	p0 =	seq.s32 s5, $0x0;
	s5 =	sld [smem:$0x3FAF]  }
0x2b: {  	s6 =	sld [smem:$0x3FB0]  }
0x2c: {  	s7 =	sld [smem:$0x3FB1]  }
0x2d: {  	s3 =	simm.s32 $0x108;
	s8 =	sld [smem:$0x3FB2]  }
0x2e: {  	s3 =	simm.s32 @!p0 $0x1082;
	s9 =	sld [smem:$0x3FB3]  }
0x2f: {  	lr =	sadd.s32 s0, s3;
	s0 =	sld [smem:$0x3FAA]  }
0x30: {  	s3 =	sld [smem:$0x3FAD]  }
0x31: {  	[smem:$0x3FB6] =	sst s10  }
0x32: {  	s10 =	sld [smem:$0x3FB4];
	_ =	sdelay $0x3  }
0x33: {  	p0 =	seq.s32 s10, $0x1;
	s10 =	sld [smem:$0x3FB6];
	_ =	sdelay $0x3  }
0x34: {  	[smem:$0x3FB6] =	sst s10  }
0x35: {  	s10 =	sld [smem:$0x3FB5];
	_ =	sdelay $0x3  }
0x36: {  	p1 =	seq.s32 s10, $0x1;
	s10 =	sld [smem:$0x3FB6];
	_ =	sdelay $0x3  }
0x37: {  	[smem:$0x3FB6] =	sst s10  }
0x38: {  	s10 =	sld [smem:$0x3FB7]  }
0x39: {  	_ = 	snop;
	(pc) =	sbr.ind lr, $3  }
0x3a: {  	_ = 	snop  }
0x3b: {  	_ = 	snop  }
0x3c: {  	p2 =	seq.s32 s10, $0x1;
	s10 =	sld [smem:$0x3FB6]  }
0x3d: {  	_ =	shalt  }
0x3e: {  	_ =	shalt  }
0x3f: {  	_ =	shalt  }
0x40: {  	_ =	shalt  }
0x41: {  	_ =	shalt  }
0x42: {  	_ =	shalt  }
0x43: {  	_ =	shalt  }
0x44: {  	_ =	shalt  }
0x45: {  	_ =	shalt  }
0x46: {  	_ =	shalt  }
0x47: {  	_ =	shalt  }
0x48: {  	_ =	shalt  }
0x49: {  	_ =	shalt  }
0x4a: {  	_ =	shalt  }
0x4b: {  	_ =	shalt  }
0x4c: {  	_ =	shalt  }
0x4d: {  	_ =	shalt  }
0x4e: {  	_ =	shalt  }
0x4f: {  	_ =	shalt  }
0x50: {  	_ =	shalt  }
0x51: {  	_ =	shalt  }
0x52: {  	_ =	shalt  }
0x53: {  	_ =	shalt  }
0x54: {  	_ =	shalt  }
0x55: {  	_ =	shalt  }
0x56: {  	_ =	shalt  }
0x57: {  	_ =	shalt  }
0x58: {  	_ =	shalt  }
0x59: {  	_ =	shalt  }
0x5a: {  	_ =	shalt  }
0x5b: {  	_ =	shalt  }
0x5c: {  	_ =	shalt  }
0x5d: {  	_ =	shalt  }
0x5e: {  	_ =	shalt  }
0x5f: {  	_ =	shalt  }
0x60: {  	_ =	shalt  }
0x61: {  	_ =	shalt  }
0x62: {  	_ =	shalt  }
0x63: {  	_ =	shalt  }
0x64: {  	_ =	shalt  }
0x65: {  	_ =	shalt  }
0x66: {  	_ =	shalt  }
0x67: {  	_ =	shalt  }
0x68: {  	_ =	shalt  }
0x69: {  	_ =	shalt  }
0x6a: {  	_ =	shalt  }
0x6b: {  	_ =	shalt  }
0x6c: {  	_ =	shalt  }
0x6d: {  	_ =	shalt  }
0x6e: {  	_ =	shalt  }
0x6f: {  	_ =	shalt  }
0x70: {  	_ =	shalt  }
0x71: {  	_ =	shalt  }
0x72: {  	_ =	shalt  }
0x73: {  	_ =	shalt  }
0x74: {  	_ =	shalt  }
0x75: {  	_ =	shalt  }
0x76: {  	_ =	shalt  }
0x77: {  	_ =	shalt  }
0x78: {  	_ =	shalt  }
0x79: {  	_ =	shalt  }
0x7a: {  	_ =	shalt  }
0x7b: {  	_ =	shalt  }
0x7c: {  	_ =	shalt  }
0x7d: {  	_ =	shalt  }
0x7e: {  	_ =	shalt  }
0x7f: {  	_ =	shalt  }
0x80: {  	_ =	shalt  }
0x81: {  	_ =	shalt  }
0x82: {  	_ =	shalt  }
0x83: {  	_ =	shalt  }
0x84: {  	_ =	shalt  }
0x85: {  	_ =	shalt  }
0x86: {  	_ =	shalt  }
0x87: {  	_ =	shalt  }
.Lfunc_end0:
.L_simem_size_0:
called_computation_lowered:
.L_overlay_start_0:
0x88: {  	s2 =	sld [smem:$0x3FD9]  }
0x89: {  	s3 =	sld [smem:$0x3FFE];
	_ =	sdelay $0x1  }
0x8a: {  	s1 =	srdreg.scid  }
0x8b: {  	s0 =	sand.u32 $0x1, s1  }
0x8c: {  	s17 =	sshll.u32 s0, $0xA;
	s2 =	sadd.s32 s3, s2  }
0x8d: {  	s2 =	sadd.s32 s2, s17  }
0x8e: {  	[smem:$0x3FC2] =	sst s2  }
0x8f: {  	_ = 	snop  }
0x90: {  	s2 =	sld [smem:$0x3FC9]  }
0x91: {  	s18 =	sld [smem:$0x3FC8]  }
0x92: {  	s4 =	sld [smem:$0x3FC7]  }
0x93: {  	s5 =	sld [smem:$0x3FC6]  }
0x94: {  	s6 =	sld [smem:$0x3FC5];
	(tm) =	ssettm $0x1  }
0x95: {  	s7 =	sld [smem:$0x3FFB];
	_ =	sdelay $0x3  }
0x96: {  	_ =	strace s7  }
0x97: {  	s7 =	sld [smem:$0x3FFC];
	_ =	sdelay $0x3  }
0x98: {  	_ =	strace s7  }
0x99: {  	s7 =	sld [smem:$0x3FFD];
	_ =	sdelay $0x3  }
0x9a: {  	_ =	strace s7  }
0x9b: {  	_ =	strace $0x8FFFFFFF  }
0x9c: {  	s19 =	sld [smem:$0x3FDB];
	_ =	sdelay $0x1  }
0x9d: {  	s8 =	simm.s32 $_scs_section_size  }
0x9e: {  	s9 =	simm.s32 $_size__tile_overlayer_lowered;
	s10 =	simm.s32 $_tile_overlayer_lowered  }
0x9f: {  	s22 =	simm.s32 $0x1BFF;
	s21 =	sshll.u32 s10, $0x1;
	s7 =	sadd.s32 s8, s19  }
0xa0: {  	s11 =	simm.s32 $0x0;
	s20 =	sshll.u32 s9, $0x1;
	s9 =	sadd.s32 s21, s7  }
0xa1: {  	[timem:s11], [sflag:s22] =	dma.local [hbm:s9], s20  }
0xa2: {  	_ =	swait.ge [sflag:s22], s20  }
0xa3: {  	s8 =	ssub.s32 $0x0, s20;
	[sflag:s22] =	ssyncset.done $0x0  }
0xa4: {  	[sflag:s22] =	ssyncadd.s32 s8;
	_ =	sdelay $0x1  }
0xa5: {  	s23 =	simm.s32 $0x1B8B  }
0xa6: {  	_ =	swait.ge [sflag:s23], $0x1  }
0xa7: {  	[sflag:s23] =	ssyncset.done $0x0  }
0xa8: {  	s25 =	simm.s32 $0x1B8E;
	s24 =	sld [smem:$0x3FFE];
	[sflag:s23] =	ssyncadd.s32 $0xFFFFFFFF  }
0xa9: {  	s26 =	simm.s32 $execute0_lowered;
	[smem:$0x3FD2] =	sst s25  }
0xaa: {  	s9 =	sshll.u32 s26, $0x1;
	_ =	strace $0x80000046;
	[dreg:$0x1] =	wrdreg $0xFFFFFFFF  }
0xab: {  	s28 =	simm.s32 $_size_execute0_lowered;
	s7 =	sadd.s32 s7, s9;
	[dreg:$0x0] =	wrdreg $0x0  }
0xac: {  	s9 =	sshll.u32 s28, $0x1;
	[dreg:$0x2] =	wrdreg s7  }
0xad: {  	[dreg:$0x3] =	wrdreg s9  }
0xae: {  	[dreg:$0x4] =	wrdreg $0xC0  }
0xaf: {  	_ =	task [dreg:s11], $0x5FFFF  }
0xb0: {  	[dreg:$0x1] =	wrdreg $0xFFFFFFFF  }
0xb1: {  	[dreg:$0x0] =	wrdreg $0x60  }
0xb2: {  	[dreg:$0x2] =	wrdreg s2  }
0xb3: {  	[dreg:$0x3] =	wrdreg s18  }
0xb4: {  	[dreg:$0x4] =	wrdreg s5  }
0xb5: {  	[dreg:$0x5] =	wrdreg s6  }
0xb6: {  	[dreg:$0x6] =	wrdreg s4  }
0xb7: {  	[dreg:$0x7] =	wrdreg s24  }
0xb8: {  	[dreg:$0x8] =	wrdreg $0x9  }
0xb9: {  	_ =	task.clear_ibuf [dreg:s11], $0x9FFFF;
	_ =	strace $0x90000046  }
0xba: {  	s29 =	simm.s32 $0x9;
	_ =	strace $0x80000048  }
0xbb: {  	_ =	swait.ge [sflag:s29], $0x1  }
0xbc: {  	[sflag:s29] =	ssyncadd.s32 $0xFFFFFFFF  }
0xbd: {  	_ =	strace $0x90000048  }
0xbe: {  	_ =	sfence  }
0xbf: {  	s30 =	sld [smem:$0x0];
	_ =	sdelay $0x2  }
0xc0: {  	s31 =	sshll.u32 s1, $0xD;
	s1 =	sshrl.u32 s1, $0x2  }
0xc1: {  	s3 =	sand.u32 $0x4000, s31;
	s1 =	sadd.s32 s1, s30  }
0xc2: {  	s0 =	sor.u32 s3, s0;
	s1 =	sshll.u32 s1, $0x11  }
0xc3: {  	s0 =	sor.u32 s1, s0  }
0xc4: {  	s0 =	sadd.s32 $0x8F2B, s0  }
0xc5: {  	[sflag:s0] =	ssyncadd.remote.s32 $0x1  }
0xc6: {  	_ =	sfence.sel $0xFFFF  }
0xc7: {  	[dreg:$0x0] =	wrdreg $0xFFFFFFFF;
	(pc) =	sbr.abs _section_cstart, $3  }
0xc8: {  	[dreg:$0x1] =	wrdreg $0xFFFFFFFF  }
0xc9: {  	_ =	task.clear_ibuf [dreg:s11], $0x2FFFF;
	_ =	strace $0x9FFFFFFF  }
0xca: {  	(tm) =	ssettm $0x7FFFFFFF  }
0xcb: {  	_ =	shalt  }
tec
execute0_lowered:
.L_overlay_start_1:
0x0: {  	(tag) =	ssettag $0x1  }
0x1: {  	s0 =	rddreg [dreg:$0x0]  }
0x2: {  	s2 =	rddreg [dreg:$0x1]  }
0x3: {  	s3 =	rddreg [dreg:$0x2]  }
0x4: {  	s4 =	rddreg [dreg:$0x3]  }
0x5: {  	s1 =	rddreg [dreg:$0x4]  }
0x6: {  	s5 =	rddreg [dreg:$0x5]  }
0x7: {  	s6 =	srdreg.scid;
	s7 =	stileid.u32;
	s28 =	simm.s32 $0x10300  }
0x8: {  	s29 =	simm.s32 $0x10380;
	s30 =	simm.s32 $0x10400;
	s31 =	simm.s32 $0x10480  }
0x9: {  	s8 =	sand.u32 $0x1, s6;
	s6 =	simm.s32 $0x0;
	s7 =	sshll.u32 s7, $0x7  }
0xa: {  	s9 =	sshll.u32 s8, $0x6;
	[smem:$0x7FF] =	sst s6;
	s10 =	ssub.s32 $0x2, s8  }
0xb: {  	s8 =	sadd.s32 $0x1E00, s5;
	s7 =	sor.u32 s9, s7;
	s12 =	sshrl.u32 s10, $0x1  }
0xc: {  	_ =	strace $0x80000047;
	s9 =	sshrl.u32 s7, $0x3;
	s18 =	ssub.s32 s10, s12  }
0xd: {  	s11 =	sadd.s32 s9, s5;
	s13 =	smul.u32 $0x7D00, s9;
	s1 =	sadd.s32 s1, s9  }
0xe: {  	s26 =	smax.u32 s18, $0x1;
	s18 =	simm.s32 $0x10200;
	[dreg:$0x7] =	wrdreg s1  }
0xf: {  	s5 =	simm.s32 $0x2;
	s20 =	sadd.s32 $0x1600, s11;
	[dreg:$0xf] =	wrdreg s26  }
0x10: {  	s9 =	simm.s32 $0x0;
	s21 =	sadd.s32 $0x1800, s11;
	[dreg:$0x9] =	wrdreg s20  }
0x11: {  	s22 =	sadd.s32 $0x21E00, s11;
	s23 =	sadd.s32 $0x22000, s11;
	[dreg:$0xa] =	wrdreg s21  }
0x12: {  	s24 =	sadd.s32 $0x1A00, s11;
	s25 =	sadd.s32 $0x1C00, s11;
	[dreg:$0xb] =	wrdreg s22  }
.Ltmp0:
0x13: {  	s26 =	simm.s32 $0x10280;
	[dreg:$0xc] =	wrdreg s23;
	(pc) =	sbr.rel .LBB2_1-.Ltmp0, $4  }
0x14: {  	s1 =	simm.s32 $0x10500;
	s19 =	sadd.s32 s0, s13;
	[dreg:$0xd] =	wrdreg s24  }
0x15: {  	v0 =	vlaneseq.u32;
	[dreg:$0xe] =	wrdreg s25;
	s20 =	simm.s32 $0x80;
	s21 =	simm.s32 $0x400  }
0x16: {  	v1 =	vor.u32 $0x80000000, v0;
	s22 =	simm.s32 $0xFE00;
	s23 =	simm.s32 $0x1;
	s24 =	simm.s32 $0x7D00  }
0x17: {  	v2 =	vor.u32 $0x10, v0;
	v3 =	vor.u32 $0x20, v0;
	v4 =	vor.u32 $0x30, v0;
	s25 =	simm.s32 $0x10000;
	[dreg:$0x8] =	wrdreg s19;
	s19 =	simm.s32 $0x3  }
.LBB2_16:
0x18: {  	s10 =	rddreg [dreg:$0x9]  }
0x19: {  	[hbm4b:s10+s6] =	stream.linear.scatter [tilespmem:s26], [sflag:$0x3], $0x40, $0x38;
	[tilespmem:$0x10580] =	vst v63  }
0x1a: {  	_ =	swait.ge [sflag:s19], $0x40  }
0x1b: {  	[sflag:s19] =	ssyncset.done $0x0  }
0x1c: {  	s12 =	rddreg [dreg:$0xa];
	[sflag:s19] =	ssyncadd.s32 $0xFFFFFFC0  }
0x1d: {  	[hbm4b:s12+s6] =	stream.linear.scatter [tilespmem:s28], [sflag:$0x3], $0x40, $0x38;
	[tilespmem:$0x10580] =	vst v63  }
0x1e: {  	_ =	swait.ge [sflag:s19], $0x40  }
0x1f: {  	[sflag:s19] =	ssyncset.done $0x0  }
0x20: {  	s13 =	rddreg [dreg:$0xb];
	[sflag:s19] =	ssyncadd.s32 $0xFFFFFFC0  }
0x21: {  	[hbm4b:s13+s6] =	stream.linear.scatter [tilespmem:s29], [sflag:$0x3], $0x40, $0x38;
	[tilespmem:$0x10580] =	vst v63  }
0x22: {  	_ =	swait.ge [sflag:s19], $0x40  }
0x23: {  	[sflag:s19] =	ssyncset.done $0x0  }
0x24: {  	s14 =	rddreg [dreg:$0xc];
	[sflag:s19] =	ssyncadd.s32 $0xFFFFFFC0  }
0x25: {  	[hbm4b:s14+s6] =	stream.linear.scatter [tilespmem:s30], [sflag:$0x3], $0x40, $0x38;
	[tilespmem:$0x10580] =	vst v63  }
0x26: {  	_ =	swait.ge [sflag:s19], $0x40  }
0x27: {  	[sflag:s19] =	ssyncset.done $0x0  }
0x28: {  	s15 =	rddreg [dreg:$0xd];
	[sflag:s19] =	ssyncadd.s32 $0xFFFFFFC0  }
0x29: {  	[hbm4b:s15+s6] =	stream.linear.scatter [tilespmem:s31], [sflag:$0x3], $0x40, $0x38;
	[tilespmem:$0x10580] =	vst v63  }
0x2a: {  	_ =	swait.ge [sflag:s19], $0x40  }
0x2b: {  	[sflag:s19] =	ssyncset.done $0x0  }
0x2c: {  	s16 =	rddreg [dreg:$0xe];
	[sflag:s19] =	ssyncadd.s32 $0xFFFFFFC0  }
0x2d: {  	[hbm4b:s16+s6] =	stream.linear.scatter [tilespmem:s1], [sflag:$0x3], $0x40, $0x38;
	[tilespmem:$0x10580] =	vst v63  }
0x2e: {  	_ =	swait.ge [sflag:s19], $0x40  }
0x2f: {  	s9 =	sadd.s32 $0x1, s9;
	s17 =	rddreg [dreg:$0xf]  }
0x30: {  	p0 =	sne.s32 s9, s17  }
.Ltmp1:
0x31: {  	_ = 	snop;
	(pc) =	sbr.rel @!p0 .LBB2_17-.Ltmp1, $3  }
0x32: {  	_ =	sdelay $0x1  }
0x33: {  	[sflag:s19] =	ssyncset.done $0x0  }
0x34: {  	[sflag:s19] =	ssyncadd.s32 $0xFFFFFFC0  }
.LBB2_1:
0x35: {  	s10 =	rddreg [dreg:$0x7]  }
0x36: {  	[tilespmem:s18], [sflag:$0x3] =	stream.linear.gather [hbm4b:s10+s6], $0x40, $0x38;
	[tilespmem:$0x10580] =	vst v63  }
.Ltmp2:
0x37: {  	_ = 	snop;
	(pc) =	sbr.rel .LBB2_2-.Ltmp2, $4  }
0x38: {  	_ =	swait.ge [sflag:s19], $0x40  }
0x39: {  	[sflag:s19] =	ssyncset.done $0x0  }
0x3a: {  	s10 =	simm.s32 $0x0;
	s17 =	rddreg [dreg:$0x8];
	[sflag:s19] =	ssyncadd.s32 $0xFFFFFFC0  }
0x3b: {  	[tilespmem:s6], [sflag:$0x1] =	stream.strided.gather [hbm4b:s17+s20], $0x7D00, s21, s20, $0x38;
	[tilespmem:$0x10580] =	vst v63  }
.LBB2_15:
0x3c: {  	s11 =	sadd.s32 s8, s11  }
0x3d: {  	[hbm4b:s11+s20] =	stream.strided.scatter [tilespmem:s25], [sflag:$0x3], $0x200, s21, s20, $0x38;
	[tilespmem:$0x10580] =	vst v63  }
0x3e: {  	_ =	swait.ge [sflag:s19], $0x200  }
0x3f: {  	[sflag:s19] =	ssyncset.done $0x0  }
0x40: {  	s17 =	sxor.u32 $0x80000000, s13;
	v10 =	vmov s12;
	s10 =	sadd.s32 $0x1, s10;
	[sflag:s19] =	ssyncadd.s32 $0xFFFFFE00  }
0x41: {  	v63 =	vmov s17;
	p0 =	sne.s32 s10, $0x40;
	[tilespmem:v9+s26+$0x0] =	vst.idx.msk $0x1, v10  }
.Ltmp3:
0x42: {  	v7 =	vbroadcast v7, $0xF;
	[tilespmem:v9+s28+$0x0] =	vst.idx.msk $0x1, v63;
	(pc) =	sbr.rel @!p0 .LBB2_16-.Ltmp3, $4  }
0x43: {  	[tilespmem:v9+s29+$0x0] =	vst.idx.msk $0x1, v8  }
0x44: {  	[tilespmem:v9+s30+$0x0] =	vst.idx.msk $0x1, v7  }
0x45: {  	[tilespmem:v9+s31+$0x0] =	vst.idx.msk $0x1, v5  }
0x46: {  	[tilespmem:v9+s1+$0x0] =	vst.idx.msk $0x1, v6  }
.LBB2_2:
0x47: {  	s12 =	sor.u32 s7, s10  }
0x48: {  	s13 =	sshll.u32 s10, $0x4;
	s11 =	sshll.u32 s12, $0x6  }
0x49: {  	s13 =	sand.u32 $0x70, s13;
	s11 =	sand.u32 $0x1FE00, s11  }
0x4a: {  	s11 =	sor.u32 s13, s11  }
0x4b: {  	s14 =	simm.s32 $0xFA00;
	s13 =	sadd.s32 s2, s11  }
0x4c: {  	[tilespmem:s14], [sflag:$0x3] =	stream.strided.gather [hbm4b:s13+s20], $0x200, s21, s20, $0x38;
	[tilespmem:$0x10580] =	vst v63  }
0x4d: {  	_ =	swait.ge [sflag:s19], $0x200  }
0x4e: {  	[sflag:s19] =	ssyncset.done $0x0  }
0x4f: {  	s15 =	simm.s32 $0xFC00;
	s16 =	sadd.s32 s3, s11;
	[sflag:s19] =	ssyncadd.s32 $0xFFFFFE00  }
0x50: {  	[tilespmem:s15], [sflag:$0x3] =	stream.strided.gather [hbm4b:s16+s20], $0x200, s21, s20, $0x38;
	[tilespmem:$0x10580] =	vst v63  }
0x51: {  	_ =	swait.ge [sflag:s19], $0x200  }
0x52: {  	[sflag:s19] =	ssyncset.done $0x0  }
0x53: {  	s17 =	sadd.s32 s4, s11;
	[sflag:s19] =	ssyncadd.s32 $0xFFFFFE00  }
0x54: {  	[tilespmem:s22], [sflag:$0x3] =	stream.strided.gather [hbm4b:s17+s20], $0x200, s21, s20, $0x38;
	[tilespmem:$0x10580] =	vst v63  }
0x55: {  	_ =	swait.ge [sflag:s19], $0x200  }
0x56: {  	[sflag:s19] =	ssyncset.done $0x0  }
0x57: {  	[sflag:s19] =	ssyncadd.s32 $0xFFFFFE00  }
0x58: {  	v5 =	vld [tilespmem:s14+$0x0]  }
0x59: {  	v6 =	vld [tilespmem:s15+$0x0];
	_ =	sdelay $0x4  }
0x5a: {  	s13 =	simm.s32 $0xFA10;
	v8 =	vmul.f32 v6, v5  }
0x5b: {  	v10 =	vimm.f32 $-3.000000010e+38;
	s16 =	simm.s32 $0xFC10;
	v7 =	vld [tilespmem:s13+$0x0];
	v6 =	vimm.f32 $0.0e+00;
	v5 =	vimm.s32 $0x0  }
0x5c: {  	s17 =	simm.s32 $0x2;
	s15 =	simm.s32 $0x0;
	s14 =	simm.s32 $0x1;
	v9 =	vld [tilespmem:s16+$0x0];
	vm0 =	vgt.f32 v8, v10;
	v6 =	vadd.f32 v8, v6;
	v8 =	vmax.f32 v10, v8  }
.LBB2_3:
0x5d: {  	p0 =	sne.s32 s17, $0x1F  }
0x5e: {  	v5 =	vsel vm0, s15, v5;
	s15 =	smov.u32 s14;
	s14 =	smov.u32 s17;
	s17 =	sadd.s32 $0x1, s17  }
.Ltmp4:
0x5f: {  	(pc) =	sbr.rel @p0 .LBB2_3-.Ltmp4, $4  }
0x60: {  	s13 =	sadd.s32 $0x10, s13  }
0x61: {  	s16 =	sadd.s32 $0x10, s16;
	v10 =	vmul.f32 v9, v7;
	v7 =	vld [tilespmem:s13+$0x0]  }
0x62: {  	v9 =	vld [tilespmem:s16+$0x0]  }
0x63: {  	vm0 =	vgt.f32 v10, v8;
	v6 =	vadd.f32 v10, v6;
	v8 =	vmax.f32 v8, v10  }
0x64: {  	_ =	sdelay $0x2  }
0x65: {  	v7 =	vmul.f32 v9, v7;
	_ =	sdelay $0x1  }
0x66: {  	v9 =	vmax.f32 v8, v7  }
0x67: {  	(xrf0) =	vmax.scan.msk.f32 $0xffff, v9;
	_ =	sdelay $0x5  }
0x68: {  	v5 =	vsel vm0, s15, v5;
	vm14 =	vgt.f32 v7, v8;
	v8, _, _ =	vpop (xrf0)  }
0x69: {  	v10 =	vsel vm14, s14, v5;
	v5 =	vbroadcast v8, $0xF  }
0x6a: {  	v8 =	vshll.u32 v10, $0x4  }
0x6b: {  	v8 =	vxor.u32 v1, v8;
	vm15 =	veq.f32 v9, v5  }
0x6c: {  	v8 =	vnsel vm15, $0xC0000000, v8  }
0x6d: {  	(xrf0) =	vmin.scan.msk.u32 $0xffff, v8;
	_ =	sdelay $0x5  }
0x6e: {  	v8, _, _ =	vpop (xrf0)  }
0x6f: {  	(v2sf) =	vpush v8, $0xF;
	_ =	sdelay $0x9  }
0x70: {  	v6 =	vadd.f32 v7, v6;
	_ =	sdelay $0x1  }
0x71: {  	(xrf2) =	vadd.scan.msk.f32 $0xffff, v6;
	_ =	sdelay $0x2  }
0x72: {  	s13 =	spop (v2sf)  }
0x73: {  	s17 =	sand.u32 $0x1, s10;
	s13 =	sxor.u32 $0x80000000, s13  }
0x74: {  	p0 =	seq.s32 s17, $0x1;
	v6 =	vmov s13  }
.Ltmp5:
0x75: {  	_ = 	snop;
	(pc) =	sbr.rel @p0 .LBB2_10-.Ltmp5, $2  }
0x76: {  	_ =	sdelay $0x2  }
0x77: {  	v7, _, _ =	vpop (xrf2);
	v6 =	vld.idx.msk [tilespmem:v6+s22+$0x0], $0xffff  }
0x78: {  	s12 =	sshrl.u32 s12, $0x3  }
0x79: {  	s13 =	sshll.u32 s10, $0x7;
	s12 =	smul.u32 $0x3E800, s12  }
0x7a: {  	s13 =	sand.u32 $0x300, s13  }
0x7b: {  	s12 =	sor.u32 s12, s13  }
0x7c: {  	_ =	swait.ge [sflag:s23], $0x7D00;
	s12 =	sor.u32 $0x80, s12  }
0x7d: {  	[sflag:s23] =	ssyncset.done $0x0;
	s12 =	sshrl.u32 s12, $0x3  }
0x7e: {  	s17 =	simm.s32 $0x20;
	[sflag:s23] =	ssyncadd.s32 $0xFFFF8300;
	s12 =	sadd.s32 s0, s12  }
0x7f: {  	[tilespmem:s24], [sflag:$0x2] =	stream.strided.gather [hbm4b:s12+s20], $0x7D00, s21, s20, $0x38;
	[tilespmem:$0x10580] =	vst v63  }
0x80: {  	v9 =	vld [tilespmem:s17+$0xFFFFFFE0]  }
0x81: {  	v13 =	vld [tilespmem:s17+$0x10]  }
0x82: {  	v15 =	vld [tilespmem:s17+$0x0]  }
0x83: {  	v18 =	vld [tilespmem:s17+$0xFFFFFFF0];
	_ =	sdelay $0x1  }
0x84: {  	v20 =	vimm.f32 $-3.000000010e+38  }
0x85: {  	v8 =	vimm.s32 $0x0;
	s14 =	simm.s32 $0x60;
	vm0 =	vgt.f32 v9, v20;
	v10 =	vmax.f32 v20, v9  }
0x86: {  	s12 =	simm.s32 $0x0;
	v11 =	vld [tilespmem:s14+$0xFFFFFFE0];
	v14 =	vmax.f32 v20, v13;
	vm1 =	vgt.f32 v15, v20;
	v15 =	vmax.f32 v20, v15  }
0x87: {  	v17 =	vld [tilespmem:s14+$0x10];
	v12 =	vsel vm0, s12, v8;
	vm0 =	vgt.f32 v13, v20;
	v13 =	vmax.f32 v20, v18  }
0x88: {  	s15 =	simm.s32 $0x2;
	s13 =	simm.s32 $0x1;
	v19 =	vld [tilespmem:s14+$0x0];
	v16 =	vsel vm0, s12, v8;
	vm0 =	vgt.f32 v18, v20;
	v18 =	vsel vm1, s12, v8  }
.LBB2_6:
0x89: {  	p0 =	sne.s32 s15, $0x1F3  }
0x8a: {  	v9 =	vld [tilespmem:s14+$0xFFFFFFF0];
	v8 =	vsel vm0, s12, v8;
	s12 =	smov.u32 s13;
	s13 =	smov.u32 s15;
	s15 =	sadd.s32 $0x1, s15  }
.Ltmp6:
0x8b: {  	(pc) =	sbr.rel @p0 .LBB2_6-.Ltmp6, $4  }
0x8c: {  	s14 =	sadd.s32 $0x40, s14;
	vm0 =	vgt.f32 v11, v10;
	v10 =	vmax.f32 v10, v11  }
0x8d: {  	v11 =	vld [tilespmem:s14+$0xFFFFFFE0];
	v12 =	vsel vm0, s12, v12;
	vm0 =	vgt.f32 v17, v14;
	v14 =	vmax.f32 v14, v17  }
0x8e: {  	v17 =	vld [tilespmem:s14+$0x10];
	vm1 =	vgt.f32 v19, v15;
	v15 =	vmax.f32 v15, v19;
	v16 =	vsel vm0, s12, v16  }
0x8f: {  	v19 =	vld [tilespmem:s14+$0x0];
	vm0 =	vgt.f32 v9, v13;
	v13 =	vmax.f32 v13, v9;
	v18 =	vsel vm1, s12, v18  }
0x90: {  	v9 =	vmov s10  }
0x91: {  	v20 =	vand.u32 $0xFFFFFFFE, v9  }
0x92: {  	v20 =	vbroadcast v20, $0x0  }
0x93: {  	s15 =	simm.s32 $0x0  }
0x94: {  	v21 =	vld [tilespmem:s15+$0xFE00];
	_ =	sdelay $0x3  }
0x95: {  	v20 =	vld.idx.msk [tilespmem:v20+s18+$0x0], $0xffff  }
0x96: {  	v22 =	vld [tilespmem:s14+$0xFFFFFFF0];
	s14 =	simm.s32 $0x10;
	vm1 =	vlt.s32 v21, $0x7D00  }
0x97: {  	v23 =	vld [tilespmem:s14+$0xFE00];
	v21 =	vnsel vm1, $0x0, v21;
	_ =	sdelay $0x1  }
0x98: {  	v24 =	vsel vm0, s12, v8;
	vm11 =	vgt.f32 v11, v10;
	v11 =	vmax.f32 v10, v11  }
0x99: {  	vm12 =	vgt.f32 v17, v14;
	v10 =	vmax.f32 v14, v17;
	v17 =	vsel vm11, s13, v12  }
0x9a: {  	vm13 =	vgt.f32 v19, v15;
	v12 =	vmax.f32 v15, v19;
	v14 =	vsel vm12, s13, v16  }
0x9b: {  	s17 =	simm.s32 $0x0;
	vm14 =	vgt.f32 v22, v13;
	v15 =	vsel vm13, s13, v18;
	vm15 =	vlt.s32 v23, $0x7D00;
	v18 =	vld.idx.msk [tilespmem:v21+s6+$0x0], $0xffff  }
0x9c: {  	s12 =	simm.s32 $0x20;
	v13 =	vmax.f32 v13, v22;
	v16 =	vsel vm14, s13, v24;
	s13 =	simm.s32 $0xC0;
	v19 =	vnsel vm15, $0x0, v23;
	v8 =	vld.idx.msk [tilespmem:v20+s17+$0x0], $0xffff  }
.LBB2_8:
0x9d: {  	p0 =	seq.s32 s13, $0x7C0;
	v20 =	vld [tilespmem:s12+$0xFE00];
	_ =	sdelay $0x1  }
.Ltmp7:
0x9e: {  	(pc) =	sbr.rel @!p0 .LBB2_8-.Ltmp7, $4  }
0x9f: {  	[tilespmem:s15+$0x10000] =	vst v18;
	s15 =	smov.u32 s14;
	s14 =	smov.u32 s12  }
0xa0: {  	v18 =	vld.idx.msk [tilespmem:v19+s6+$0x0], $0xffff  }
0xa1: {  	vm0 =	vlt.s32 v20, $0x7D00  }
0xa2: {  	s12 =	sshra.s32 s13, $0x2;
	s13 =	sadd.s32 $0x40, s13;
	v19 =	vnsel vm0, $0x0, v20  }
0xa3: {  	v17 =	vshll.u32 v17, $0x6;
	v16 =	vshll.u32 v16, $0x6;
	v58 =	vmax.f32 v11, v13  }
0xa4: {  	v59 =	vmax.f32 v12, v10;
	v15 =	vshll.u32 v15, $0x6;
	v14 =	vshll.u32 v14, $0x6  }
0xa5: {  	v20 =	vld [tilespmem:s12+$0xFE00];
	vm1 =	vgt.f32 v11, v13;
	v17 =	vor.u32 v0, v17;
	v60 =	vmax.f32 v58, v59  }
0xa6: {  	v16 =	vor.u32 v2, v16;
	v15 =	vor.u32 v3, v15;
	v14 =	vor.u32 v4, v14;
	(xrf0) =	vmax.scan.msk.f32 $0xffff, v60  }
0xa7: {  	vm2 =	vgt.f32 v13, v11;
	vm9 =	vlt.s32 v17, v16;
	vm10 =	vlt.s32 v15, v14  }
0xa8: {  	vm11 =	vgt.f32 v10, v12;
	v21 =	vsel vm9, v17, v16;
	v11 =	vsel vm10, v15, v14  }
0xa9: {  	vm12 =	vgt.f32 v12, v10;
	v13 =	vsel vm2, v16, v21;
	v11 =	vsel vm11, v14, v11  }
0xaa: {  	vm0 =	vlt.s32 v20, $0x7D00;
	v10 =	vsel vm1, v17, v13;
	v11 =	vsel vm12, v15, v11  }
0xab: {  	v57 =	vnsel vm0, $0x0, v20;
	vm0 =	vlt.s32 v10, v11  }
0xac: {  	vm13 =	vgt.f32 v59, v58;
	v61 =	vsel vm0, v10, v11;
	v62, _, _ =	vpop (xrf0)  }
0xad: {  	vm14 =	vgt.f32 v58, v59;
	v11 =	vsel vm13, v11, v61;
	v63 =	vbroadcast v62, $0xF  }
0xae: {  	v10 =	vsel vm14, v10, v11  }
0xaf: {  	v10 =	vxor.u32 $0x80000000, v10;
	vm15 =	veq.f32 v60, v63  }
0xb0: {  	v10 =	vnsel vm15, $0xC0000000, v10  }
0xb1: {  	(xrf0) =	vmin.scan.msk.u32 $0xffff, v10;
	_ =	sdelay $0x5  }
0xb2: {  	(v2sf) =	vpush v62, $0xF;
	v10, _, _ =	vpop (xrf0)  }
0xb3: {  	(v2sf) =	vpush v10, $0xF;
	_ =	sdelay $0x1  }
0xb4: {  	[tilespmem:s15+$0x10000] =	vst v18  }
0xb5: {  	v18 =	vld.idx.msk [tilespmem:v19+s6+$0x0], $0xffff;
	_ =	sdelay $0x4  }
0xb6: {  	[tilespmem:s14+$0x10000] =	vst v18  }
0xb7: {  	v18 =	vld.idx.msk [tilespmem:v57+s6+$0x0], $0xffff;
	_ =	sdelay $0x1  }
.Ltmp8:
0xb8: {  	_ = 	snop;
	(pc) =	sbr.rel .LBB2_15-.Ltmp8, $3  }
0xb9: {  	_ =	sdelay $0x1  }
0xba: {  	[tilespmem:s12+$0x10000] =	vst v18;
	s12 =	spop (v2sf)  }
0xbb: {  	v9 =	vbroadcast v9, $0x0;
	s13 =	spop (v2sf)  }
.LBB2_10:
0xbc: {  	p0 =	seq.s32 s10, $0x3F  }
0xbd: {  	s12 =	sadd.s32 @!p0 $0x1, s12  }
0xbe: {  	s13 =	sshrl.u32 @!p0 s12, $0x3  }
0xbf: {  	s12 =	sshll.u32 @!p0 s12, $0x7;
	s13 =	smul.u32 @!p0 $0x3E800, s13  }
0xc0: {  	_ =	swait.ge [sflag:s5], $0x7D00;
	s12 =	sand.u32 @!p0 $0x300, s12  }
0xc1: {  	s17 =	simm.s32 $0x7D20;
	[sflag:s5] =	ssyncset.done $0x0;
	s12 =	sor.u32 @!p0 s12, s13  }
0xc2: {  	s14 =	simm.s32 @!p0 $0x400;
	s15 =	simm.s32 @!p0 $0x0;
	s12 =	sshrl.u32 @!p0 s12, $0x3  }
0xc3: {  	[sflag:s5] =	ssyncadd.s32 $0xFFFF8300;
	s13 =	simm.s32 @!p0 $0x80;
	s12 =	sadd.s32 @!p0 s0, s12  }
0xc4: {  	[tilespmem:s15], [sflag:$0x1] =	stream.strided.gather @!p0 [hbm4b:s12+s13], $0x7D00, s14, s13, $0x38;
	[tilespmem:$0x10580] =	vst v63  }
0xc5: {  	v9 =	vld [tilespmem:s17+$0xFFFFFFE0]  }
0xc6: {  	v13 =	vld [tilespmem:s17+$0x10]  }
0xc7: {  	v14 =	vld [tilespmem:s17+$0x0];
	_ =	sdelay $0x1  }
0xc8: {  	v16 =	vld [tilespmem:s17+$0xFFFFFFF0]  }
0xc9: {  	v18 =	vimm.f32 $-3.000000010e+38  }
0xca: {  	v8 =	vimm.s32 $0x0;
	s12 =	simm.s32 $0x0;
	s14 =	simm.s32 $0x7D60;
	vm0 =	vgt.f32 v9, v18;
	v10 =	vmax.f32 v18, v9  }
0xcb: {  	v11 =	vld [tilespmem:s14+$0xFFFFFFE0];
	vm1 =	vgt.f32 v14, v18;
	v12 =	vsel vm0, s12, v8;
	vm0 =	vgt.f32 v13, v18  }
0xcc: {  	v17 =	vld [tilespmem:s14+$0x10];
	v14 =	vmax.f32 v18, v14;
	v13 =	vmax.f32 v18, v13;
	v15 =	vsel vm0, s12, v8  }
0xcd: {  	s13 =	simm.s32 $0x1;
	s15 =	simm.s32 $0x2;
	v19 =	vld [tilespmem:s14+$0x0];
	vm0 =	vgt.f32 v16, v18;
	v16 =	vmax.f32 v18, v16;
	v18 =	vsel vm1, s12, v8  }
.LBB2_11:
0xce: {  	p0 =	sne.s32 s15, $0x1F3  }
0xcf: {  	v9 =	vld [tilespmem:s14+$0xFFFFFFF0];
	v8 =	vsel vm0, s12, v8;
	s12 =	smov.u32 s13;
	s13 =	smov.u32 s15;
	s15 =	sadd.s32 $0x1, s15  }
.Ltmp9:
0xd0: {  	(pc) =	sbr.rel @p0 .LBB2_11-.Ltmp9, $4  }
0xd1: {  	s14 =	sadd.s32 $0x40, s14;
	vm0 =	vgt.f32 v11, v10;
	v10 =	vmax.f32 v10, v11  }
0xd2: {  	v11 =	vld [tilespmem:s14+$0xFFFFFFE0];
	v12 =	vsel vm0, s12, v12;
	vm0 =	vgt.f32 v17, v13;
	v13 =	vmax.f32 v13, v17  }
0xd3: {  	v17 =	vld [tilespmem:s14+$0x10];
	vm1 =	vgt.f32 v19, v14;
	v14 =	vmax.f32 v14, v19;
	v15 =	vsel vm0, s12, v15  }
0xd4: {  	v19 =	vld [tilespmem:s14+$0x0];
	vm0 =	vgt.f32 v9, v16;
	v16 =	vmax.f32 v16, v9;
	v18 =	vsel vm1, s12, v18  }
0xd5: {  	v9 =	vmov s10;
	s15 =	simm.s32 $0x0  }
0xd6: {  	v20 =	vld [tilespmem:s15+$0xFE00];
	_ =	sdelay $0x3  }
0xd7: {  	v21 =	vld.idx.msk [tilespmem:v9+s18+$0x0], $0xffff  }
0xd8: {  	v22 =	vld [tilespmem:s14+$0xFFFFFFF0];
	s14 =	simm.s32 $0x10;
	vm1 =	vlt.s32 v20, $0x7D00  }
0xd9: {  	v23 =	vld [tilespmem:s14+$0xFE00];
	v20 =	vnsel vm1, $0x0, v20;
	_ =	sdelay $0x1  }
0xda: {  	v24 =	vsel vm0, s12, v8;
	vm11 =	vgt.f32 v11, v10;
	v11 =	vmax.f32 v10, v11  }
0xdb: {  	vm12 =	vgt.f32 v17, v13;
	v10 =	vmax.f32 v13, v17;
	v17 =	vsel vm11, s13, v12  }
0xdc: {  	vm13 =	vgt.f32 v19, v14;
	v12 =	vmax.f32 v14, v19;
	v14 =	vsel vm12, s13, v15  }
0xdd: {  	vm14 =	vgt.f32 v22, v16;
	v15 =	vsel vm13, s13, v18;
	vm15 =	vlt.s32 v23, $0x7D00;
	v18 =	vld.idx.msk [tilespmem:v20+s24+$0x0], $0xffff  }
0xde: {  	s12 =	simm.s32 $0x20;
	v13 =	vmax.f32 v16, v22;
	v16 =	vsel vm14, s13, v24;
	s13 =	simm.s32 $0xC0;
	v19 =	vnsel vm15, $0x0, v23;
	v8 =	vld.idx.msk [tilespmem:v21+s24+$0x0], $0xffff  }
.LBB2_13:
0xdf: {  	p0 =	seq.s32 s13, $0x7C0;
	v20 =	vld [tilespmem:s12+$0xFE00];
	_ =	sdelay $0x1  }
.Ltmp10:
0xe0: {  	(pc) =	sbr.rel @!p0 .LBB2_13-.Ltmp10, $4  }
0xe1: {  	[tilespmem:s15+$0x10000] =	vst v18;
	s15 =	smov.u32 s14;
	s14 =	smov.u32 s12  }
0xe2: {  	v18 =	vld.idx.msk [tilespmem:v19+s24+$0x0], $0xffff  }
0xe3: {  	vm0 =	vlt.s32 v20, $0x7D00  }
0xe4: {  	s12 =	sshra.s32 s13, $0x2;
	s13 =	sadd.s32 $0x40, s13;
	v19 =	vnsel vm0, $0x0, v20  }
0xe5: {  	v17 =	vshll.u32 v17, $0x6;
	v16 =	vshll.u32 v16, $0x6;
	v58 =	vmax.f32 v11, v13  }
0xe6: {  	v59 =	vmax.f32 v12, v10;
	v15 =	vshll.u32 v15, $0x6;
	v14 =	vshll.u32 v14, $0x6  }
0xe7: {  	v20 =	vld [tilespmem:s12+$0xFE00];
	vm1 =	vgt.f32 v11, v13;
	v17 =	vor.u32 v0, v17;
	v60 =	vmax.f32 v58, v59  }
0xe8: {  	v16 =	vor.u32 v2, v16;
	v15 =	vor.u32 v3, v15;
	v14 =	vor.u32 v4, v14;
	(xrf0) =	vmax.scan.msk.f32 $0xffff, v60  }
0xe9: {  	vm2 =	vgt.f32 v13, v11;
	vm9 =	vlt.s32 v17, v16;
	vm10 =	vlt.s32 v15, v14  }
0xea: {  	vm11 =	vgt.f32 v10, v12;
	v21 =	vsel vm9, v17, v16;
	v11 =	vsel vm10, v15, v14  }
0xeb: {  	vm12 =	vgt.f32 v12, v10;
	v13 =	vsel vm2, v16, v21;
	v11 =	vsel vm11, v14, v11  }
0xec: {  	vm0 =	vlt.s32 v20, $0x7D00;
	v10 =	vsel vm1, v17, v13;
	v11 =	vsel vm12, v15, v11  }
0xed: {  	v57 =	vnsel vm0, $0x0, v20;
	vm0 =	vlt.s32 v10, v11  }
0xee: {  	vm13 =	vgt.f32 v59, v58;
	v61 =	vsel vm0, v10, v11;
	v62, _, _ =	vpop (xrf0)  }
0xef: {  	vm14 =	vgt.f32 v58, v59;
	v11 =	vsel vm13, v11, v61;
	v63 =	vbroadcast v62, $0xF  }
0xf0: {  	v10 =	vsel vm14, v10, v11  }
0xf1: {  	v10 =	vxor.u32 $0x80000000, v10;
	vm15 =	veq.f32 v60, v63  }
0xf2: {  	v10 =	vnsel vm15, $0xC0000000, v10  }
0xf3: {  	(xrf0) =	vmin.scan.msk.u32 $0xffff, v10;
	_ =	sdelay $0x5  }
0xf4: {  	(v2sf) =	vpush v62, $0xF;
	v10, _, _ =	vpop (xrf0)  }
0xf5: {  	(v2sf) =	vpush v10, $0xF;
	_ =	sdelay $0x1  }
0xf6: {  	[tilespmem:s15+$0x10000] =	vst v18  }
0xf7: {  	v18 =	vld.idx.msk [tilespmem:v19+s24+$0x0], $0xffff;
	_ =	sdelay $0x4  }
0xf8: {  	[tilespmem:s14+$0x10000] =	vst v18  }
0xf9: {  	v18 =	vld.idx.msk [tilespmem:v57+s24+$0x0], $0xffff;
	_ =	sdelay $0x1  }
.Ltmp11:
0xfa: {  	_ = 	snop;
	(pc) =	sbr.rel .LBB2_15-.Ltmp11, $3  }
0xfb: {  	_ =	sdelay $0x1  }
0xfc: {  	[tilespmem:s12+$0x10000] =	vst v18;
	s12 =	spop (v2sf)  }
0xfd: {  	s13 =	spop (v2sf)  }
.LBB2_17:
0xfe: {  	_ =	sfence.sel $0x180000  }
0xff: {  	[bflag:$0x0] =	sbarrier.arrive $0xFFFF  }
0x100: {  	_ =	strace $0x90000047  }
0x101: {  	s0 =	stileid.u32;
	[bflag:$0x2] =	sbarrier.arrive $0xFFFF  }
0x102: {  	p0 =	sne.s32 s0, $0x0;
	s0 =	rddreg [dreg:$0x6]  }
0x103: {  	s0 =	sadd.s32 @!p0 $0x100000, s0  }
0x104: {  	[sflag:s0] =	ssyncadd.tile.s32 @!p0 $0x1;
	_ =	shalt  }
.Lfunc_end2:
_tile_overlayer_lowered:
.L_overlay_start_2:
0x105: {  	(tag) =	ssettag $0x2  }
0x106: {  	s0 =	rddreg [dreg:$0x0];
	s2 =	stileid.u32  }
0x107: {  	s1 =	rddreg [dreg:$0x1];
	p0 =	sne.s32 s2, $0x0  }
0x108: {  	s3 =	rddreg [dreg:$0x2];
	[bflag:$0x3] =	sbarrier.arrive $0xFFFF;
	s2 =	simm.s32 @!p0 $0x1C03  }
0x109: {  	[timem:s3], [sflag:s2] =	dma.local @!p0 [hbm:s0], s1  }
0x10a: {  	s0 =	simm.s32 @!p0 $0x3  }
0x10b: {  	_ =	swait.ge @!p0 [sflag:s0], s1  }
0x10c: {  	s1 =	ssub.s32 @!p0 $0x0, s1;
	[sflag:s0] =	ssyncset.done @!p0 $0x0  }
0x10d: {  	[sflag:s0] =	ssyncadd.s32 @!p0 s1  }
0x10e: {  	[bflag:$0x3] =	sbarrier.arrive $0xFFFF  }
0x10f: {  	_ =	shalt  }

// kernel: kernel.8.cloned.1.call-start
scs
__scs_entry_jumppad:
0x0: {  	(pc) =	sbr.rel $0x88, $3  }
0x1: {  	(tag) =	ssettag $0x0;
	lr =	simm.s32 $0x1  }
0x2: {  	[smem:$0x3F9B] =	sst lr;
	_ =	strace $0xD0000000  }
0x3: {  	_ = 	snop  }
0x4: {  	_ = 	snop  }
0x5: {  	_ = 	snop  }
0x6: {  	_ = 	snop  }
0x7: {  	_ = 	snop  }
__scs_overlays_trampoline_lowered:
0x8: {  	[smem:$0x3FAA] =	sst s0  }
0x9: {  	[smem:$0x3FAB] =	sst s1  }
0xa: {  	[smem:$0x3FAC] =	sst s2  }
0xb: {  	[smem:$0x3FAD] =	sst s3  }
0xc: {  	[smem:$0x3FAE] =	sst s4  }
0xd: {  	[smem:$0x3FAF] =	sst s5  }
0xe: {  	[smem:$0x3FB0] =	sst s6  }
0xf: {  	[smem:$0x3FB1] =	sst s7  }
0x10: {  	[smem:$0x3FB2] =	sst s8  }
0x11: {  	[smem:$0x3FB3] =	sst s9;
	s0 =	simm.s32 @!p0 $0x0  }
0x12: {  	s1 =	sld [smem:$0x3F99];
	s0 =	simm.s32 @p0 $0x1  }
0x13: {  	[smem:$0x3FB4] =	sst s0;
	s0 =	simm.s32 @!p1 $0x0  }
0x14: {  	s2 =	sld [smem:$0x3F98];
	s0 =	simm.s32 @p1 $0x1  }
0x15: {  	[smem:$0x3FB5] =	sst s0;
	s0 =	simm.s32 @!p2 $0x0  }
0x16: {  	s3 =	sld [smem:$0x3FDB];
	s0 =	simm.s32 @p2 $0x1  }
0x17: {  	s4 =	simm.s32 $0x1BF5;
	[smem:$0x3FB7] =	sst s0  }
0x18: {  	s0 =	sld [smem:$0x3F9A];
	_ =	swait.ge [sflag:s4], $0x0  }
0x19: {  	s7 =	sld [smem:$0x3F9B]  }
0x1a: {  	s8 =	sadd.s32 $0xFFFFE003, lr  }
0x1b: {  	s9 =	sadd.s32 $0xFFFFFEF7, lr;
	s5 =	simm.s32 $0xFFFFFFFF;
	p2 =	slt.u32 s8, $0xFFFFF086  }
0x1c: {  	p1 =	slt.u32 s9, $0xF7A;
	s5 =	simm.s32 @!p2 $0x0  }
0x1d: {  	s5 =	simm.s32 @p1 $0x1;
	p0 =	seq.s32 s7, s2  }
0x1e: {  	s7 =	smul.u32 @!p0 $0xF7A, s2;
	p2 =	seq.s32 @!p0 s5, $0x0  }
0x1f: {  	s9 =	smul.u32 $0xF7A, s1;
	s8 =	simm.s32 @!p0 $0x1BF5;
	p2 =	por !p2, p0  }
0x20: {  	[sflag:s8] =	ssyncset.s32 @!p0 $0xFFFFF086;
	s6 =	sadd.s32 @!p0 s3, s7;
	s7 =	simm.s32 @!p0 $0x108  }
0x21: {  	s3 =	sadd.s32 s3, s9;
	s6 =	sadd.s32 @!p0 $0x88, s6;
	s7 =	simm.s32 @p2 $0x1082  }
0x22: {  	[simem:s7], [sflag:s8] =	dma.local @!p0 [hbm:s6], $0xF7A  }
0x23: {  	s9 =	sor.u32 $0xD0000000, s2;
	s6 =	simm.s32 $0x108;
	_ =	swait.ge @!p0 [sflag:s8], $0x0  }
0x24: {  	s3 =	sadd.s32 $0x88, s3;
	s6 =	simm.s32 @!p1 $0x1082;
	[sflag:s4] =	ssyncset.s32 $0xFFFFF086  }
0x25: {  	[simem:s6], [sflag:s4] =	dma.local [hbm:s3], $0xF7A  }
0x26: {  	[smem:$0x3F9B] =	sst s1;
	(tag) =	ssettag s2;
	_ =	strace s9  }
0x27: {  	s1 =	sld [smem:$0x3FAB]  }
0x28: {  	s2 =	sld [smem:$0x3FAC]  }
0x29: {  	s4 =	sld [smem:$0x3FAE]  }
0x2a: {  	p0 =	seq.s32 s5, $0x0;
	s5 =	sld [smem:$0x3FAF]  }
0x2b: {  	s6 =	sld [smem:$0x3FB0]  }
0x2c: {  	s7 =	sld [smem:$0x3FB1]  }
0x2d: {  	s3 =	simm.s32 $0x108;
	s8 =	sld [smem:$0x3FB2]  }
0x2e: {  	s3 =	simm.s32 @!p0 $0x1082;
	s9 =	sld [smem:$0x3FB3]  }
0x2f: {  	lr =	sadd.s32 s0, s3;
	s0 =	sld [smem:$0x3FAA]  }
0x30: {  	s3 =	sld [smem:$0x3FAD]  }
0x31: {  	[smem:$0x3FB6] =	sst s10  }
0x32: {  	s10 =	sld [smem:$0x3FB4];
	_ =	sdelay $0x3  }
0x33: {  	p0 =	seq.s32 s10, $0x1;
	s10 =	sld [smem:$0x3FB6];
	_ =	sdelay $0x3  }
0x34: {  	[smem:$0x3FB6] =	sst s10  }
0x35: {  	s10 =	sld [smem:$0x3FB5];
	_ =	sdelay $0x3  }
0x36: {  	p1 =	seq.s32 s10, $0x1;
	s10 =	sld [smem:$0x3FB6];
	_ =	sdelay $0x3  }
0x37: {  	[smem:$0x3FB6] =	sst s10  }
0x38: {  	s10 =	sld [smem:$0x3FB7]  }
0x39: {  	_ = 	snop;
	(pc) =	sbr.ind lr, $3  }
0x3a: {  	_ = 	snop  }
0x3b: {  	_ = 	snop  }
0x3c: {  	p2 =	seq.s32 s10, $0x1;
	s10 =	sld [smem:$0x3FB6]  }
0x3d: {  	_ =	shalt  }
0x3e: {  	_ =	shalt  }
0x3f: {  	_ =	shalt  }
0x40: {  	_ =	shalt  }
0x41: {  	_ =	shalt  }
0x42: {  	_ =	shalt  }
0x43: {  	_ =	shalt  }
0x44: {  	_ =	shalt  }
0x45: {  	_ =	shalt  }
0x46: {  	_ =	shalt  }
0x47: {  	_ =	shalt  }
0x48: {  	_ =	shalt  }
0x49: {  	_ =	shalt  }
0x4a: {  	_ =	shalt  }
0x4b: {  	_ =	shalt  }
0x4c: {  	_ =	shalt  }
0x4d: {  	_ =	shalt  }
0x4e: {  	_ =	shalt  }
0x4f: {  	_ =	shalt  }
0x50: {  	_ =	shalt  }
0x51: {  	_ =	shalt  }
0x52: {  	_ =	shalt  }
0x53: {  	_ =	shalt  }
0x54: {  	_ =	shalt  }
0x55: {  	_ =	shalt  }
0x56: {  	_ =	shalt  }
0x57: {  	_ =	shalt  }
0x58: {  	_ =	shalt  }
0x59: {  	_ =	shalt  }
0x5a: {  	_ =	shalt  }
0x5b: {  	_ =	shalt  }
0x5c: {  	_ =	shalt  }
0x5d: {  	_ =	shalt  }
0x5e: {  	_ =	shalt  }
0x5f: {  	_ =	shalt  }
0x60: {  	_ =	shalt  }
0x61: {  	_ =	shalt  }
0x62: {  	_ =	shalt  }
0x63: {  	_ =	shalt  }
0x64: {  	_ =	shalt  }
0x65: {  	_ =	shalt  }
0x66: {  	_ =	shalt  }
0x67: {  	_ =	shalt  }
0x68: {  	_ =	shalt  }
0x69: {  	_ =	shalt  }
0x6a: {  	_ =	shalt  }
0x6b: {  	_ =	shalt  }
0x6c: {  	_ =	shalt  }
0x6d: {  	_ =	shalt  }
0x6e: {  	_ =	shalt  }
0x6f: {  	_ =	shalt  }
0x70: {  	_ =	shalt  }
0x71: {  	_ =	shalt  }
0x72: {  	_ =	shalt  }
0x73: {  	_ =	shalt  }
0x74: {  	_ =	shalt  }
0x75: {  	_ =	shalt  }
0x76: {  	_ =	shalt  }
0x77: {  	_ =	shalt  }
0x78: {  	_ =	shalt  }
0x79: {  	_ =	shalt  }
0x7a: {  	_ =	shalt  }
0x7b: {  	_ =	shalt  }
0x7c: {  	_ =	shalt  }
0x7d: {  	_ =	shalt  }
0x7e: {  	_ =	shalt  }
0x7f: {  	_ =	shalt  }
0x80: {  	_ =	shalt  }
0x81: {  	_ =	shalt  }
0x82: {  	_ =	shalt  }
0x83: {  	_ =	shalt  }
0x84: {  	_ =	shalt  }
0x85: {  	_ =	shalt  }
0x86: {  	_ =	shalt  }
0x87: {  	_ =	shalt  }
.Lfunc_end0:
.L_simem_size_0:
called_computation.1_lowered:
.L_overlay_start_0:
0x88: {  	s2 =	sld [smem:$0x3FD9]  }
0x89: {  	s3 =	sld [smem:$0x3FFE];
	_ =	sdelay $0x1  }
0x8a: {  	s1 =	srdreg.scid  }
0x8b: {  	s0 =	sand.u32 $0x1, s1  }
0x8c: {  	s14 =	sshll.u32 s0, $0xA;
	s2 =	sadd.s32 s3, s2  }
0x8d: {  	s2 =	sadd.s32 s2, s14  }
0x8e: {  	[smem:$0x3FC2] =	sst s2  }
0x8f: {  	_ = 	snop  }
0x90: {  	s2 =	sld [smem:$0x3FD0];
	_ =	sdelay $0x2  }
0x91: {  	s4 =	simm.s32 $0xA;
	s5 =	simm.s32 $0x10;
	s15 =	sld [smem:$0x3FC5]  }
0x92: {  	[smem:s5], [sflag:s4] =	dma.local [hbm:s2], $0x1  }
0x93: {  	_ =	swait.eq [sflag:s4], $0x1  }
0x94: {  	[sflag:s4] =	ssyncset.done $0x0  }
0x95: {  	[sflag:s4] =	ssyncadd.s32 $0xFFFFFFFF  }
0x96: {  	s16 =	sld [smem:$0x11];
	(tm) =	ssettm $0x1  }
0x97: {  	s17 =	sld [smem:$0x3FFB];
	_ =	sdelay $0x3  }
0x98: {  	_ =	strace s17  }
0x99: {  	s4 =	sld [smem:$0x3FFC];
	_ =	sdelay $0x3  }
0x9a: {  	_ =	strace s4  }
0x9b: {  	s4 =	sld [smem:$0x3FFD];
	_ =	sdelay $0x3  }
0x9c: {  	_ =	strace s4  }
0x9d: {  	_ =	strace $0x8FFFFFFF  }
0x9e: {  	s18 =	sld [smem:$0x3FDB];
	_ =	sdelay $0x1  }
0x9f: {  	s19 =	simm.s32 $_scs_section_size  }
0xa0: {  	s6 =	simm.s32 $_size__tile_overlayer_lowered;
	s7 =	simm.s32 $_tile_overlayer_lowered  }
0xa1: {  	s22 =	simm.s32 $0x1BFF;
	s21 =	sshll.u32 s7, $0x1;
	s4 =	sadd.s32 s19, s18  }
0xa2: {  	s8 =	simm.s32 $0x0;
	s20 =	sshll.u32 s6, $0x1;
	s6 =	sadd.s32 s21, s4  }
0xa3: {  	[timem:s8], [sflag:s22] =	dma.local [hbm:s6], s20  }
0xa4: {  	_ =	swait.ge [sflag:s22], s20  }
0xa5: {  	s5 =	ssub.s32 $0x0, s20;
	[sflag:s22] =	ssyncset.done $0x0  }
0xa6: {  	[sflag:s22] =	ssyncadd.s32 s5;
	_ =	sdelay $0x1  }
0xa7: {  	s23 =	simm.s32 $0x1B8B  }
0xa8: {  	_ =	swait.ge [sflag:s23], $0x1  }
0xa9: {  	[sflag:s23] =	ssyncset.done $0x0  }
0xaa: {  	s25 =	simm.s32 $0x1B8E;
	s24 =	sld [smem:$0x3FFE];
	[sflag:s23] =	ssyncadd.s32 $0xFFFFFFFF  }
0xab: {  	s26 =	simm.s32 $execute0_lowered;
	[smem:$0x3FD2] =	sst s25  }
0xac: {  	s6 =	sshll.u32 s26, $0x1;
	_ =	strace $0x80000049;
	[dreg:$0x1] =	wrdreg $0xFFFFFFFF  }
0xad: {  	s28 =	simm.s32 $_size_execute0_lowered;
	s4 =	sadd.s32 s4, s6;
	[dreg:$0x0] =	wrdreg $0x0  }
0xae: {  	s6 =	sshll.u32 s28, $0x1;
	[dreg:$0x2] =	wrdreg s4  }
0xaf: {  	[dreg:$0x3] =	wrdreg s6  }
0xb0: {  	[dreg:$0x4] =	wrdreg $0xC0  }
0xb1: {  	_ =	task [dreg:s8], $0x5FFFF  }
0xb2: {  	[dreg:$0x1] =	wrdreg $0xFFFFFFFF  }
0xb3: {  	[dreg:$0x0] =	wrdreg $0x60  }
0xb4: {  	[dreg:$0x2] =	wrdreg s15  }
0xb5: {  	[dreg:$0x3] =	wrdreg s24  }
0xb6: {  	[dreg:$0x4] =	wrdreg s16  }
0xb7: {  	[dreg:$0x5] =	wrdreg $0x9  }
0xb8: {  	_ =	task.clear_ibuf [dreg:s8], $0x6FFFF;
	_ =	strace $0x90000049  }
0xb9: {  	s29 =	simm.s32 $0x9;
	_ =	strace $0x8000004B  }
0xba: {  	_ =	swait.ge [sflag:s29], $0x1  }
0xbb: {  	[sflag:s29] =	ssyncadd.s32 $0xFFFFFFFF  }
0xbc: {  	_ =	strace $0x9000004B  }
0xbd: {  	_ =	sfence  }
0xbe: {  	s30 =	sld [smem:$0x0];
	_ =	sdelay $0x2  }
0xbf: {  	s31 =	sshll.u32 s1, $0xD;
	s1 =	sshrl.u32 s1, $0x2  }
0xc0: {  	s3 =	sand.u32 $0x4000, s31;
	s1 =	sadd.s32 s1, s30  }
0xc1: {  	s0 =	sor.u32 s3, s0;
	s1 =	sshll.u32 s1, $0x11  }
0xc2: {  	s0 =	sor.u32 s1, s0  }
0xc3: {  	s0 =	sadd.s32 $0x8F2B, s0  }
0xc4: {  	[sflag:s0] =	ssyncadd.remote.s32 $0x1  }
0xc5: {  	_ =	sfence.sel $0xFFFF  }
0xc6: {  	[dreg:$0x0] =	wrdreg $0xFFFFFFFF;
	(pc) =	sbr.abs _section_cstart, $3  }
0xc7: {  	[dreg:$0x1] =	wrdreg $0xFFFFFFFF  }
0xc8: {  	_ =	task.clear_ibuf [dreg:s8], $0x2FFFF;
	_ =	strace $0x9FFFFFFF  }
0xc9: {  	(tm) =	ssettm $0x7FFFFFFF  }
tec
execute0_lowered:
.L_overlay_start_1:
0x0: {  	(tag) =	ssettag $0x1  }
0x1: {  	s1 =	rddreg [dreg:$0x0]  }
0x2: {  	s0 =	rddreg [dreg:$0x1]  }
0x3: {  	s2 =	rddreg [dreg:$0x2]  }
0x4: {  	s3 =	simm.s32 $0x0;
	s5 =	srdreg.scid;
	s7 =	stileid.u32  }
0x5: {  	s18 =	simm.s32 $0x8E00;
	s19 =	simm.s32 $0x3;
	s21 =	simm.s32 $0x8E80  }
0x6: {  	s30 =	simm.s32 $0x1;
	s31 =	simm.s32 $0x7F00;
	s20 =	simm.s32 $0x8C00  }
0x7: {  	s22 =	simm.s32 $0x8F00;
	[smem:$0x7FF] =	sst s3;
	s4 =	sadd.s32 $0x22200, s0  }
0x8: {  	s6 =	sand.u32 $0x1, s5;
	s7 =	sshll.u32 s7, $0x1;
	s5 =	sadd.s32 $0x42200, s0  }
0x9: {  	_ =	strace $0x8000004A;
	s8 =	sor.u32 s6, s7;
	s23 =	ssub.s32 $0x2, s6  }
0xa: {  	s6 =	sadd.s32 $0x1E00, s0;
	s16 =	sshll.u32 s8, $0x3;
	s9 =	sshrl.u32 s23, $0x1  }
0xb: {  	s7 =	sshll.u32 s8, $0x6;
	s8 =	sshll.u32 s8, $0xC;
	s0 =	sadd.s32 s16, s0  }
0xc: {  	s17 =	ssub.s32 s23, s9;
	s28 =	sadd.s32 s1, s8;
	s29 =	sadd.s32 s6, s8  }
0xd: {  	s14 =	sadd.s32 s4, s8;
	s15 =	sadd.s32 s5, s8;
	[dreg:$0x8] =	wrdreg s28  }
0xe: {  	s16 =	sadd.s32 s2, s16;
	s24 =	sadd.s32 $0x1600, s0;
	[dreg:$0x9] =	wrdreg s29  }
.Ltmp0:
0xf: {  	s25 =	sadd.s32 $0x1A00, s0;
	[dreg:$0x4] =	wrdreg s24;
	(pc) =	sbr.rel .LBB2_1-.Ltmp0, $4  }
0x10: {  	s23 =	simm.s32 $0x80;
	s26 =	sadd.s32 $0x1800, s0;
	[dreg:$0x5] =	wrdreg s25  }
0x11: {  	s2 =	simm.s32 $0x8780;
	s0 =	sadd.s32 $0x1C00, s0;
	[dreg:$0x6] =	wrdreg s26  }
0x12: {  	s17 =	smax.u32 s17, $0x1;
	[dreg:$0x7] =	wrdreg s0;
	s24 =	simm.s32 $0x400  }
0x13: {  	v0 =	vimm.s32 $0xFFFFFFFF;
	s0 =	simm.s32 $0x8300;
	s25 =	simm.s32 $0x2;
	s26 =	simm.s32 $0x0  }
.LBB2_10:
0x14: {  	s26 =	sadd.s32 $0x1, s26  }
0x15: {  	p0 =	sne.s32 s26, s17  }
.Ltmp1:
0x16: {  	_ = 	snop;
	(pc) =	sbr.rel @!p0 .LBB2_11-.Ltmp1, $4  }
0x17: {  	[hbm4b:s16+s3] =	stream.linear.scatter [tilespmem:s22], [sflag:$0x3], $0x40, $0x38;
	[tilespmem:$0x8F80] =	vst v63  }
0x18: {  	_ =	swait.ge [sflag:s19], $0x40  }
0x19: {  	[sflag:s19] =	ssyncset.done $0x0  }
0x1a: {  	[sflag:s19] =	ssyncadd.s32 $0xFFFFFFC0  }
.LBB2_1:
0x1b: {  	s8 =	rddreg [dreg:$0x4]  }
0x1c: {  	[tilespmem:s18], [sflag:$0x3] =	stream.linear.gather [hbm4b:s8+s3], $0x40, $0x38;
	[tilespmem:$0x8F80] =	vst v63  }
0x1d: {  	_ =	swait.ge [sflag:s19], $0x40  }
0x1e: {  	[sflag:s19] =	ssyncset.done $0x0  }
0x1f: {  	s9 =	simm.s32 $0x8E40;
	s11 =	rddreg [dreg:$0x5];
	[sflag:s19] =	ssyncadd.s32 $0xFFFFFFC0  }
0x20: {  	[tilespmem:s9], [sflag:$0x3] =	stream.linear.gather [hbm4b:s11+s3], $0x40, $0x38;
	[tilespmem:$0x8F80] =	vst v63  }
0x21: {  	_ =	swait.ge [sflag:s19], $0x40  }
0x22: {  	[sflag:s19] =	ssyncset.done $0x0  }
0x23: {  	s12 =	rddreg [dreg:$0x6];
	[sflag:s19] =	ssyncadd.s32 $0xFFFFFFC0  }
0x24: {  	[tilespmem:s21], [sflag:$0x3] =	stream.linear.gather [hbm4b:s12+s3], $0x40, $0x38;
	[tilespmem:$0x8F80] =	vst v63  }
0x25: {  	_ =	swait.ge [sflag:s19], $0x40  }
0x26: {  	[sflag:s19] =	ssyncset.done $0x0  }
0x27: {  	s29 =	simm.s32 $0x8EC0;
	s13 =	rddreg [dreg:$0x7];
	[sflag:s19] =	ssyncadd.s32 $0xFFFFFFC0  }
0x28: {  	[tilespmem:s29], [sflag:$0x3] =	stream.linear.gather [hbm4b:s13+s3], $0x40, $0x38;
	[tilespmem:$0x8F80] =	vst v63  }
0x29: {  	_ =	swait.ge [sflag:s19], $0x40  }
0x2a: {  	[sflag:s19] =	ssyncset.done $0x0  }
0x2b: {  	[sflag:s19] =	ssyncadd.s32 $0xFFFFFFC0  }
0x2c: {  	[tilespmem:$0x8700] =	vst v0  }
0x2d: {  	s10 =	simm.s32 $0x7D00;
	s9 =	rddreg [dreg:$0x8];
	[tilespmem:$0x8980] =	vst v0  }
0x2e: {  	[tilespmem:s10], [sflag:$0x1] =	stream.strided.gather [hbm4b:s9+s23], $0x200, s24, s23, $0x38;
	[tilespmem:$0x8F80] =	vst v63  }
0x2f: {  	s12 =	simm.s32 $0x8100;
	s11 =	rddreg [dreg:$0x9]  }
0x30: {  	[tilespmem:s12], [sflag:$0x1] =	stream.strided.gather [hbm4b:s11+s23], $0x200, s24, s23, $0x38;
	[tilespmem:$0x8F80] =	vst v63  }
.Ltmp2:
0x31: {  	_ = 	snop;
	(pc) =	sbr.rel .LBB2_2-.Ltmp2, $4  }
0x32: {  	s13 =	simm.s32 $0x8500  }
0x33: {  	[tilespmem:s13], [sflag:$0x1] =	stream.linear.gather [hbm4b:s14+s3], $0x200, $0x38;
	[tilespmem:$0x8F80] =	vst v63  }
0x34: {  	s28 =	simm.s32 $0x0;
	s29 =	simm.s32 $0x8A00  }
0x35: {  	[tilespmem:s29], [sflag:$0x1] =	stream.linear.gather [hbm4b:s15+s3], $0x200, $0x38;
	[tilespmem:$0x8F80] =	vst v63  }
.LBB2_8:
0x36: {  	v32 =	vld [tilespmem:s8+$0x87B0]  }
0x37: {  	v33 =	vld [tilespmem:s8+$0x8780]  }
0x38: {  	v34 =	vld [tilespmem:s8+$0x8790]  }
0x39: {  	v35 =	vld [tilespmem:s8+$0x87A0]  }
0x3a: {  	v25 =	vld.idx.msk [tilespmem:v25+s3+$0x0], $0xffff  }
0x3b: {  	v24 =	vld.idx.msk [tilespmem:v24+s3+$0x0], $0xffff  }
0x3c: {  	vm2 =	veq.s32 v21, v30;
	v56 =	vld [tilespmem:s8+$0x8C00];
	v27 =	vadd.f32 v27, v29  }
0x3d: {  	v58 =	vld [tilespmem:s8+$0x8C10];
	v21 =	vsub.s32 v32, v1;
	v36 =	vand.u32 $0x7F, v32;
	v29 =	vsub.s32 v33, v1  }
0x3e: {  	v60 =	vld [tilespmem:s8+$0x8C20];
	v30 =	vsub.s32 v34, v1;
	v39 =	vand.u32 $0x7F, v33;
	v57 =	vand.u32 $0xFFFFFF80, v21  }
0x3f: {  	v38 =	vld [tilespmem:s8+$0x8781];
	v1 =	vsub.s32 v35, v1;
	v61 =	vand.u32 $0xFFFFFF80, v29;
	v59 =	vor.u32 v36, v57  }
0x40: {  	v62 =	vld [tilespmem:s8+$0x8791];
	v40 =	vand.u32 $0x7F, v34;
	v37 =	vand.u32 $0xFFFFFF80, v30;
	v36 =	vor.u32 v39, v61  }
0x41: {  	v42 =	vld [tilespmem:s8+$0x87A1];
	v63 =	vand.u32 $0x7F, v35;
	v41 =	vand.u32 $0xFFFFFF80, v1;
	v37 =	vor.u32 v40, v37  }
0x42: {  	v4 =	vsel vm4, v4, v15;
	v45 =	vadd.f32 v28, v12;
	v48 =	vld [tilespmem:s8+$0x8C30];
	v46 =	vor.u32 v63, v41  }
0x43: {  	vm8 =	vgt.f32 v31, v18;
	v6 =	vsel vm3, v6, v23;
	vm9 =	veq.s32 v8, v26;
	v49 =	vld [tilespmem:s8+$0x87B1]  }
0x44: {  	v7 =	vmax.f32 v22, v7;
	v47 =	vsel vm9, $0xFF61B1E6, v27;
	v8 =	vsel vm0, $0xFF61B1E6, v45;
	v23 =	vld.idx.msk [tilespmem:v59+s3+$0x0], $0xffff  }
0x45: {  	v2 =	vsel vm8, v2, v20;
	vm3 =	vgt.f32 v47, v7;
	v50 =	vmax.f32 v10, v8;
	v51 =	vld.idx.msk [tilespmem:v36+s3+$0x0], $0xffff  }
0x46: {  	vm12 =	vgt.f32 v8, v10;
	v7 =	vmax.f32 v7, v47;
	v3 =	vsel vm3, v3, v5;
	v52 =	vld.idx.msk [tilespmem:v37+s3+$0x0], $0xffff  }
0x47: {  	v4 =	vsel vm12, v16, v4;
	v11 =	vadd.f32 v25, v11;
	v19 =	vadd.f32 v24, v19;
	v12 =	vld.idx.msk [tilespmem:v46+s3+$0x0], $0xffff  }
0x48: {  	vm10 =	veq.s32 v33, v38;
	vm11 =	veq.s32 v34, v62;
	vm14 =	veq.s32 v35, v42  }
0x49: {  	vm15 =	veq.s32 v32, v49;
	v11 =	vsel vm1, $0xFF61B1E6, v11;
	v19 =	vsel vm2, $0xFF61B1E6, v19  }
0x4a: {  	v53 =	vmax.f32 v14, v11;
	v54 =	vmax.f32 v9, v19;
	vm13 =	vgt.f32 v11, v14  }
0x4b: {  	vm6 =	vgt.f32 v19, v9;
	v55 =	vadd.f32 v23, v48;
	v56 =	vadd.f32 v51, v56  }
0x4c: {  	v6 =	vsel vm13, v13, v6;
	v57 =	vadd.f32 v52, v58;
	v58 =	vadd.f32 v12, v60  }
0x4d: {  	v2 =	vsel vm6, v17, v2;
	v8 =	vsel vm15, $0xFF61B1E6, v55;
	v9 =	vsel vm10, $0xFF61B1E6, v56  }
0x4e: {  	v10 =	vsel vm11, $0xFF61B1E6, v57;
	v11 =	vsel vm14, $0xFF61B1E6, v58;
	vm2 =	vgt.f32 v8, v7  }
0x4f: {  	v59 =	vmax.f32 v50, v9;
	v60 =	vmax.f32 v53, v10;
	v61 =	vmax.f32 v54, v11  }
0x50: {  	vm0 =	vgt.f32 v9, v50;
	vm1 =	vgt.f32 v10, v53;
	vm7 =	vgt.f32 v11, v54  }
0x51: {  	v3 =	vsel vm2, v21, v3;
	v4 =	vsel vm0, v29, v4;
	v62 =	vsel vm1, v30, v6  }
0x52: {  	v1 =	vsel vm7, v1, v2;
	v2 =	vmax.f32 v7, v8;
	vm8 =	vgt.f32 v59, v60  }
0x53: {  	vm9 =	vgt.f32 v60, v59;
	vm10 =	vlt.s32 v4, v62;
	vm11 =	vlt.s32 v1, v3  }
0x54: {  	vm12 =	vgt.f32 v2, v61;
	v6 =	vsel vm10, v4, v62;
	v63 =	vsel vm11, v1, v3  }
0x55: {  	vm13 =	vgt.f32 v61, v2;
	v5 =	vsel vm9, v62, v6;
	v3 =	vsel vm12, v3, v63  }
0x56: {  	v4 =	vsel vm8, v4, v5;
	v1 =	vsel vm13, v1, v3  }
0x57: {  	v2 =	vmax.f32 v61, v2;
	v3 =	vmax.f32 v59, v60;
	vm0 =	vlt.s32 v4, v1  }
0x58: {  	vm14 =	vgt.f32 v2, v3;
	v5 =	vsel vm0, v4, v1  }
0x59: {  	vm15 =	vgt.f32 v3, v2;
	v5 =	vsel vm14, v1, v5  }
0x5a: {  	v1 =	vmax.f32 v3, v2;
	v2 =	vsel vm15, v4, v5  }
.LBB2_9:
0x5b: {  	(xrf0) =	vmax.scan.msk.f32 $0xffff, v1;
	_ =	sdelay $0x1  }
0x5c: {  	v3 =	vmov s28;
	_ =	sdelay $0x2  }
0x5d: {  	v4 =	vor.u32 $0x40, v3  }
0x5e: {  	v5, _, _ =	vpop (xrf0)  }
0x5f: {  	v7 =	vld.idx.msk [tilespmem:v3+s18+$0x0], $0xffff;
	v6 =	vbroadcast v5, $0xF;
	_ =	sdelay $0x1  }
0x60: {  	vm0 =	veq.f32 v1, v6;
	v1 =	vxor.u32 $0x80000000, v2  }
0x61: {  	v8 =	vld.idx.msk [tilespmem:v4+s18+$0x0], $0xffff;
	v1 =	vnsel vm0, $0xC0000000, v1  }
0x62: {  	(xrf0) =	vmin.scan.msk.u32 $0xffff, v1  }
0x63: {  	(xrf0) =	vmax.scan.msk.f32 $0xffff, v7;
	_ =	sdelay $0x2  }
0x64: {  	(xrf0) =	vmax.scan.msk.f32 $0xffff, v8;
	_ =	sdelay $0x1  }
0x65: {  	(v2sf) =	vpush v5, $0xF;
	v1, _, _ =	vpop (xrf0)  }
0x66: {  	v2, _, _ =	vpop (xrf0);
	(v2sf) =	vpush v1, $0xF  }
0x67: {  	(v2sf) =	vpush v2, $0xF;
	_ =	sdelay $0x1  }
0x68: {  	v1, _, _ =	vpop (xrf0)  }
0x69: {  	(v2sf) =	vpush v1, $0xF;
	_ =	sdelay $0x9  }
0x6a: {  	v1 =	vld.idx.msk [tilespmem:v3+s21+$0x0], $0xffff;
	s8 =	spop (v2sf)  }
0x6b: {  	s9 =	spop (v2sf)  }
0x6c: {  	s10 =	spop (v2sf)  }
0x6d: {  	p0 =	sgt.f32 s8, s10  }
0x6e: {  	s28 =	sadd.s32 $0x1, s28;
	v2 =	vld.idx.msk [tilespmem:v4+s21+$0x0], $0xffff;
	s29 =	sxor.u32 $0x80000000, s9  }
0x6f: {  	s11 =	spop (v2sf);
	v1 =	vpsel p0, s29, v1;
	p0 =	sne.s32 s28, $0x40  }
.Ltmp3:
0x70: {  	s12 =	smax.f32 s10, s8;
	(pc) =	sbr.rel @!p0 .LBB2_10-.Ltmp3, $3  }
0x71: {  	p1 =	slt.f32 s12, s11;
	_ =	sdelay $0x1  }
0x72: {  	v1 =	vpsel p1, v2, v1  }
0x73: {  	[tilespmem:v3+s22+$0x0] =	vst.idx.msk $0x1, v1  }
.LBB2_2:
0x74: {  	s8 =	sand.u32 $0x1, s28  }
0x75: {  	p0 =	seq.s32 s8, $0x1  }
.Ltmp4:
0x76: {  	_ = 	snop;
	(pc) =	sbr.rel @p0 .LBB2_6-.Ltmp4, $2  }
0x77: {  	_ =	sdelay $0x2  }
0x78: {  	s29 =	sadd.s32 s7, s28  }
0x79: {  	_ =	swait.ge [sflag:s30], $0x200  }
0x7a: {  	[sflag:s30] =	ssyncset.done $0x0  }
0x7b: {  	[sflag:s30] =	ssyncadd.s32 $0xFFFFFE00  }
0x7c: {  	_ =	swait.ge [sflag:s30], $0x200  }
0x7d: {  	[sflag:s30] =	ssyncset.done $0x0  }
0x7e: {  	[sflag:s30] =	ssyncadd.s32 $0xFFFFFE00  }
0x7f: {  	_ =	swait.ge [sflag:s30], $0x200  }
0x80: {  	s8 =	sor.u32 $0x1, s29;
	[sflag:s30] =	ssyncset.done $0x0  }
0x81: {  	s9 =	sshll.u32 s29, $0x6;
	s10 =	sshll.u32 s8, $0x4;
	[sflag:s30] =	ssyncadd.s32 $0xFFFFFE00  }
0x82: {  	s9 =	sand.u32 $0xFFFFE00, s9;
	s10 =	sand.u32 $0x70, s10;
	_ =	swait.ge [sflag:s30], $0x200  }
0x83: {  	s9 =	sor.u32 s9, s10;
	[sflag:s30] =	ssyncset.done $0x0  }
0x84: {  	s8 =	sshll.u32 s8, $0x6;
	s10 =	sadd.s32 s1, s9;
	[sflag:s30] =	ssyncadd.s32 $0xFFFFFE00  }
0x85: {  	[tilespmem:s31], [sflag:$0x2] =	stream.strided.gather [hbm4b:s10+s23], $0x200, s24, s23, $0x38;
	[tilespmem:$0x8F80] =	vst v63  }
0x86: {  	s11 =	sand.u32 $0x1FFFFFC0, s8;
	s9 =	sadd.s32 s6, s9  }
0x87: {  	[tilespmem:s0], [sflag:$0x2] =	stream.strided.gather [hbm4b:s9+s23], $0x200, s24, s23, $0x38;
	[tilespmem:$0x8F80] =	vst v63  }
0x88: {  	s13 =	simm.s32 $0x0;
	s12 =	sadd.s32 s4, s11  }
0x89: {  	[tilespmem:s2], [sflag:$0x2] =	stream.linear.gather [hbm4b:s12+s13], $0x200, $0x38;
	[tilespmem:$0x8F80] =	vst v63  }
0x8a: {  	s9 =	sadd.s32 s5, s11  }
0x8b: {  	[tilespmem:s20], [sflag:$0x2] =	stream.linear.gather [hbm4b:s9+s13], $0x200, $0x38;
	[tilespmem:$0x8F80] =	vst v63  }
0x8c: {  	v1 =	vld [tilespmem:$0x7D00];
	_ =	sdelay $0x4  }
0x8d: {  	vm0 =	vlt.s32 v1, $0x7D00  }
0x8e: {  	v2 =	vld [tilespmem:$0x8100];
	v1 =	vnsel vm0, $0x0, v1;
	_ =	sdelay $0x4  }
0x8f: {  	[tilespmem:v1+s13+$0x0] =	vst.idx.msk $0xffff, v2  }
0x90: {  	v1 =	vld [tilespmem:$0x7D10];
	_ =	sdelay $0x4  }
0x91: {  	vm0 =	vlt.s32 v1, $0x7D00  }
0x92: {  	v2 =	vld [tilespmem:$0x8110];
	v1 =	vnsel vm0, $0x0, v1;
	_ =	sdelay $0x4  }
0x93: {  	[tilespmem:v1+s13+$0x0] =	vst.idx.msk $0xffff, v2  }
0x94: {  	v1 =	vld [tilespmem:$0x7D20];
	_ =	sdelay $0x4  }
0x95: {  	vm0 =	vlt.s32 v1, $0x7D00  }
0x96: {  	v2 =	vld [tilespmem:$0x8120];
	v1 =	vnsel vm0, $0x0, v1;
	_ =	sdelay $0x4  }
0x97: {  	[tilespmem:v1+s13+$0x0] =	vst.idx.msk $0xffff, v2  }
0x98: {  	v1 =	vld [tilespmem:$0x7D30];
	_ =	sdelay $0x4  }
0x99: {  	vm0 =	vlt.s32 v1, $0x7D00  }
0x9a: {  	v2 =	vld [tilespmem:$0x8130];
	v1 =	vnsel vm0, $0x0, v1;
	_ =	sdelay $0x4  }
0x9b: {  	[tilespmem:v1+s13+$0x0] =	vst.idx.msk $0xffff, v2  }
0x9c: {  	v1 =	vld [tilespmem:$0x7D40];
	_ =	sdelay $0x4  }
0x9d: {  	vm0 =	vlt.s32 v1, $0x7D00  }
0x9e: {  	v2 =	vld [tilespmem:$0x8140];
	v1 =	vnsel vm0, $0x0, v1;
	_ =	sdelay $0x4  }
0x9f: {  	[tilespmem:v1+s13+$0x0] =	vst.idx.msk $0xffff, v2  }
0xa0: {  	v1 =	vld [tilespmem:$0x7D50];
	_ =	sdelay $0x4  }
0xa1: {  	vm0 =	vlt.s32 v1, $0x7D00  }
0xa2: {  	v2 =	vld [tilespmem:$0x8150];
	v1 =	vnsel vm0, $0x0, v1;
	_ =	sdelay $0x4  }
0xa3: {  	[tilespmem:v1+s13+$0x0] =	vst.idx.msk $0xffff, v2  }
0xa4: {  	v1 =	vld [tilespmem:$0x7D60];
	_ =	sdelay $0x4  }
0xa5: {  	vm0 =	vlt.s32 v1, $0x7D00  }
0xa6: {  	v2 =	vld [tilespmem:$0x8160];
	v1 =	vnsel vm0, $0x0, v1;
	_ =	sdelay $0x4  }
0xa7: {  	[tilespmem:v1+s13+$0x0] =	vst.idx.msk $0xffff, v2  }
0xa8: {  	v1 =	vld [tilespmem:$0x7D70];
	_ =	sdelay $0x4  }
0xa9: {  	vm0 =	vlt.s32 v1, $0x7D00  }
0xaa: {  	v2 =	vld [tilespmem:$0x8170];
	v1 =	vnsel vm0, $0x0, v1;
	_ =	sdelay $0x4  }
0xab: {  	[tilespmem:v1+s13+$0x0] =	vst.idx.msk $0xffff, v2  }
0xac: {  	v1 =	vld [tilespmem:$0x7D80];
	_ =	sdelay $0x4  }
0xad: {  	vm0 =	vlt.s32 v1, $0x7D00  }
0xae: {  	v2 =	vld [tilespmem:$0x8180];
	v1 =	vnsel vm0, $0x0, v1;
	_ =	sdelay $0x4  }
0xaf: {  	[tilespmem:v1+s13+$0x0] =	vst.idx.msk $0xffff, v2  }
0xb0: {  	v1 =	vld [tilespmem:$0x7D90];
	_ =	sdelay $0x4  }
0xb1: {  	vm0 =	vlt.s32 v1, $0x7D00  }
0xb2: {  	v2 =	vld [tilespmem:$0x8190];
	v1 =	vnsel vm0, $0x0, v1;
	_ =	sdelay $0x4  }
0xb3: {  	[tilespmem:v1+s13+$0x0] =	vst.idx.msk $0xffff, v2  }
0xb4: {  	v1 =	vld [tilespmem:$0x7DA0];
	_ =	sdelay $0x4  }
0xb5: {  	vm0 =	vlt.s32 v1, $0x7D00  }
0xb6: {  	v2 =	vld [tilespmem:$0x81A0];
	v1 =	vnsel vm0, $0x0, v1;
	_ =	sdelay $0x4  }
0xb7: {  	[tilespmem:v1+s13+$0x0] =	vst.idx.msk $0xffff, v2  }
0xb8: {  	v1 =	vld [tilespmem:$0x7DB0];
	_ =	sdelay $0x4  }
0xb9: {  	vm0 =	vlt.s32 v1, $0x7D00  }
0xba: {  	v2 =	vld [tilespmem:$0x81B0];
	v1 =	vnsel vm0, $0x0, v1;
	_ =	sdelay $0x4  }
0xbb: {  	[tilespmem:v1+s13+$0x0] =	vst.idx.msk $0xffff, v2  }
0xbc: {  	v1 =	vld [tilespmem:$0x7DC0];
	_ =	sdelay $0x4  }
0xbd: {  	vm0 =	vlt.s32 v1, $0x7D00  }
0xbe: {  	v2 =	vld [tilespmem:$0x81C0];
	v1 =	vnsel vm0, $0x0, v1;
	_ =	sdelay $0x4  }
0xbf: {  	[tilespmem:v1+s13+$0x0] =	vst.idx.msk $0xffff, v2  }
0xc0: {  	v1 =	vld [tilespmem:$0x7DD0];
	_ =	sdelay $0x4  }
0xc1: {  	vm0 =	vlt.s32 v1, $0x7D00  }
0xc2: {  	v2 =	vld [tilespmem:$0x81D0];
	v1 =	vnsel vm0, $0x0, v1;
	_ =	sdelay $0x4  }
0xc3: {  	[tilespmem:v1+s13+$0x0] =	vst.idx.msk $0xffff, v2  }
0xc4: {  	v1 =	vld [tilespmem:$0x7DE0];
	_ =	sdelay $0x4  }
0xc5: {  	vm0 =	vlt.s32 v1, $0x7D00  }
0xc6: {  	v2 =	vld [tilespmem:$0x81E0];
	v1 =	vnsel vm0, $0x0, v1;
	_ =	sdelay $0x4  }
0xc7: {  	[tilespmem:v1+s13+$0x0] =	vst.idx.msk $0xffff, v2  }
0xc8: {  	v1 =	vld [tilespmem:$0x7DF0];
	_ =	sdelay $0x4  }
0xc9: {  	vm0 =	vlt.s32 v1, $0x7D00  }
0xca: {  	v2 =	vld [tilespmem:$0x81F0];
	v1 =	vnsel vm0, $0x0, v1;
	_ =	sdelay $0x4  }
0xcb: {  	[tilespmem:v1+s13+$0x0] =	vst.idx.msk $0xffff, v2  }
0xcc: {  	v1 =	vld [tilespmem:$0x7E00];
	_ =	sdelay $0x4  }
0xcd: {  	vm0 =	vlt.s32 v1, $0x7D00  }
0xce: {  	v2 =	vld [tilespmem:$0x8200];
	v1 =	vnsel vm0, $0x0, v1;
	_ =	sdelay $0x4  }
0xcf: {  	[tilespmem:v1+s13+$0x0] =	vst.idx.msk $0xffff, v2  }
0xd0: {  	v1 =	vld [tilespmem:$0x7E10];
	_ =	sdelay $0x4  }
0xd1: {  	vm0 =	vlt.s32 v1, $0x7D00  }
0xd2: {  	v2 =	vld [tilespmem:$0x8210];
	v1 =	vnsel vm0, $0x0, v1;
	_ =	sdelay $0x4  }
0xd3: {  	[tilespmem:v1+s13+$0x0] =	vst.idx.msk $0xffff, v2  }
0xd4: {  	v1 =	vld [tilespmem:$0x7E20];
	_ =	sdelay $0x4  }
0xd5: {  	vm0 =	vlt.s32 v1, $0x7D00  }
0xd6: {  	v2 =	vld [tilespmem:$0x8220];
	v1 =	vnsel vm0, $0x0, v1;
	_ =	sdelay $0x4  }
0xd7: {  	[tilespmem:v1+s13+$0x0] =	vst.idx.msk $0xffff, v2  }
0xd8: {  	v1 =	vld [tilespmem:$0x7E30];
	_ =	sdelay $0x4  }
0xd9: {  	vm0 =	vlt.s32 v1, $0x7D00  }
0xda: {  	v2 =	vld [tilespmem:$0x8230];
	v1 =	vnsel vm0, $0x0, v1;
	_ =	sdelay $0x4  }
0xdb: {  	[tilespmem:v1+s13+$0x0] =	vst.idx.msk $0xffff, v2  }
0xdc: {  	v1 =	vld [tilespmem:$0x7E40];
	_ =	sdelay $0x4  }
0xdd: {  	vm0 =	vlt.s32 v1, $0x7D00  }
0xde: {  	v2 =	vld [tilespmem:$0x8240];
	v1 =	vnsel vm0, $0x0, v1;
	_ =	sdelay $0x4  }
0xdf: {  	[tilespmem:v1+s13+$0x0] =	vst.idx.msk $0xffff, v2  }
0xe0: {  	v1 =	vld [tilespmem:$0x7E50];
	_ =	sdelay $0x4  }
0xe1: {  	vm0 =	vlt.s32 v1, $0x7D00  }
0xe2: {  	v2 =	vld [tilespmem:$0x8250];
	v1 =	vnsel vm0, $0x0, v1;
	_ =	sdelay $0x4  }
0xe3: {  	[tilespmem:v1+s13+$0x0] =	vst.idx.msk $0xffff, v2  }
0xe4: {  	v1 =	vld [tilespmem:$0x7E60];
	_ =	sdelay $0x4  }
0xe5: {  	vm0 =	vlt.s32 v1, $0x7D00  }
0xe6: {  	v2 =	vld [tilespmem:$0x8260];
	v1 =	vnsel vm0, $0x0, v1;
	_ =	sdelay $0x4  }
0xe7: {  	[tilespmem:v1+s13+$0x0] =	vst.idx.msk $0xffff, v2  }
0xe8: {  	v1 =	vld [tilespmem:$0x7E70];
	_ =	sdelay $0x4  }
0xe9: {  	vm0 =	vlt.s32 v1, $0x7D00  }
0xea: {  	v2 =	vld [tilespmem:$0x8270];
	v1 =	vnsel vm0, $0x0, v1;
	_ =	sdelay $0x4  }
0xeb: {  	[tilespmem:v1+s13+$0x0] =	vst.idx.msk $0xffff, v2  }
0xec: {  	v1 =	vld [tilespmem:$0x7E80];
	_ =	sdelay $0x4  }
0xed: {  	vm0 =	vlt.s32 v1, $0x7D00  }
0xee: {  	v2 =	vld [tilespmem:$0x8280];
	v1 =	vnsel vm0, $0x0, v1;
	_ =	sdelay $0x4  }
0xef: {  	[tilespmem:v1+s13+$0x0] =	vst.idx.msk $0xffff, v2  }
0xf0: {  	v1 =	vld [tilespmem:$0x7E90];
	_ =	sdelay $0x4  }
0xf1: {  	vm0 =	vlt.s32 v1, $0x7D00  }
0xf2: {  	v2 =	vld [tilespmem:$0x8290];
	v1 =	vnsel vm0, $0x0, v1;
	_ =	sdelay $0x4  }
0xf3: {  	[tilespmem:v1+s13+$0x0] =	vst.idx.msk $0xffff, v2  }
0xf4: {  	v1 =	vld [tilespmem:$0x7EA0];
	_ =	sdelay $0x4  }
0xf5: {  	vm0 =	vlt.s32 v1, $0x7D00  }
0xf6: {  	v2 =	vld [tilespmem:$0x82A0];
	v1 =	vnsel vm0, $0x0, v1;
	_ =	sdelay $0x4  }
0xf7: {  	[tilespmem:v1+s13+$0x0] =	vst.idx.msk $0xffff, v2  }
0xf8: {  	v1 =	vld [tilespmem:$0x7EB0];
	_ =	sdelay $0x4  }
0xf9: {  	vm0 =	vlt.s32 v1, $0x7D00  }
0xfa: {  	v2 =	vld [tilespmem:$0x82B0];
	v1 =	vnsel vm0, $0x0, v1;
	_ =	sdelay $0x4  }
0xfb: {  	[tilespmem:v1+s13+$0x0] =	vst.idx.msk $0xffff, v2  }
0xfc: {  	v1 =	vld [tilespmem:$0x7EC0];
	_ =	sdelay $0x4  }
0xfd: {  	vm0 =	vlt.s32 v1, $0x7D00  }
0xfe: {  	v2 =	vld [tilespmem:$0x82C0];
	v1 =	vnsel vm0, $0x0, v1;
	_ =	sdelay $0x4  }
0xff: {  	[tilespmem:v1+s13+$0x0] =	vst.idx.msk $0xffff, v2  }
0x100: {  	v1 =	vld [tilespmem:$0x7ED0];
	_ =	sdelay $0x4  }
0x101: {  	vm0 =	vlt.s32 v1, $0x7D00  }
0x102: {  	v2 =	vld [tilespmem:$0x82D0];
	v1 =	vnsel vm0, $0x0, v1;
	_ =	sdelay $0x4  }
0x103: {  	[tilespmem:v1+s13+$0x0] =	vst.idx.msk $0xffff, v2  }
0x104: {  	v1 =	vld [tilespmem:$0x7EE0];
	_ =	sdelay $0x4  }
0x105: {  	vm0 =	vlt.s32 v1, $0x7D00  }
0x106: {  	v2 =	vld [tilespmem:$0x82E0];
	v1 =	vnsel vm0, $0x0, v1;
	_ =	sdelay $0x4  }
0x107: {  	[tilespmem:v1+s13+$0x0] =	vst.idx.msk $0xffff, v2  }
0x108: {  	v1 =	vld [tilespmem:$0x7EF0];
	_ =	sdelay $0x4  }
0x109: {  	vm0 =	vlt.s32 v1, $0x7D00  }
0x10a: {  	v2 =	vld [tilespmem:$0x82F0];
	v1 =	vnsel vm0, $0x0, v1;
	_ =	sdelay $0x4  }
0x10b: {  	s11 =	simm.s32 $0x0;
	[tilespmem:v1+s13+$0x0] =	vst.idx.msk $0xffff, v2  }
0x10c: {  	v3 =	vld [tilespmem:s11+$0x8530]  }
0x10d: {  	v5 =	vld [tilespmem:s11+$0x8500]  }
0x10e: {  	v7 =	vld [tilespmem:s11+$0x8510]  }
0x10f: {  	s12 =	smul.u32 $0x7D00, s29;
	v9 =	vld [tilespmem:s11+$0x8520]  }
0x110: {  	v11 =	vld [tilespmem:s11+$0x8A00]  }
0x111: {  	v1 =	vmov s12;
	v14 =	vld [tilespmem:s11+$0x8A10]  }
0x112: {  	v12 =	vld [tilespmem:s11+$0x8501];
	v10 =	vsub.s32 v3, v1  }
0x113: {  	v13 =	vld [tilespmem:s11+$0x8511];
	v4 =	vand.u32 $0x7F, v3;
	v2 =	vand.u32 $0xFFFFFF80, v10  }
0x114: {  	v16 =	vld [tilespmem:s11+$0x8521];
	v2 =	vor.u32 v4, v2;
	v4 =	vsub.s32 v5, v1  }
0x115: {  	v19 =	vld [tilespmem:s11+$0x8A30];
	v8 =	vand.u32 $0x7F, v5;
	v6 =	vand.u32 $0xFFFFFF80, v4  }
0x116: {  	s13 =	simm.s32 $0x40;
	v22 =	vld [tilespmem:s11+$0x8531];
	v15 =	vor.u32 v8, v6  }
0x117: {  	v26 =	vld [tilespmem:s13+$0x8500];
	v6 =	vsub.s32 v7, v1  }
0x118: {  	v28 =	vld [tilespmem:s13+$0x8510];
	v18 =	vand.u32 $0x7F, v7;
	v8 =	vand.u32 $0xFFFFFF80, v6  }
0x119: {  	v23 =	vor.u32 v18, v8;
	v17 =	vld.idx.msk [tilespmem:v2+s3+$0x0], $0xffff;
	v2 =	vsub.s32 v9, v1  }
0x11a: {  	v18 =	vand.u32 $0x7F, v9;
	v8 =	vld [tilespmem:s13+$0x8530];
	v21 =	vand.u32 $0xFFFFFF80, v2  }
0x11b: {  	v24 =	vor.u32 v18, v21;
	v25 =	vld.idx.msk [tilespmem:v15+s3+$0x0], $0xffff  }
0x11c: {  	v20 =	vld [tilespmem:s11+$0x8A20];
	vm1 =	veq.s32 v5, v12;
	vm0 =	veq.s32 v7, v13;
	vm3 =	veq.s32 v3, v22  }
0x11d: {  	vm2 =	veq.s32 v9, v16;
	v16 =	vsub.s32 v26, v1;
	v13 =	vsub.s32 v28, v1;
	v21 =	vld [tilespmem:s13+$0x8520]  }
0x11e: {  	v27 =	vand.u32 $0x7F, v28;
	v15 =	vimm.s32 $0x0;
	v9 =	vld.idx.msk [tilespmem:v23+s3+$0x0], $0xffff;
	v17 =	vadd.f32 v17, v19  }
0x11f: {  	v32 =	vld [tilespmem:s13+$0x8501];
	v18 =	vimm.f32 $-3.000000010e+38;
	v3 =	vsub.s32 v8, v1;
	v19 =	vand.u32 $0x7F, v8  }
0x120: {  	v7 =	vsel vm3, $0xFF61B1E6, v17;
	v22 =	vadd.f32 v25, v11;
	v23 =	vld.idx.msk [tilespmem:v24+s3+$0x0], $0xffff;
	v17 =	vand.u32 $0xFFFFFF80, v3  }
0x121: {  	v34 =	vld [tilespmem:s13+$0x8511];
	v24 =	vand.u32 $0xFFFFFF80, v13;
	v25 =	vand.u32 $0x7F, v26;
	vm3 =	vgt.f32 v7, v18  }
0x122: {  	v30 =	vld [tilespmem:s13+$0x8521];
	v31 =	vand.u32 $0x7F, v21;
	v5 =	vsel vm3, v10, v15;
	v10 =	vor.u32 v19, v17  }
0x123: {  	v12 =	vld [tilespmem:s13+$0x8A00];
	v19 =	vand.u32 $0xFFFFFF80, v16;
	v17 =	vsub.s32 v21, v1;
	v9 =	vadd.f32 v9, v14  }
0x124: {  	v11 =	vld [tilespmem:s13+$0x8A10];
	v29 =	vand.u32 $0xFFFFFF80, v17;
	v33 =	vor.u32 v25, v19;
	v25 =	vor.u32 v27, v24  }
0x125: {  	v19 =	vld [tilespmem:s13+$0x8A20];
	v24 =	vor.u32 v31, v29;
	v14 =	vadd.f32 v23, v20;
	v20 =	vsel vm1, $0xFF61B1E6, v22  }
0x126: {  	v29 =	vld [tilespmem:s13+$0x8A30];
	v22 =	vsel vm0, $0xFF61B1E6, v9;
	vm0 =	veq.s32 v26, v32;
	vm1 =	veq.s32 v28, v34  }
0x127: {  	v23 =	vimm.s32 $0x0;
	vm4 =	vgt.f32 v20, v18;
	vm3 =	vgt.f32 v22, v18;
	v27 =	vld.idx.msk [tilespmem:v10+s3+$0x0], $0xffff  }
0x128: {  	v26 =	vld [tilespmem:s13+$0x8531];
	v10 =	vmax.f32 v18, v20;
	v31 =	vsel vm2, $0xFF61B1E6, v14;
	v14 =	vmax.f32 v18, v22  }
0x129: {  	s8 =	simm.s32 $0x80;
	s29 =	simm.s32 $0x300;
	v20 =	vimm.s32 $0x0;
	v22 =	vimm.f32 $-3.000000010e+38;
	v9 =	vmax.f32 v18, v31;
	v28 =	vld.idx.msk [tilespmem:v33+s3+$0x0], $0xffff  }
.LBB2_4:
0x12a: {  	p0 =	sne.s32 s29, $0x700;
	v32 =	vld [tilespmem:s8+$0x8530];
	vm2 =	veq.s32 v21, v30;
	v15 =	vsel vm4, v4, v15;
	vm4 =	vgt.f32 v31, v18;
	v4 =	vmovc v16  }
0x12b: {  	v23 =	vsel vm3, v6, v23;
	v6 =	vmovc v13;
	v34 =	vmovc v10;
	v33 =	vld [tilespmem:s8+$0x8500];
	v20 =	vsel vm4, v2, v20;
	v2 =	vmov v17  }
0x12c: {  	v36 =	vmov v14;
	v18 =	vmov v9;
	v35 =	vld [tilespmem:s8+$0x8510];
	v13 =	vadd.f32 v27, v29  }
0x12d: {  	v21 =	vld [tilespmem:s8+$0x8520];
	vm3 =	veq.s32 v8, v26  }
0x12e: {  	v22 =	vmax.f32 v22, v7;
	v26 =	vld.idx.msk [tilespmem:v25+s3+$0x0], $0xffff;
	v7 =	vsel vm3, $0xFF61B1E6, v13  }
0x12f: {  	v28 =	vadd.f32 v28, v12;
	v13 =	vsub.s32 v32, v1;
	v27 =	vld.idx.msk [tilespmem:v24+s3+$0x0], $0xffff;
	vm3 =	vgt.f32 v7, v22  }
0x130: {  	v24 =	vand.u32 $0x7F, v32;
	v8 =	vmovc v32;
	v12 =	vld [tilespmem:s8+$0x8A00];
	v17 =	vand.u32 $0xFFFFFF80, v13;
	v5 =	vsel vm3, v3, v5;
	v3 =	vmovc v13  }
0x131: {  	v16 =	vsub.s32 v33, v1;
	v29 =	vld [tilespmem:s8+$0x8A10];
	v13 =	vsub.s32 v35, v1;
	v31 =	vor.u32 v24, v17  }
0x132: {  	v24 =	vand.u32 $0xFFFFFF80, v16;
	v25 =	vand.u32 $0xFFFFFF80, v13;
	v32 =	vld [tilespmem:s8+$0x8A20];
	v17 =	vsub.s32 v21, v1  }
0x133: {  	v30 =	vand.u32 $0x7F, v33;
	v38 =	vand.u32 $0x7F, v35;
	v37 =	vld [tilespmem:s8+$0x8501];
	v39 =	vand.u32 $0xFFFFFF80, v17  }
0x134: {  	v40 =	vor.u32 v30, v24;
	v24 =	vand.u32 $0x7F, v21;
	v25 =	vor.u32 v38, v25;
	v41 =	vld [tilespmem:s8+$0x8511]  }
.Ltmp5:
0x135: {  	v26 =	vadd.f32 v26, v11;
	v24 =	vor.u32 v24, v39;
	v42 =	vadd.f32 v27, v19;
	v30 =	vld [tilespmem:s8+$0x8521];
	(pc) =	sbr.rel @p0 .LBB2_4-.Ltmp5, $4  }
0x136: {  	v38 =	vsel vm0, $0xFF61B1E6, v28;
	v27 =	vld.idx.msk [tilespmem:v31+s3+$0x0], $0xffff;
	v11 =	vmov v29  }
0x137: {  	v10 =	vmax.f32 v10, v38;
	v39 =	vsel vm1, $0xFF61B1E6, v26;
	v31 =	vsel vm2, $0xFF61B1E6, v42;
	v29 =	vld [tilespmem:s8+$0x8A30];
	v19 =	vmovc v32  }
0x138: {  	v14 =	vmax.f32 v14, v39;
	v9 =	vmax.f32 v9, v31;
	vm0 =	veq.s32 v33, v37;
	v26 =	vld [tilespmem:s8+$0x8531]  }
0x139: {  	vm4 =	vgt.f32 v38, v34;
	vm3 =	vgt.f32 v39, v36;
	s8 =	sshra.s32 s29, $0x2;
	s29 =	sadd.s32 $0x100, s29;
	v28 =	vld.idx.msk [tilespmem:v40+s3+$0x0], $0xffff;
	vm1 =	veq.s32 v35, v41  }
0x13a: {  	v32 =	vld [tilespmem:s8+$0x8530]  }
0x13b: {  	v33 =	vld [tilespmem:s8+$0x8500]  }
0x13c: {  	v34 =	vld [tilespmem:s8+$0x8510]  }
0x13d: {  	v35 =	vld [tilespmem:s8+$0x8520]  }
0x13e: {  	v25 =	vld.idx.msk [tilespmem:v25+s3+$0x0], $0xffff  }
0x13f: {  	v24 =	vld.idx.msk [tilespmem:v24+s3+$0x0], $0xffff  }
0x140: {  	vm2 =	veq.s32 v21, v30;
	v56 =	vld [tilespmem:s8+$0x8A00];
	v27 =	vadd.f32 v27, v29  }
0x141: {  	v58 =	vld [tilespmem:s8+$0x8A10];
	v21 =	vsub.s32 v32, v1;
	v36 =	vand.u32 $0x7F, v32;
	v29 =	vsub.s32 v33, v1  }
0x142: {  	v60 =	vld [tilespmem:s8+$0x8A20];
	v30 =	vsub.s32 v34, v1;
	v39 =	vand.u32 $0x7F, v33;
	v57 =	vand.u32 $0xFFFFFF80, v21  }
0x143: {  	v38 =	vld [tilespmem:s8+$0x8501];
	v1 =	vsub.s32 v35, v1;
	v61 =	vand.u32 $0xFFFFFF80, v29;
	v59 =	vor.u32 v36, v57  }
0x144: {  	v62 =	vld [tilespmem:s8+$0x8511];
	v40 =	vand.u32 $0x7F, v34;
	v37 =	vand.u32 $0xFFFFFF80, v30;
	v36 =	vor.u32 v39, v61  }
0x145: {  	v42 =	vld [tilespmem:s8+$0x8521];
	v63 =	vand.u32 $0x7F, v35;
	v41 =	vand.u32 $0xFFFFFF80, v1;
	v37 =	vor.u32 v40, v37  }
0x146: {  	v4 =	vsel vm4, v4, v15;
	vm8 =	vgt.f32 v31, v18;
	v49 =	vld [tilespmem:s8+$0x8531];
	v46 =	vor.u32 v63, v41  }
0x147: {  	v6 =	vsel vm3, v6, v23;
	v7 =	vmax.f32 v22, v7;
	v48 =	vld [tilespmem:s8+$0x8A30];
	vm9 =	veq.s32 v8, v26  }
0x148: {  	v2 =	vsel vm8, v2, v20;
	v45 =	vadd.f32 v28, v12;
	v47 =	vsel vm9, $0xFF61B1E6, v27;
	v23 =	vld.idx.msk [tilespmem:v59+s3+$0x0], $0xffff  }
0x149: {  	v11 =	vadd.f32 v25, v11;
	v19 =	vadd.f32 v24, v19;
	vm3 =	vgt.f32 v47, v7;
	v51 =	vld.idx.msk [tilespmem:v36+s3+$0x0], $0xffff  }
0x14a: {  	vm10 =	veq.s32 v33, v38;
	vm11 =	veq.s32 v34, v62;
	vm14 =	veq.s32 v35, v42;
	v52 =	vld.idx.msk [tilespmem:v37+s3+$0x0], $0xffff  }
0x14b: {  	vm15 =	veq.s32 v32, v49;
	v7 =	vmax.f32 v7, v47;
	v8 =	vsel vm0, $0xFF61B1E6, v45;
	v12 =	vld.idx.msk [tilespmem:v46+s3+$0x0], $0xffff  }
0x14c: {  	v3 =	vsel vm3, v3, v5;
	v50 =	vmax.f32 v10, v8;
	v11 =	vsel vm1, $0xFF61B1E6, v11  }
0x14d: {  	v19 =	vsel vm2, $0xFF61B1E6, v19;
	vm12 =	vgt.f32 v8, v10;
	v53 =	vmax.f32 v14, v11  }
0x14e: {  	v54 =	vmax.f32 v9, v19;
	vm13 =	vgt.f32 v11, v14;
	v4 =	vsel vm12, v16, v4  }
0x14f: {  	vm6 =	vgt.f32 v19, v9;
	v55 =	vadd.f32 v23, v48;
	v56 =	vadd.f32 v51, v56  }
0x150: {  	v6 =	vsel vm13, v13, v6;
	v57 =	vadd.f32 v52, v58;
	v58 =	vadd.f32 v12, v60  }
0x151: {  	v2 =	vsel vm6, v17, v2;
	v8 =	vsel vm15, $0xFF61B1E6, v55;
	v9 =	vsel vm10, $0xFF61B1E6, v56  }
0x152: {  	v10 =	vsel vm11, $0xFF61B1E6, v57;
	v11 =	vsel vm14, $0xFF61B1E6, v58;
	vm2 =	vgt.f32 v8, v7  }
0x153: {  	v59 =	vmax.f32 v50, v9;
	v60 =	vmax.f32 v53, v10;
	v61 =	vmax.f32 v54, v11  }
0x154: {  	vm0 =	vgt.f32 v9, v50;
	vm1 =	vgt.f32 v10, v53;
	vm7 =	vgt.f32 v11, v54  }
0x155: {  	v3 =	vsel vm2, v21, v3;
	v4 =	vsel vm0, v29, v4;
	v62 =	vsel vm1, v30, v6  }
0x156: {  	v1 =	vsel vm7, v1, v2;
	v2 =	vmax.f32 v7, v8;
	vm8 =	vgt.f32 v59, v60  }
0x157: {  	vm9 =	vgt.f32 v60, v59;
	vm10 =	vlt.s32 v4, v62;
	vm11 =	vlt.s32 v1, v3  }
0x158: {  	vm12 =	vgt.f32 v2, v61;
	v6 =	vsel vm10, v4, v62;
	v63 =	vsel vm11, v1, v3  }
0x159: {  	vm13 =	vgt.f32 v61, v2;
	v5 =	vsel vm9, v62, v6;
	v3 =	vsel vm12, v3, v63  }
.Ltmp6:
0x15a: {  	v4 =	vsel vm8, v4, v5;
	v1 =	vsel vm13, v1, v3;
	(pc) =	sbr.rel .LBB2_9-.Ltmp6, $4  }
0x15b: {  	v2 =	vmax.f32 v61, v2;
	v3 =	vmax.f32 v59, v60;
	vm0 =	vlt.s32 v4, v1  }
0x15c: {  	vm14 =	vgt.f32 v2, v3;
	v5 =	vsel vm0, v4, v1  }
0x15d: {  	vm15 =	vgt.f32 v3, v2;
	v5 =	vsel vm14, v1, v5  }
0x15e: {  	v1 =	vmax.f32 v3, v2;
	v2 =	vsel vm15, v4, v5  }
.LBB2_6:
0x15f: {  	_ =	swait.ge [sflag:s25], $0x200  }
0x160: {  	[sflag:s25] =	ssyncset.done $0x0  }
0x161: {  	[sflag:s25] =	ssyncadd.s32 $0xFFFFFE00  }
0x162: {  	_ =	swait.ge [sflag:s25], $0x200  }
0x163: {  	[sflag:s25] =	ssyncset.done $0x0  }
0x164: {  	[sflag:s25] =	ssyncadd.s32 $0xFFFFFE00  }
0x165: {  	p0 =	seq.s32 s28, $0x3F;
	_ =	swait.ge [sflag:s25], $0x200  }
0x166: {  	s8 =	sadd.s32 @!p0 $0x1, s29;
	s11 =	simm.s32 @!p0 $0x80;
	[sflag:s25] =	ssyncset.done $0x0  }
0x167: {  	s9 =	sshll.u32 @!p0 s8, $0x6;
	s8 =	sshll.u32 @!p0 s8, $0x4;
	[sflag:s25] =	ssyncadd.s32 $0xFFFFFE00  }
0x168: {  	s10 =	sand.u32 @!p0 $0xFFFFE00, s9;
	s8 =	sand.u32 @!p0 $0x60, s8;
	_ =	swait.ge [sflag:s25], $0x200  }
0x169: {  	s12 =	simm.s32 @!p0 $0x400;
	s8 =	sor.u32 @!p0 s8, s10;
	[sflag:s25] =	ssyncset.done $0x0  }
0x16a: {  	s13 =	simm.s32 @!p0 $0x7D00;
	s10 =	sadd.s32 @!p0 s1, s8;
	[sflag:s25] =	ssyncadd.s32 $0xFFFFFE00  }
0x16b: {  	[tilespmem:s13], [sflag:$0x1] =	stream.strided.gather @!p0 [hbm4b:s10+s11], $0x200, s12, s11, $0x38;
	[tilespmem:$0x8F80] =	vst v63  }
0x16c: {  	s8 =	sadd.s32 @!p0 s6, s8;
	s10 =	simm.s32 @!p0 $0x8100  }
0x16d: {  	[tilespmem:s10], [sflag:$0x1] =	stream.strided.gather @!p0 [hbm4b:s8+s11], $0x200, s12, s11, $0x38;
	[tilespmem:$0x8F80] =	vst v63  }
0x16e: {  	s8 =	sand.u32 @!p0 $0x1FFFFF80, s9  }
0x16f: {  	s10 =	simm.s32 @!p0 $0x0;
	s11 =	simm.s32 @!p0 $0x8500;
	s9 =	sadd.s32 @!p0 s4, s8  }
0x170: {  	[tilespmem:s11], [sflag:$0x1] =	stream.linear.gather @!p0 [hbm4b:s9+s10], $0x200, $0x38;
	[tilespmem:$0x8F80] =	vst v63  }
0x171: {  	s8 =	sadd.s32 @!p0 s5, s8;
	s9 =	simm.s32 @!p0 $0x8A00  }
0x172: {  	[tilespmem:s9], [sflag:$0x1] =	stream.linear.gather @!p0 [hbm4b:s8+s10], $0x200, $0x38;
	[tilespmem:$0x8F80] =	vst v63  }
0x173: {  	v1 =	vld [tilespmem:$0x7F00];
	_ =	sdelay $0x4  }
0x174: {  	vm0 =	vlt.s32 v1, $0x7D00  }
0x175: {  	v2 =	vld [tilespmem:$0x8300];
	v1 =	vnsel vm0, $0x0, v1;
	_ =	sdelay $0x3  }
0x176: {  	s10 =	simm.s32 $0x0  }
0x177: {  	[tilespmem:v1+s10+$0x0] =	vst.idx.msk $0xffff, v2  }
0x178: {  	v1 =	vld [tilespmem:$0x7F10];
	_ =	sdelay $0x4  }
0x179: {  	vm0 =	vlt.s32 v1, $0x7D00  }
0x17a: {  	v2 =	vld [tilespmem:$0x8310];
	v1 =	vnsel vm0, $0x0, v1;
	_ =	sdelay $0x4  }
0x17b: {  	[tilespmem:v1+s10+$0x0] =	vst.idx.msk $0xffff, v2  }
0x17c: {  	v1 =	vld [tilespmem:$0x7F20];
	_ =	sdelay $0x4  }
0x17d: {  	vm0 =	vlt.s32 v1, $0x7D00  }
0x17e: {  	v2 =	vld [tilespmem:$0x8320];
	v1 =	vnsel vm0, $0x0, v1;
	_ =	sdelay $0x4  }
0x17f: {  	[tilespmem:v1+s10+$0x0] =	vst.idx.msk $0xffff, v2  }
0x180: {  	v1 =	vld [tilespmem:$0x7F30];
	_ =	sdelay $0x4  }
0x181: {  	vm0 =	vlt.s32 v1, $0x7D00  }
0x182: {  	v2 =	vld [tilespmem:$0x8330];
	v1 =	vnsel vm0, $0x0, v1;
	_ =	sdelay $0x4  }
0x183: {  	[tilespmem:v1+s10+$0x0] =	vst.idx.msk $0xffff, v2  }
0x184: {  	v1 =	vld [tilespmem:$0x7F40];
	_ =	sdelay $0x4  }
0x185: {  	vm0 =	vlt.s32 v1, $0x7D00  }
0x186: {  	v2 =	vld [tilespmem:$0x8340];
	v1 =	vnsel vm0, $0x0, v1;
	_ =	sdelay $0x4  }
0x187: {  	[tilespmem:v1+s10+$0x0] =	vst.idx.msk $0xffff, v2  }
0x188: {  	v1 =	vld [tilespmem:$0x7F50];
	_ =	sdelay $0x4  }
0x189: {  	vm0 =	vlt.s32 v1, $0x7D00  }
0x18a: {  	v2 =	vld [tilespmem:$0x8350];
	v1 =	vnsel vm0, $0x0, v1;
	_ =	sdelay $0x4  }
0x18b: {  	[tilespmem:v1+s10+$0x0] =	vst.idx.msk $0xffff, v2  }
0x18c: {  	v1 =	vld [tilespmem:$0x7F60];
	_ =	sdelay $0x4  }
0x18d: {  	vm0 =	vlt.s32 v1, $0x7D00  }
0x18e: {  	v2 =	vld [tilespmem:$0x8360];
	v1 =	vnsel vm0, $0x0, v1;
	_ =	sdelay $0x4  }
0x18f: {  	[tilespmem:v1+s10+$0x0] =	vst.idx.msk $0xffff, v2  }
0x190: {  	v1 =	vld [tilespmem:$0x7F70];
	_ =	sdelay $0x4  }
0x191: {  	vm0 =	vlt.s32 v1, $0x7D00  }
0x192: {  	v2 =	vld [tilespmem:$0x8370];
	v1 =	vnsel vm0, $0x0, v1;
	_ =	sdelay $0x4  }
0x193: {  	[tilespmem:v1+s10+$0x0] =	vst.idx.msk $0xffff, v2  }
0x194: {  	v1 =	vld [tilespmem:$0x7F80];
	_ =	sdelay $0x4  }
0x195: {  	vm0 =	vlt.s32 v1, $0x7D00  }
0x196: {  	v2 =	vld [tilespmem:$0x8380];
	v1 =	vnsel vm0, $0x0, v1;
	_ =	sdelay $0x4  }
0x197: {  	[tilespmem:v1+s10+$0x0] =	vst.idx.msk $0xffff, v2  }
0x198: {  	v1 =	vld [tilespmem:$0x7F90];
	_ =	sdelay $0x4  }
0x199: {  	vm0 =	vlt.s32 v1, $0x7D00  }
0x19a: {  	v2 =	vld [tilespmem:$0x8390];
	v1 =	vnsel vm0, $0x0, v1;
	_ =	sdelay $0x4  }
0x19b: {  	[tilespmem:v1+s10+$0x0] =	vst.idx.msk $0xffff, v2  }
0x19c: {  	v1 =	vld [tilespmem:$0x7FA0];
	_ =	sdelay $0x4  }
0x19d: {  	vm0 =	vlt.s32 v1, $0x7D00  }
0x19e: {  	v2 =	vld [tilespmem:$0x83A0];
	v1 =	vnsel vm0, $0x0, v1;
	_ =	sdelay $0x4  }
0x19f: {  	[tilespmem:v1+s10+$0x0] =	vst.idx.msk $0xffff, v2  }
0x1a0: {  	v1 =	vld [tilespmem:$0x7FB0];
	_ =	sdelay $0x4  }
0x1a1: {  	vm0 =	vlt.s32 v1, $0x7D00  }
0x1a2: {  	v2 =	vld [tilespmem:$0x83B0];
	v1 =	vnsel vm0, $0x0, v1;
	_ =	sdelay $0x4  }
0x1a3: {  	[tilespmem:v1+s10+$0x0] =	vst.idx.msk $0xffff, v2  }
0x1a4: {  	v1 =	vld [tilespmem:$0x7FC0];
	_ =	sdelay $0x4  }
0x1a5: {  	vm0 =	vlt.s32 v1, $0x7D00  }
0x1a6: {  	v2 =	vld [tilespmem:$0x83C0];
	v1 =	vnsel vm0, $0x0, v1;
	_ =	sdelay $0x4  }
0x1a7: {  	[tilespmem:v1+s10+$0x0] =	vst.idx.msk $0xffff, v2  }
0x1a8: {  	v1 =	vld [tilespmem:$0x7FD0];
	_ =	sdelay $0x4  }
0x1a9: {  	vm0 =	vlt.s32 v1, $0x7D00  }
0x1aa: {  	v2 =	vld [tilespmem:$0x83D0];
	v1 =	vnsel vm0, $0x0, v1;
	_ =	sdelay $0x4  }
0x1ab: {  	[tilespmem:v1+s10+$0x0] =	vst.idx.msk $0xffff, v2  }
0x1ac: {  	v1 =	vld [tilespmem:$0x7FE0];
	_ =	sdelay $0x4  }
0x1ad: {  	vm0 =	vlt.s32 v1, $0x7D00  }
0x1ae: {  	v2 =	vld [tilespmem:$0x83E0];
	v1 =	vnsel vm0, $0x0, v1;
	_ =	sdelay $0x4  }
0x1af: {  	[tilespmem:v1+s10+$0x0] =	vst.idx.msk $0xffff, v2  }
0x1b0: {  	v1 =	vld [tilespmem:$0x7FF0];
	_ =	sdelay $0x4  }
0x1b1: {  	vm0 =	vlt.s32 v1, $0x7D00  }
0x1b2: {  	v2 =	vld [tilespmem:$0x83F0];
	v1 =	vnsel vm0, $0x0, v1;
	_ =	sdelay $0x4  }
0x1b3: {  	[tilespmem:v1+s10+$0x0] =	vst.idx.msk $0xffff, v2  }
0x1b4: {  	v1 =	vld [tilespmem:$0x8000];
	_ =	sdelay $0x4  }
0x1b5: {  	vm0 =	vlt.s32 v1, $0x7D00  }
0x1b6: {  	v2 =	vld [tilespmem:$0x8400];
	v1 =	vnsel vm0, $0x0, v1;
	_ =	sdelay $0x4  }
0x1b7: {  	[tilespmem:v1+s10+$0x0] =	vst.idx.msk $0xffff, v2  }
0x1b8: {  	v1 =	vld [tilespmem:$0x8010];
	_ =	sdelay $0x4  }
0x1b9: {  	vm0 =	vlt.s32 v1, $0x7D00  }
0x1ba: {  	v2 =	vld [tilespmem:$0x8410];
	v1 =	vnsel vm0, $0x0, v1;
	_ =	sdelay $0x4  }
0x1bb: {  	[tilespmem:v1+s10+$0x0] =	vst.idx.msk $0xffff, v2  }
0x1bc: {  	v1 =	vld [tilespmem:$0x8020];
	_ =	sdelay $0x4  }
0x1bd: {  	vm0 =	vlt.s32 v1, $0x7D00  }
0x1be: {  	v2 =	vld [tilespmem:$0x8420];
	v1 =	vnsel vm0, $0x0, v1;
	_ =	sdelay $0x4  }
0x1bf: {  	[tilespmem:v1+s10+$0x0] =	vst.idx.msk $0xffff, v2  }
0x1c0: {  	v1 =	vld [tilespmem:$0x8030];
	_ =	sdelay $0x4  }
0x1c1: {  	vm0 =	vlt.s32 v1, $0x7D00  }
0x1c2: {  	v2 =	vld [tilespmem:$0x8430];
	v1 =	vnsel vm0, $0x0, v1;
	_ =	sdelay $0x4  }
0x1c3: {  	[tilespmem:v1+s10+$0x0] =	vst.idx.msk $0xffff, v2  }
0x1c4: {  	v1 =	vld [tilespmem:$0x8040];
	_ =	sdelay $0x4  }
0x1c5: {  	vm0 =	vlt.s32 v1, $0x7D00  }
0x1c6: {  	v2 =	vld [tilespmem:$0x8440];
	v1 =	vnsel vm0, $0x0, v1;
	_ =	sdelay $0x4  }
0x1c7: {  	[tilespmem:v1+s10+$0x0] =	vst.idx.msk $0xffff, v2  }
0x1c8: {  	v1 =	vld [tilespmem:$0x8050];
	_ =	sdelay $0x4  }
0x1c9: {  	vm0 =	vlt.s32 v1, $0x7D00  }
0x1ca: {  	v2 =	vld [tilespmem:$0x8450];
	v1 =	vnsel vm0, $0x0, v1;
	_ =	sdelay $0x4  }
0x1cb: {  	[tilespmem:v1+s10+$0x0] =	vst.idx.msk $0xffff, v2  }
0x1cc: {  	v1 =	vld [tilespmem:$0x8060];
	_ =	sdelay $0x4  }
0x1cd: {  	vm0 =	vlt.s32 v1, $0x7D00  }
0x1ce: {  	v2 =	vld [tilespmem:$0x8460];
	v1 =	vnsel vm0, $0x0, v1;
	_ =	sdelay $0x4  }
0x1cf: {  	[tilespmem:v1+s10+$0x0] =	vst.idx.msk $0xffff, v2  }
0x1d0: {  	v1 =	vld [tilespmem:$0x8070];
	_ =	sdelay $0x4  }
0x1d1: {  	vm0 =	vlt.s32 v1, $0x7D00  }
0x1d2: {  	v2 =	vld [tilespmem:$0x8470];
	v1 =	vnsel vm0, $0x0, v1;
	_ =	sdelay $0x4  }
0x1d3: {  	[tilespmem:v1+s10+$0x0] =	vst.idx.msk $0xffff, v2  }
0x1d4: {  	v1 =	vld [tilespmem:$0x8080];
	_ =	sdelay $0x4  }
0x1d5: {  	vm0 =	vlt.s32 v1, $0x7D00  }
0x1d6: {  	v2 =	vld [tilespmem:$0x8480];
	v1 =	vnsel vm0, $0x0, v1;
	_ =	sdelay $0x4  }
0x1d7: {  	[tilespmem:v1+s10+$0x0] =	vst.idx.msk $0xffff, v2  }
0x1d8: {  	v1 =	vld [tilespmem:$0x8090];
	_ =	sdelay $0x4  }
0x1d9: {  	vm0 =	vlt.s32 v1, $0x7D00  }
0x1da: {  	v2 =	vld [tilespmem:$0x8490];
	v1 =	vnsel vm0, $0x0, v1;
	_ =	sdelay $0x4  }
0x1db: {  	[tilespmem:v1+s10+$0x0] =	vst.idx.msk $0xffff, v2  }
0x1dc: {  	v1 =	vld [tilespmem:$0x80A0];
	_ =	sdelay $0x4  }
0x1dd: {  	vm0 =	vlt.s32 v1, $0x7D00  }
0x1de: {  	v2 =	vld [tilespmem:$0x84A0];
	v1 =	vnsel vm0, $0x0, v1;
	_ =	sdelay $0x4  }
0x1df: {  	[tilespmem:v1+s10+$0x0] =	vst.idx.msk $0xffff, v2  }
0x1e0: {  	v1 =	vld [tilespmem:$0x80B0];
	_ =	sdelay $0x4  }
0x1e1: {  	vm0 =	vlt.s32 v1, $0x7D00  }
0x1e2: {  	v2 =	vld [tilespmem:$0x84B0];
	v1 =	vnsel vm0, $0x0, v1;
	_ =	sdelay $0x4  }
0x1e3: {  	[tilespmem:v1+s10+$0x0] =	vst.idx.msk $0xffff, v2  }
0x1e4: {  	v1 =	vld [tilespmem:$0x80C0];
	_ =	sdelay $0x4  }
0x1e5: {  	vm0 =	vlt.s32 v1, $0x7D00  }
0x1e6: {  	v2 =	vld [tilespmem:$0x84C0];
	v1 =	vnsel vm0, $0x0, v1;
	_ =	sdelay $0x4  }
0x1e7: {  	[tilespmem:v1+s10+$0x0] =	vst.idx.msk $0xffff, v2  }
0x1e8: {  	v1 =	vld [tilespmem:$0x80D0];
	_ =	sdelay $0x4  }
0x1e9: {  	vm0 =	vlt.s32 v1, $0x7D00  }
0x1ea: {  	v2 =	vld [tilespmem:$0x84D0];
	v1 =	vnsel vm0, $0x0, v1;
	_ =	sdelay $0x4  }
0x1eb: {  	[tilespmem:v1+s10+$0x0] =	vst.idx.msk $0xffff, v2  }
0x1ec: {  	v1 =	vld [tilespmem:$0x80E0];
	_ =	sdelay $0x4  }
0x1ed: {  	vm0 =	vlt.s32 v1, $0x7D00  }
0x1ee: {  	v2 =	vld [tilespmem:$0x84E0];
	v1 =	vnsel vm0, $0x0, v1;
	_ =	sdelay $0x4  }
0x1ef: {  	[tilespmem:v1+s10+$0x0] =	vst.idx.msk $0xffff, v2  }
0x1f0: {  	v1 =	vld [tilespmem:$0x80F0];
	_ =	sdelay $0x4  }
0x1f1: {  	vm0 =	vlt.s32 v1, $0x7D00  }
0x1f2: {  	v2 =	vld [tilespmem:$0x84F0];
	v1 =	vnsel vm0, $0x0, v1;
	_ =	sdelay $0x4  }
0x1f3: {  	s11 =	simm.s32 $0x0;
	[tilespmem:v1+s10+$0x0] =	vst.idx.msk $0xffff, v2  }
0x1f4: {  	v3 =	vld [tilespmem:s11+$0x87B0]  }
0x1f5: {  	v5 =	vld [tilespmem:s11+$0x8780]  }
0x1f6: {  	v7 =	vld [tilespmem:s11+$0x8790]  }
0x1f7: {  	s12 =	smul.u32 $0x7D00, s29;
	v9 =	vld [tilespmem:s11+$0x87A0]  }
0x1f8: {  	v11 =	vld [tilespmem:s11+$0x8C00]  }
0x1f9: {  	v1 =	vmov s12;
	v14 =	vld [tilespmem:s11+$0x8C10]  }
0x1fa: {  	v12 =	vld [tilespmem:s11+$0x8781];
	v10 =	vsub.s32 v3, v1  }
0x1fb: {  	v13 =	vld [tilespmem:s11+$0x8791];
	v4 =	vand.u32 $0x7F, v3;
	v2 =	vand.u32 $0xFFFFFF80, v10  }
0x1fc: {  	v16 =	vld [tilespmem:s11+$0x87A1];
	v2 =	vor.u32 v4, v2;
	v4 =	vsub.s32 v5, v1  }
0x1fd: {  	v19 =	vld [tilespmem:s11+$0x8C30];
	v8 =	vand.u32 $0x7F, v5;
	v6 =	vand.u32 $0xFFFFFF80, v4  }
0x1fe: {  	s13 =	simm.s32 $0x40;
	v22 =	vld [tilespmem:s11+$0x87B1];
	v15 =	vor.u32 v8, v6  }
0x1ff: {  	v26 =	vld [tilespmem:s13+$0x8780];
	v6 =	vsub.s32 v7, v1  }
0x200: {  	v28 =	vld [tilespmem:s13+$0x8790];
	v18 =	vand.u32 $0x7F, v7;
	v8 =	vand.u32 $0xFFFFFF80, v6  }
0x201: {  	v23 =	vor.u32 v18, v8;
	v17 =	vld.idx.msk [tilespmem:v2+s3+$0x0], $0xffff;
	v2 =	vsub.s32 v9, v1  }
0x202: {  	v18 =	vand.u32 $0x7F, v9;
	v8 =	vld [tilespmem:s13+$0x87B0];
	v21 =	vand.u32 $0xFFFFFF80, v2  }
0x203: {  	v24 =	vor.u32 v18, v21;
	v25 =	vld.idx.msk [tilespmem:v15+s3+$0x0], $0xffff  }
0x204: {  	v20 =	vld [tilespmem:s11+$0x8C20];
	vm1 =	veq.s32 v5, v12;
	vm0 =	veq.s32 v7, v13;
	vm3 =	veq.s32 v3, v22  }
0x205: {  	vm2 =	veq.s32 v9, v16;
	v16 =	vsub.s32 v26, v1;
	v13 =	vsub.s32 v28, v1;
	v21 =	vld [tilespmem:s13+$0x87A0]  }
0x206: {  	v27 =	vand.u32 $0x7F, v28;
	v15 =	vimm.s32 $0x0;
	v9 =	vld.idx.msk [tilespmem:v23+s3+$0x0], $0xffff;
	v17 =	vadd.f32 v17, v19  }
0x207: {  	v32 =	vld [tilespmem:s13+$0x8781];
	v18 =	vimm.f32 $-3.000000010e+38;
	v3 =	vsub.s32 v8, v1;
	v19 =	vand.u32 $0x7F, v8  }
0x208: {  	v7 =	vsel vm3, $0xFF61B1E6, v17;
	v22 =	vadd.f32 v25, v11;
	v23 =	vld.idx.msk [tilespmem:v24+s3+$0x0], $0xffff;
	v17 =	vand.u32 $0xFFFFFF80, v3  }
0x209: {  	v34 =	vld [tilespmem:s13+$0x8791];
	v24 =	vand.u32 $0xFFFFFF80, v13;
	v25 =	vand.u32 $0x7F, v26;
	vm3 =	vgt.f32 v7, v18  }
0x20a: {  	v30 =	vld [tilespmem:s13+$0x87A1];
	v31 =	vand.u32 $0x7F, v21;
	v5 =	vsel vm3, v10, v15;
	v10 =	vor.u32 v19, v17  }
0x20b: {  	v12 =	vld [tilespmem:s13+$0x8C00];
	v19 =	vand.u32 $0xFFFFFF80, v16;
	v17 =	vsub.s32 v21, v1;
	v9 =	vadd.f32 v9, v14  }
0x20c: {  	v11 =	vld [tilespmem:s13+$0x8C10];
	v29 =	vand.u32 $0xFFFFFF80, v17;
	v33 =	vor.u32 v25, v19;
	v25 =	vor.u32 v27, v24  }
0x20d: {  	v19 =	vld [tilespmem:s13+$0x8C20];
	v24 =	vor.u32 v31, v29;
	v14 =	vadd.f32 v23, v20;
	v20 =	vsel vm1, $0xFF61B1E6, v22  }
0x20e: {  	v29 =	vld [tilespmem:s13+$0x8C30];
	v22 =	vsel vm0, $0xFF61B1E6, v9;
	vm0 =	veq.s32 v26, v32;
	vm1 =	veq.s32 v28, v34  }
0x20f: {  	v23 =	vimm.s32 $0x0;
	vm4 =	vgt.f32 v20, v18;
	vm3 =	vgt.f32 v22, v18;
	v27 =	vld.idx.msk [tilespmem:v10+s3+$0x0], $0xffff  }
0x210: {  	v26 =	vld [tilespmem:s13+$0x87B1];
	v10 =	vmax.f32 v18, v20;
	v31 =	vsel vm2, $0xFF61B1E6, v14;
	v14 =	vmax.f32 v18, v22  }
0x211: {  	s29 =	simm.s32 $0x300;
	s8 =	simm.s32 $0x80;
	v20 =	vimm.s32 $0x0;
	v22 =	vimm.f32 $-3.000000010e+38;
	v9 =	vmax.f32 v18, v31;
	v28 =	vld.idx.msk [tilespmem:v33+s3+$0x0], $0xffff  }
.LBB2_7:
0x212: {  	p0 =	sne.s32 s29, $0x700;
	v32 =	vld [tilespmem:s8+$0x87B0];
	vm2 =	veq.s32 v21, v30;
	v15 =	vsel vm4, v4, v15;
	vm4 =	vgt.f32 v31, v18;
	v4 =	vmovc v16  }
0x213: {  	v23 =	vsel vm3, v6, v23;
	v6 =	vmovc v13;
	v34 =	vmovc v10;
	v33 =	vld [tilespmem:s8+$0x8780];
	v20 =	vsel vm4, v2, v20;
	v2 =	vmov v17  }
0x214: {  	v13 =	vadd.f32 v27, v29;
	v36 =	vmov v14;
	v18 =	vmov v9;
	v35 =	vld [tilespmem:s8+$0x8790]  }
0x215: {  	vm3 =	veq.s32 v8, v26;
	v21 =	vld [tilespmem:s8+$0x87A0]  }
0x216: {  	v22 =	vmax.f32 v22, v7;
	v7 =	vsel vm3, $0xFF61B1E6, v13;
	v26 =	vld.idx.msk [tilespmem:v25+s3+$0x0], $0xffff  }
0x217: {  	v28 =	vadd.f32 v28, v12;
	vm3 =	vgt.f32 v7, v22;
	v13 =	vsub.s32 v32, v1;
	v27 =	vld.idx.msk [tilespmem:v24+s3+$0x0], $0xffff  }
0x218: {  	v5 =	vsel vm3, v3, v5;
	v24 =	vand.u32 $0x7F, v32;
	v8 =	vmovc v32;
	v12 =	vld [tilespmem:s8+$0x8C00];
	v17 =	vand.u32 $0xFFFFFF80, v13;
	v3 =	vmovc v13  }
0x219: {  	v16 =	vsub.s32 v33, v1;
	v29 =	vld [tilespmem:s8+$0x8C10];
	v13 =	vsub.s32 v35, v1;
	v31 =	vor.u32 v24, v17  }
0x21a: {  	v24 =	vand.u32 $0xFFFFFF80, v16;
	v25 =	vand.u32 $0xFFFFFF80, v13;
	v32 =	vld [tilespmem:s8+$0x8C20];
	v17 =	vsub.s32 v21, v1  }
0x21b: {  	v30 =	vand.u32 $0x7F, v33;
	v38 =	vand.u32 $0x7F, v35;
	v37 =	vld [tilespmem:s8+$0x8781];
	v39 =	vand.u32 $0xFFFFFF80, v17  }
0x21c: {  	v40 =	vor.u32 v30, v24;
	v24 =	vand.u32 $0x7F, v21;
	v25 =	vor.u32 v38, v25;
	v41 =	vld [tilespmem:s8+$0x8791]  }
.Ltmp7:
0x21d: {  	v26 =	vadd.f32 v26, v11;
	v24 =	vor.u32 v24, v39;
	v42 =	vadd.f32 v27, v19;
	v30 =	vld [tilespmem:s8+$0x87A1];
	(pc) =	sbr.rel @p0 .LBB2_7-.Ltmp7, $4  }
0x21e: {  	v38 =	vsel vm0, $0xFF61B1E6, v28;
	v27 =	vld.idx.msk [tilespmem:v31+s3+$0x0], $0xffff;
	v11 =	vmov v29  }
0x21f: {  	v10 =	vmax.f32 v10, v38;
	v39 =	vsel vm1, $0xFF61B1E6, v26;
	v31 =	vsel vm2, $0xFF61B1E6, v42;
	v29 =	vld [tilespmem:s8+$0x8C30];
	v19 =	vmovc v32  }
0x220: {  	v14 =	vmax.f32 v14, v39;
	v9 =	vmax.f32 v9, v31;
	vm0 =	veq.s32 v33, v37;
	v26 =	vld [tilespmem:s8+$0x87B1]  }
0x221: {  	vm4 =	vgt.f32 v38, v34;
	vm3 =	vgt.f32 v39, v36;
	s8 =	sshra.s32 s29, $0x2;
	s29 =	sadd.s32 $0x100, s29;
	v28 =	vld.idx.msk [tilespmem:v40+s3+$0x0], $0xffff;
	vm1 =	veq.s32 v35, v41  }
.Ltmp8:
0x222: {  	_ = 	snop;
	(pc) =	sbr.rel .LBB2_8-.Ltmp8, $1  }
0x223: {  	_ =	sdelay $0x3  }
.LBB2_11:
0x224: {  	_ =	sfence.sel $0x180000  }
0x225: {  	[bflag:$0x0] =	sbarrier.arrive $0xFFFF  }
0x226: {  	_ =	strace $0x9000004A  }
0x227: {  	s0 =	stileid.u32;
	[bflag:$0x2] =	sbarrier.arrive $0xFFFF  }
0x228: {  	p0 =	sne.s32 s0, $0x0;
	s0 =	rddreg [dreg:$0x3]  }
0x229: {  	s0 =	sadd.s32 @!p0 $0x100000, s0  }
0x22a: {  	[sflag:s0] =	ssyncadd.tile.s32 @!p0 $0x1;
	_ =	shalt  }
.Lfunc_end2:
_tile_overlayer_lowered:
.L_overlay_start_2:
0x22b: {  	(tag) =	ssettag $0x2  }
0x22c: {  	s0 =	rddreg [dreg:$0x0];
	s2 =	stileid.u32  }
0x22d: {  	s1 =	rddreg [dreg:$0x1];
	p0 =	sne.s32 s2, $0x0  }
0x22e: {  	s3 =	rddreg [dreg:$0x2];
	[bflag:$0x3] =	sbarrier.arrive $0xFFFF;
	s2 =	simm.s32 @!p0 $0x1C03  }
0x22f: {  	[timem:s3], [sflag:s2] =	dma.local @!p0 [hbm:s0], s1  }
0x230: {  	s0 =	simm.s32 @!p0 $0x3  }
0x231: {  	_ =	swait.ge @!p0 [sflag:s0], s1  }
0x232: {  	s1 =	ssub.s32 @!p0 $0x0, s1;
	[sflag:s0] =	ssyncset.done @!p0 $0x0  }
0x233: {  	[sflag:s0] =	ssyncadd.s32 @!p0 s1  }
0x234: {  	[bflag:$0x3] =	sbarrier.arrive $0xFFFF  }
0x235: {  	_ =	shalt  }

</sc_bundles>
